<compile_context>
chip_gen: v7x
topology: tpu7x:2x2x1
jax: 0.10.2.dev20260603
libtpu: 0.0.44.dev20260713+nightly
codegen_flags: <defaults>
</compile_context>

<pallas_src>
import functools

import jax
import jax.numpy as jnp
from jax import lax
from jax.experimental import pallas as pl
from jax.experimental.pallas import tpu as pltpu
from jax.experimental.pallas import tpu_sc as plsc

_LANES = 16


def _build_sc_kernel(B, L, C, P, S, NC, NS):
    NW = NC * NS
    PW = P // NW
    CHUNK = 4
    NCH = PW // CHUNK
    WROWS = CHUNK * S
    CVECS = C // _LANES

    @functools.partial(
        pl.kernel,
        mesh=plsc.VectorSubcoreMesh(core_axis_name="c", subcore_axis_name="s"),
        compiler_params=pltpu.CompilerParams(needs_layout_passes=False),
        out_type=jax.ShapeDtypeStruct((B, P), jnp.float32),
        scratch_types=[
            pltpu.VMEM((NCH, WROWS), jnp.int32),
            pltpu.VMEM((2, CHUNK * S, C), jnp.float32),
            pltpu.VMEM((2, B * WROWS, C), jnp.float32),
            pltpu.VMEM((PW,), jnp.float32),
            pltpu.VMEM((B, PW), jnp.float32),
            pltpu.SemaphoreType.DMA,
            pltpu.SemaphoreType.DMA,
        ],
    )
    def run(gidx_h, w_h, bias_h, y_h, out_h,
            idx_v, w_buf, rows_buf, bias_v, out_v, sem_a, sem_b):
        cid = lax.axis_index("c")
        sid = lax.axis_index("s")
        wid = sid * NC + cid

        pltpu.sync_copy(gidx_h.at[pl.ds(wid * NCH, NCH)], idx_v)
        pltpu.sync_copy(bias_h.at[pl.ds(wid * PW, PW)], bias_v)

        sems = (sem_a, sem_b)

        def issue(ch, slot):
            for p in range(CHUNK):
                pltpu.async_copy(
                    w_h.at[(wid * NCH + ch) * CHUNK + p],
                    w_buf.at[slot].at[pl.ds(p * S, S)],
                    sems[slot])
            for b in range(B):
                pltpu.async_copy(
                    y_h.at[b].at[idx_v.at[ch]],
                    rows_buf.at[slot].at[pl.ds(b * WROWS, WROWS)],
                    sems[slot])

        def wait_chunk(ch, slot):
            for p in range(CHUNK):
                pltpu.make_async_copy(
                    w_h.at[(wid * NCH + ch) * CHUNK + p],
                    w_buf.at[slot].at[pl.ds(p * S, S)],
                    sems[slot]).wait()
            for b in range(B):
                pltpu.make_async_copy(
                    y_h.at[b].at[idx_v.at[ch]],
                    rows_buf.at[slot].at[pl.ds(b * WROWS, WROWS)],
                    sems[slot]).wait()

        iota16 = lax.iota(jnp.int32, _LANES)
        zeros = jnp.zeros((_LANES,), jnp.float32)

        issue(0, 0)

        def pair_body(t, packs):
            lbase = (t & 1) * (2 * CHUNK)

            for half in range(2):
                ch = 2 * t + half
                slot = half

                @pl.when(ch + 1 < NCH)
                def _():
                    issue(ch + 1, 1 - slot)

                wait_chunk(ch, slot)

                def patch_loop(p, packs, slot=slot, half=half):
                    def ss_loop(ss, accs):
                        row = p * S + ss

                        def cc_loop(cc, accs):
                            off = pl.ds(cc * _LANES, _LANES)
                            w = w_buf[slot, row, off]
                            return tuple(
                                accs[b] + w * rows_buf[slot, b * WROWS + row, off]
                                for b in range(B)
                            )

                        return lax.fori_loop(0, CVECS, cc_loop, accs,
                                             unroll=4)

                    accs = lax.fori_loop(0, S, ss_loop, (zeros,) * B)
                    lane = lbase + half * CHUNK + p
                    return tuple(
                        jnp.where(iota16 == lane,
                                  lax.broadcast(jnp.sum(accs[b]), (_LANES,)),
                                  packs[b])
                        for b in range(B)
                    )

                packs = lax.fori_loop(0, CHUNK, patch_loop, packs)

            flush = (t & 1) == 1
            quad = t >> 1

            @pl.when(flush)
            def _():
                bseg = bias_v[pl.ds(quad * _LANES, _LANES)]
                for b in range(B):
                    o = packs[b] + bseg
                    out_v[b, pl.ds(quad * _LANES, _LANES)] = (
                        jnp.where(o >= 0.0, o, 0.1 * o))

            return tuple(jnp.where(flush, zeros, pk) for pk in packs)

        lax.fori_loop(0, NCH // 2, pair_body, (zeros,) * B)

        for b in range(B):
            pltpu.sync_copy(out_v.at[b], out_h.at[b].at[pl.ds(wid * PW, PW)])

    return run


def kernel(y, patches, W_MULT, W_BIAS):
    B, L, C = y.shape
    P, S, _ = patches.shape

    info = plsc.get_sparse_core_info()
    NC, NS = info.num_cores, info.num_subcores

    w2 = W_MULT.reshape(P, S, C)
    gidx = patches[:, :, 0].astype(jnp.int32).reshape(P // 4, 4 * S)
    bias = W_BIAS.reshape(P)

    run = _build_sc_kernel(B, L, C, P, S, NC, NS)
    return run(gidx, w2, bias, y)

# --- scband reference (transcript-rebuilt; emitter-appended) ---
"""Pipeline reference for scband-patchy-layer-cnntop-last-14714557956451 (READ-ONLY COPY).

The authoritative reference and input builder live on the scoring server;
editing this copy changes nothing except your own understanding.
"""

import jax, jax.numpy as jnp
import numpy as np

B, L, C = 4, 8192, 768
NB_PATCHES = 2048
PATCH_SIZE = 4

def setup_inputs(seed: int = 0) -> dict:
    key = jax.random.key(seed)
    k_y = jax.random.fold_in(key, 0)
    k_p = jax.random.fold_in(key, 1)
    k_wm = jax.random.fold_in(key, 2)
    k_wb = jax.random.fold_in(key, 3)
    y = jax.random.normal(k_y, (B, L, C), dtype=jnp.float32)
    # non-trainable integer patch indices: [nb_patches, patch_size, 1], values in [0, L)
    patches = jax.random.randint(k_p, (NB_PATCHES, PATCH_SIZE, 1), 0, L, dtype=jnp.int32)
    # glorot-normal-ish trainable weights
    scale_m = (2.0 / (PATCH_SIZE * C + NB_PATCHES)) ** 0.5
    W_MULT = jax.random.normal(k_wm, (1, NB_PATCHES, PATCH_SIZE, C), dtype=jnp.float32) * scale_m
    W_BIAS = jax.random.normal(k_wb, (1, NB_PATCHES), dtype=jnp.float32) * 0.02
    return {"y": y, "patches": patches, "W_MULT": W_MULT, "W_BIAS": W_BIAS}

def reference(y, patches, W_MULT, W_BIAS):
    # y: [B, L, C] -> transpose to [L, C, B]
    yt = jnp.transpose(y, (1, 2, 0))
    # tf.gather_nd with index depth 1 on first axis: [P, ps, C, B]
    M = jnp.take(yt, patches[:, :, 0], axis=0)
    # transpose to [B, P, ps, C]
    PATCH_tensor1 = jnp.transpose(M, (3, 0, 1, 2))
    MPI = W_MULT * PATCH_tensor1
    MPI = jnp.sum(MPI, axis=(2, 3))  # [B, P]
    MPI = MPI + W_BIAS
    # LeakyReLU(alpha=0.1)
    MPI = jnp.where(MPI >= 0, MPI, 0.1 * MPI)
    # Dropout is identity at inference
    return MPI

if __name__ == "__main__":
    import jax
    _d = setup_inputs()
    print(jax.jit(kernel)(*tuple(_d.values())))

</pallas_src>

<mosaic_0001>
#map = affine_map<(d0, d1) -> (0, 0)>
#map1 = affine_map<(d0, d1) -> (0, 0, 0)>
#map2 = affine_map<(d0, d1) -> (0)>
module attributes {stable_mosaic.version = 14 : i64} {
  func.func @run(%arg0: i32, %arg1: i32, %arg2: memref<512x16xi32, #tpu.memory_space<hbm>>, %arg3: memref<2048x4x768xf32, #tpu.memory_space<hbm>>, %arg4: memref<2048xf32, #tpu.memory_space<hbm>>, %arg5: memref<4x8192x768xf32, #tpu.memory_space<hbm>>, %arg6: memref<4x2048xf32, #tpu.memory_space<hbm>>, %arg7: memref<16x16xi32, #tpu.memory_space<vmem>>, %arg8: memref<2x16x768xf32, #tpu.memory_space<vmem>>, %arg9: memref<2x64x768xf32, #tpu.memory_space<vmem>>, %arg10: memref<64xf32, #tpu.memory_space<vmem>>, %arg11: memref<4x64xf32, #tpu.memory_space<vmem>>, %arg12: memref<!tpu.dma_semaphore, #tpu.memory_space<semaphore_mem>>, %arg13: memref<!tpu.dma_semaphore, #tpu.memory_space<semaphore_mem>>) attributes {dimension_semantics = [#tpu.dimension_semantics<core_parallel>, #tpu.dimension_semantics<subcore_parallel>], iteration_bounds = array<i64: 2, 16>, scalar_prefetch = 0 : i64, scratch_operands = 7 : i64, tpu.core_type = #tpu.core_type<sc_vector_subcore>, window_params = [{transform_indices = #map}, {transform_indices = #map1}, {transform_indices = #map2}, {transform_indices = #map1}, {transform_indices = #map}]} {
    %mul3A = arith.constant 2 : i32
    %mul3A_0 = arith.muli %arg1, %mul3A : i32
    %add3A = arith.addi %mul3A_0, %arg0 : i32
    %mul3A_1 = arith.constant 16 : i32
    %mul3A_2 = arith.muli %add3A, %mul3A_1 : i32
    "tpu.region"() ({
      %run_scoped3A_229 = tpu.sem_alloc : memref<!tpu.dma_semaphore, #tpu.memory_space<semaphore_mem>>
      %dma_start3A_230 = arith.constant 0 : i32
      %dma_start3A_231 = tpu.memref_slice %arg2[%mul3A_2, %dma_start3A_230] : memref<512x16xi32, #tpu.memory_space<hbm>> -> memref<16x16xi32, #tpu.memory_space<hbm>>
      %dma_start3A_232 = arith.constant 0 : i32
      %dma_start3A_233 = tpu.memref_slice %arg2[%mul3A_2, %dma_start3A_232] : memref<512x16xi32, #tpu.memory_space<hbm>> -> memref<16x16xi32, #tpu.memory_space<hbm>>
      tpu.enqueue_dma source(%dma_start3A_233 : memref<16x16xi32, #tpu.memory_space<hbm>>) target(%arg7 : memref<16x16xi32, #tpu.memory_space<vmem>>) target_semaphore(%run_scoped3A_229 : memref<!tpu.dma_semaphore, #tpu.memory_space<semaphore_mem>>)
      %dma_wait3A = arith.constant 0 : i32
      %dma_wait3A_234 = tpu.memref_slice %arg2[%mul3A_2, %dma_wait3A] : memref<512x16xi32, #tpu.memory_space<hbm>> -> memref<16x16xi32, #tpu.memory_space<hbm>>
      %dma_wait3A_235 = arith.constant 0 : i32
      %dma_wait3A_236 = tpu.memref_slice %arg2[%mul3A_2, %dma_wait3A_235] : memref<512x16xi32, #tpu.memory_space<hbm>> -> memref<16x16xi32, #tpu.memory_space<hbm>>
      tpu.wait_dma2 semaphore(%run_scoped3A_229 : memref<!tpu.dma_semaphore, #tpu.memory_space<semaphore_mem>>) src(%dma_wait3A_236 : memref<16x16xi32, #tpu.memory_space<hbm>>) dst(%arg7 : memref<16x16xi32, #tpu.memory_space<vmem>>)
      tpu.yield
    }) : () -> ()
    %mul3A_3 = arith.constant 64 : i32
    %mul3A_4 = arith.muli %add3A, %mul3A_3 : i32
    "tpu.region"() ({
      %run_scoped3A_229 = tpu.sem_alloc : memref<!tpu.dma_semaphore, #tpu.memory_space<semaphore_mem>>
      %dma_start3A_230 = tpu.memref_slice %arg4[%mul3A_4] : memref<2048xf32, #tpu.memory_space<hbm>> -> memref<64xf32, #tpu.memory_space<hbm>>
      %dma_start3A_231 = tpu.memref_slice %arg4[%mul3A_4] : memref<2048xf32, #tpu.memory_space<hbm>> -> memref<64xf32, #tpu.memory_space<hbm>>
      tpu.enqueue_dma source(%dma_start3A_231 : memref<64xf32, #tpu.memory_space<hbm>>) target(%arg10 : memref<64xf32, #tpu.memory_space<vmem>>) target_semaphore(%run_scoped3A_229 : memref<!tpu.dma_semaphore, #tpu.memory_space<semaphore_mem>>)
      %dma_wait3A = tpu.memref_slice %arg4[%mul3A_4] : memref<2048xf32, #tpu.memory_space<hbm>> -> memref<64xf32, #tpu.memory_space<hbm>>
      %dma_wait3A_232 = tpu.memref_slice %arg4[%mul3A_4] : memref<2048xf32, #tpu.memory_space<hbm>> -> memref<64xf32, #tpu.memory_space<hbm>>
      tpu.wait_dma2 semaphore(%run_scoped3A_229 : memref<!tpu.dma_semaphore, #tpu.memory_space<semaphore_mem>>) src(%dma_wait3A_232 : memref<64xf32, #tpu.memory_space<hbm>>) dst(%arg10 : memref<64xf32, #tpu.memory_space<vmem>>)
      tpu.yield
    }) : () -> ()
    %iota3A = tpu.iota {dimensions = array<i32: 0>} : vector<16xi32>
    %broadcast_in_dim3A = arith.constant 0.000000e+00 : f32
    %broadcast_in_dim3A_5 = vector.broadcast %broadcast_in_dim3A : f32 to vector<16xf32>
    %mul3A_6 = arith.constant 16 : i32
    %mul3A_7 = arith.muli %add3A, %mul3A_6 : i32
    %add3A_8 = arith.constant 0 : i32
    %add3A_9 = arith.addi %mul3A_7, %add3A_8 : i32
    %mul3A_10 = arith.constant 4 : i32
    %mul3A_11 = arith.muli %add3A_9, %mul3A_10 : i32
    %add3A_12 = arith.constant 0 : i32
    %add3A_13 = arith.addi %mul3A_11, %add3A_12 : i32
    %dma_start3A = arith.constant 0 : i32
    %dma_start3A_14 = arith.constant 0 : i32
    %dma_start3A_15 = arith.constant 0 : i32
    %dma_start3A_16 = tpu.memref_slice %arg8[%dma_start3A, %dma_start3A_14, %dma_start3A_15] : memref<2x16x768xf32, #tpu.memory_space<vmem>> -> memref<1x16x768xf32, #tpu.memory_space<vmem>>
    %dma_start3A_17 = tpu.memref_squeeze %dma_start3A_16 : memref<1x16x768xf32, #tpu.memory_space<vmem>> -> memref<16x768xf32, #tpu.memory_space<vmem>>
    %dma_start3A_18 = arith.constant 0 : i32
    %dma_start3A_19 = arith.constant 0 : i32
    %dma_start3A_20 = tpu.memref_slice %dma_start3A_17[%dma_start3A_18, %dma_start3A_19] : memref<16x768xf32, #tpu.memory_space<vmem>> -> memref<4x768xf32, #tpu.memory_space<vmem>>
    %dma_start3A_21 = arith.constant 0 : i32
    %dma_start3A_22 = arith.constant 0 : i32
    %dma_start3A_23 = tpu.memref_slice %arg3[%add3A_13, %dma_start3A_21, %dma_start3A_22] : memref<2048x4x768xf32, #tpu.memory_space<hbm>> -> memref<1x4x768xf32, #tpu.memory_space<hbm>>
    %dma_start3A_24 = tpu.memref_squeeze %dma_start3A_23 : memref<1x4x768xf32, #tpu.memory_space<hbm>> -> memref<4x768xf32, #tpu.memory_space<hbm>>
    %dma_start3A_25 = arith.constant 0 : i32
    %dma_start3A_26 = arith.constant 0 : i32
    %dma_start3A_27 = tpu.memref_slice %arg8[%dma_start3A, %dma_start3A_25, %dma_start3A_26] : memref<2x16x768xf32, #tpu.memory_space<vmem>> -> memref<1x16x768xf32, #tpu.memory_space<vmem>>
    %dma_start3A_28 = tpu.memref_squeeze %dma_start3A_27 : memref<1x16x768xf32, #tpu.memory_space<vmem>> -> memref<16x768xf32, #tpu.memory_space<vmem>>
    %dma_start3A_29 = arith.constant 0 : i32
    %dma_start3A_30 = arith.constant 0 : i32
    %dma_start3A_31 = tpu.memref_slice %dma_start3A_28[%dma_start3A_29, %dma_start3A_30] : memref<16x768xf32, #tpu.memory_space<vmem>> -> memref<4x768xf32, #tpu.memory_space<vmem>>
    %dma_start3A_32 = arith.constant 0 : i32
    %dma_start3A_33 = arith.constant 0 : i32
    %dma_start3A_34 = tpu.memref_slice %arg3[%add3A_13, %dma_start3A_32, %dma_start3A_33] : memref<2048x4x768xf32, #tpu.memory_space<hbm>> -> memref<1x4x768xf32, #tpu.memory_space<hbm>>
    %dma_start3A_35 = tpu.memref_squeeze %dma_start3A_34 : memref<1x4x768xf32, #tpu.memory_space<hbm>> -> memref<4x768xf32, #tpu.memory_space<hbm>>
    tpu.enqueue_dma source(%dma_start3A_35 : memref<4x768xf32, #tpu.memory_space<hbm>>) target(%dma_start3A_31 : memref<4x768xf32, #tpu.memory_space<vmem>>) target_semaphore(%arg12 : memref<!tpu.dma_semaphore, #tpu.memory_space<semaphore_mem>>)
    %mul3A_36 = arith.constant 16 : i32
    %mul3A_37 = arith.muli %add3A, %mul3A_36 : i32
    %add3A_38 = arith.constant 0 : i32
    %add3A_39 = arith.addi %mul3A_37, %add3A_38 : i32
    %mul3A_40 = arith.constant 4 : i32
    %mul3A_41 = arith.muli %add3A_39, %mul3A_40 : i32
    %add3A_42 = arith.constant 1 : i32
    %add3A_43 = arith.addi %mul3A_41, %add3A_42 : i32
    %dma_start3A_44 = arith.constant 0 : i32
    %dma_start3A_45 = arith.constant 0 : i32
    %dma_start3A_46 = arith.constant 0 : i32
    %dma_start3A_47 = tpu.memref_slice %arg8[%dma_start3A_44, %dma_start3A_45, %dma_start3A_46] : memref<2x16x768xf32, #tpu.memory_space<vmem>> -> memref<1x16x768xf32, #tpu.memory_space<vmem>>
    %dma_start3A_48 = tpu.memref_squeeze %dma_start3A_47 : memref<1x16x768xf32, #tpu.memory_space<vmem>> -> memref<16x768xf32, #tpu.memory_space<vmem>>
    %dma_start3A_49 = arith.constant 4 : i32
    %dma_start3A_50 = arith.constant 0 : i32
    %dma_start3A_51 = tpu.memref_slice %dma_start3A_48[%dma_start3A_49, %dma_start3A_50] : memref<16x768xf32, #tpu.memory_space<vmem>> -> memref<4x768xf32, #tpu.memory_space<vmem>>
    %dma_start3A_52 = arith.constant 0 : i32
    %dma_start3A_53 = arith.constant 0 : i32
    %dma_start3A_54 = tpu.memref_slice %arg3[%add3A_43, %dma_start3A_52, %dma_start3A_53] : memref<2048x4x768xf32, #tpu.memory_space<hbm>> -> memref<1x4x768xf32, #tpu.memory_space<hbm>>
    %dma_start3A_55 = tpu.memref_squeeze %dma_start3A_54 : memref<1x4x768xf32, #tpu.memory_space<hbm>> -> memref<4x768xf32, #tpu.memory_space<hbm>>
    %dma_start3A_56 = arith.constant 0 : i32
    %dma_start3A_57 = arith.constant 0 : i32
    %dma_start3A_58 = tpu.memref_slice %arg8[%dma_start3A_44, %dma_start3A_56, %dma_start3A_57] : memref<2x16x768xf32, #tpu.memory_space<vmem>> -> memref<1x16x768xf32, #tpu.memory_space<vmem>>
    %dma_start3A_59 = tpu.memref_squeeze %dma_start3A_58 : memref<1x16x768xf32, #tpu.memory_space<vmem>> -> memref<16x768xf32, #tpu.memory_space<vmem>>
    %dma_start3A_60 = arith.constant 4 : i32
    %dma_start3A_61 = arith.constant 0 : i32
    %dma_start3A_62 = tpu.memref_slice %dma_start3A_59[%dma_start3A_60, %dma_start3A_61] : memref<16x768xf32, #tpu.memory_space<vmem>> -> memref<4x768xf32, #tpu.memory_space<vmem>>
    %dma_start3A_63 = arith.constant 0 : i32
    %dma_start3A_64 = arith.constant 0 : i32
    %dma_start3A_65 = tpu.memref_slice %arg3[%add3A_43, %dma_start3A_63, %dma_start3A_64] : memref<2048x4x768xf32, #tpu.memory_space<hbm>> -> memref<1x4x768xf32, #tpu.memory_space<hbm>>
    %dma_start3A_66 = tpu.memref_squeeze %dma_start3A_65 : memref<1x4x768xf32, #tpu.memory_space<hbm>> -> memref<4x768xf32, #tpu.memory_space<hbm>>
    tpu.enqueue_dma source(%dma_start3A_66 : memref<4x768xf32, #tpu.memory_space<hbm>>) target(%dma_start3A_62 : memref<4x768xf32, #tpu.memory_space<vmem>>) target_semaphore(%arg12 : memref<!tpu.dma_semaphore, #tpu.memory_space<semaphore_mem>>)
    %mul3A_67 = arith.constant 16 : i32
    %mul3A_68 = arith.muli %add3A, %mul3A_67 : i32
    %add3A_69 = arith.constant 0 : i32
    %add3A_70 = arith.addi %mul3A_68, %add3A_69 : i32
    %mul3A_71 = arith.constant 4 : i32
    %mul3A_72 = arith.muli %add3A_70, %mul3A_71 : i32
    %add3A_73 = arith.constant 2 : i32
    %add3A_74 = arith.addi %mul3A_72, %add3A_73 : i32
    %dma_start3A_75 = arith.constant 0 : i32
    %dma_start3A_76 = arith.constant 0 : i32
    %dma_start3A_77 = arith.constant 0 : i32
    %dma_start3A_78 = tpu.memref_slice %arg8[%dma_start3A_75, %dma_start3A_76, %dma_start3A_77] : memref<2x16x768xf32, #tpu.memory_space<vmem>> -> memref<1x16x768xf32, #tpu.memory_space<vmem>>
    %dma_start3A_79 = tpu.memref_squeeze %dma_start3A_78 : memref<1x16x768xf32, #tpu.memory_space<vmem>> -> memref<16x768xf32, #tpu.memory_space<vmem>>
    %dma_start3A_80 = arith.constant 8 : i32
    %dma_start3A_81 = arith.constant 0 : i32
    %dma_start3A_82 = tpu.memref_slice %dma_start3A_79[%dma_start3A_80, %dma_start3A_81] : memref<16x768xf32, #tpu.memory_space<vmem>> -> memref<4x768xf32, #tpu.memory_space<vmem>>
    %dma_start3A_83 = arith.constant 0 : i32
    %dma_start3A_84 = arith.constant 0 : i32
    %dma_start3A_85 = tpu.memref_slice %arg3[%add3A_74, %dma_start3A_83, %dma_start3A_84] : memref<2048x4x768xf32, #tpu.memory_space<hbm>> -> memref<1x4x768xf32, #tpu.memory_space<hbm>>
    %dma_start3A_86 = tpu.memref_squeeze %dma_start3A_85 : memref<1x4x768xf32, #tpu.memory_space<hbm>> -> memref<4x768xf32, #tpu.memory_space<hbm>>
    %dma_start3A_87 = arith.constant 0 : i32
    %dma_start3A_88 = arith.constant 0 : i32
    %dma_start3A_89 = tpu.memref_slice %arg8[%dma_start3A_75, %dma_start3A_87, %dma_start3A_88] : memref<2x16x768xf32, #tpu.memory_space<vmem>> -> memref<1x16x768xf32, #tpu.memory_space<vmem>>
    %dma_start3A_90 = tpu.memref_squeeze %dma_start3A_89 : memref<1x16x768xf32, #tpu.memory_space<vmem>> -> memref<16x768xf32, #tpu.memory_space<vmem>>
    %dma_start3A_91 = arith.constant 8 : i32
    %dma_start3A_92 = arith.constant 0 : i32
    %dma_start3A_93 = tpu.memref_slice %dma_start3A_90[%dma_start3A_91, %dma_start3A_92] : memref<16x768xf32, #tpu.memory_space<vmem>> -> memref<4x768xf32, #tpu.memory_space<vmem>>
    %dma_start3A_94 = arith.constant 0 : i32
    %dma_start3A_95 = arith.constant 0 : i32
    %dma_start3A_96 = tpu.memref_slice %arg3[%add3A_74, %dma_start3A_94, %dma_start3A_95] : memref<2048x4x768xf32, #tpu.memory_space<hbm>> -> memref<1x4x768xf32, #tpu.memory_space<hbm>>
    %dma_start3A_97 = tpu.memref_squeeze %dma_start3A_96 : memref<1x4x768xf32, #tpu.memory_space<hbm>> -> memref<4x768xf32, #tpu.memory_space<hbm>>
    tpu.enqueue_dma source(%dma_start3A_97 : memref<4x768xf32, #tpu.memory_space<hbm>>) target(%dma_start3A_93 : memref<4x768xf32, #tpu.memory_space<vmem>>) target_semaphore(%arg12 : memref<!tpu.dma_semaphore, #tpu.memory_space<semaphore_mem>>)
    %mul3A_98 = arith.constant 16 : i32
    %mul3A_99 = arith.muli %add3A, %mul3A_98 : i32
    %add3A_100 = arith.constant 0 : i32
    %add3A_101 = arith.addi %mul3A_99, %add3A_100 : i32
    %mul3A_102 = arith.constant 4 : i32
    %mul3A_103 = arith.muli %add3A_101, %mul3A_102 : i32
    %add3A_104 = arith.constant 3 : i32
    %add3A_105 = arith.addi %mul3A_103, %add3A_104 : i32
    %dma_start3A_106 = arith.constant 0 : i32
    %dma_start3A_107 = arith.constant 0 : i32
    %dma_start3A_108 = arith.constant 0 : i32
    %dma_start3A_109 = tpu.memref_slice %arg8[%dma_start3A_106, %dma_start3A_107, %dma_start3A_108] : memref<2x16x768xf32, #tpu.memory_space<vmem>> -> memref<1x16x768xf32, #tpu.memory_space<vmem>>
    %dma_start3A_110 = tpu.memref_squeeze %dma_start3A_109 : memref<1x16x768xf32, #tpu.memory_space<vmem>> -> memref<16x768xf32, #tpu.memory_space<vmem>>
    %dma_start3A_111 = arith.constant 12 : i32
    %dma_start3A_112 = arith.constant 0 : i32
    %dma_start3A_113 = tpu.memref_slice %dma_start3A_110[%dma_start3A_111, %dma_start3A_112] : memref<16x768xf32, #tpu.memory_space<vmem>> -> memref<4x768xf32, #tpu.memory_space<vmem>>
    %dma_start3A_114 = arith.constant 0 : i32
    %dma_start3A_115 = arith.constant 0 : i32
    %dma_start3A_116 = tpu.memref_slice %arg3[%add3A_105, %dma_start3A_114, %dma_start3A_115] : memref<2048x4x768xf32, #tpu.memory_space<hbm>> -> memref<1x4x768xf32, #tpu.memory_space<hbm>>
    %dma_start3A_117 = tpu.memref_squeeze %dma_start3A_116 : memref<1x4x768xf32, #tpu.memory_space<hbm>> -> memref<4x768xf32, #tpu.memory_space<hbm>>
    %dma_start3A_118 = arith.constant 0 : i32
    %dma_start3A_119 = arith.constant 0 : i32
    %dma_start3A_120 = tpu.memref_slice %arg8[%dma_start3A_106, %dma_start3A_118, %dma_start3A_119] : memref<2x16x768xf32, #tpu.memory_space<vmem>> -> memref<1x16x768xf32, #tpu.memory_space<vmem>>
    %dma_start3A_121 = tpu.memref_squeeze %dma_start3A_120 : memref<1x16x768xf32, #tpu.memory_space<vmem>> -> memref<16x768xf32, #tpu.memory_space<vmem>>
    %dma_start3A_122 = arith.constant 12 : i32
    %dma_start3A_123 = arith.constant 0 : i32
    %dma_start3A_124 = tpu.memref_slice %dma_start3A_121[%dma_start3A_122, %dma_start3A_123] : memref<16x768xf32, #tpu.memory_space<vmem>> -> memref<4x768xf32, #tpu.memory_space<vmem>>
    %dma_start3A_125 = arith.constant 0 : i32
    %dma_start3A_126 = arith.constant 0 : i32
    %dma_start3A_127 = tpu.memref_slice %arg3[%add3A_105, %dma_start3A_125, %dma_start3A_126] : memref<2048x4x768xf32, #tpu.memory_space<hbm>> -> memref<1x4x768xf32, #tpu.memory_space<hbm>>
    %dma_start3A_128 = tpu.memref_squeeze %dma_start3A_127 : memref<1x4x768xf32, #tpu.memory_space<hbm>> -> memref<4x768xf32, #tpu.memory_space<hbm>>
    tpu.enqueue_dma source(%dma_start3A_128 : memref<4x768xf32, #tpu.memory_space<hbm>>) target(%dma_start3A_124 : memref<4x768xf32, #tpu.memory_space<vmem>>) target_semaphore(%arg12 : memref<!tpu.dma_semaphore, #tpu.memory_space<semaphore_mem>>)
    %dma_start3A_129 = arith.constant 0 : i32
    %dma_start3A_130 = arith.constant 0 : i32
    %dma_start3A_131 = arith.constant 0 : i32
    %dma_start3A_132 = arith.constant 0 : i32
    %dma_start3A_133 = arith.constant 0 : i32
    %dma_start3A_134 = tpu.memref_slice %arg9[%dma_start3A_131, %dma_start3A_132, %dma_start3A_133] : memref<2x64x768xf32, #tpu.memory_space<vmem>> -> memref<1x64x768xf32, #tpu.memory_space<vmem>>
    %dma_start3A_135 = tpu.memref_squeeze %dma_start3A_134 : memref<1x64x768xf32, #tpu.memory_space<vmem>> -> memref<64x768xf32, #tpu.memory_space<vmem>>
    %dma_start3A_136 = arith.constant 0 : i32
    %dma_start3A_137 = arith.constant 0 : i32
    %dma_start3A_138 = tpu.memref_slice %dma_start3A_135[%dma_start3A_136, %dma_start3A_137] : memref<64x768xf32, #tpu.memory_space<vmem>> -> memref<16x768xf32, #tpu.memory_space<vmem>>
    %dma_start3A_139 = arith.constant 0 : i32
    %dma_start3A_140 = tpu.memref_slice %arg7[%dma_start3A_130, %dma_start3A_139] : memref<16x16xi32, #tpu.memory_space<vmem>> -> memref<1x16xi32, #tpu.memory_space<vmem>>
    %dma_start3A_141 = tpu.memref_squeeze %dma_start3A_140 : memref<1x16xi32, #tpu.memory_space<vmem>> -> memref<16xi32, #tpu.memory_space<vmem>>
    %dma_start3A_142 = arith.constant 0 : i32
    %dma_start3A_143 = arith.constant 0 : i32
    %dma_start3A_144 = tpu.memref_slice %arg5[%dma_start3A_129, %dma_start3A_142, %dma_start3A_143] : memref<4x8192x768xf32, #tpu.memory_space<hbm>> -> memref<1x8192x768xf32, #tpu.memory_space<hbm>>
    %dma_start3A_145 = tpu.memref_squeeze %dma_start3A_144 : memref<1x8192x768xf32, #tpu.memory_space<hbm>> -> memref<8192x768xf32, #tpu.memory_space<hbm>>
    %dma_start3A_146 = arith.constant 0 : i32
    %dma_start3A_147 = arith.constant 0 : i32
    %dma_start3A_148 = tpu.memref_slice %dma_start3A_145[%dma_start3A_146, %dma_start3A_147] : memref<8192x768xf32, #tpu.memory_space<hbm>> -> memref<8192x768xf32, #tpu.memory_space<hbm>>
    tpu.enqueue_indirect_dma source(%dma_start3A_148 : memref<8192x768xf32, #tpu.memory_space<hbm>>) target(%dma_start3A_138 : memref<16x768xf32, #tpu.memory_space<vmem>>) offsets(%dma_start3A_141 : memref<16xi32, #tpu.memory_space<vmem>>) semaphore(%arg12 : memref<!tpu.dma_semaphore, #tpu.memory_space<semaphore_mem>>)
    %dma_start3A_149 = arith.constant 1 : i32
    %dma_start3A_150 = arith.constant 0 : i32
    %dma_start3A_151 = arith.constant 0 : i32
    %dma_start3A_152 = arith.constant 0 : i32
    %dma_start3A_153 = arith.constant 0 : i32
    %dma_start3A_154 = tpu.memref_slice %arg9[%dma_start3A_151, %dma_start3A_152, %dma_start3A_153] : memref<2x64x768xf32, #tpu.memory_space<vmem>> -> memref<1x64x768xf32, #tpu.memory_space<vmem>>
    %dma_start3A_155 = tpu.memref_squeeze %dma_start3A_154 : memref<1x64x768xf32, #tpu.memory_space<vmem>> -> memref<64x768xf32, #tpu.memory_space<vmem>>
    %dma_start3A_156 = arith.constant 16 : i32
    %dma_start3A_157 = arith.constant 0 : i32
    %dma_start3A_158 = tpu.memref_slice %dma_start3A_155[%dma_start3A_156, %dma_start3A_157] : memref<64x768xf32, #tpu.memory_space<vmem>> -> memref<16x768xf32, #tpu.memory_space<vmem>>
    %dma_start3A_159 = arith.constant 0 : i32
    %dma_start3A_160 = tpu.memref_slice %arg7[%dma_start3A_150, %dma_start3A_159] : memref<16x16xi32, #tpu.memory_space<vmem>> -> memref<1x16xi32, #tpu.memory_space<vmem>>
    %dma_start3A_161 = tpu.memref_squeeze %dma_start3A_160 : memref<1x16xi32, #tpu.memory_space<vmem>> -> memref<16xi32, #tpu.memory_space<vmem>>
    %dma_start3A_162 = arith.constant 0 : i32
    %dma_start3A_163 = arith.constant 0 : i32
    %dma_start3A_164 = tpu.memref_slice %arg5[%dma_start3A_149, %dma_start3A_162, %dma_start3A_163] : memref<4x8192x768xf32, #tpu.memory_space<hbm>> -> memref<1x8192x768xf32, #tpu.memory_space<hbm>>
    %dma_start3A_165 = tpu.memref_squeeze %dma_start3A_164 : memref<1x8192x768xf32, #tpu.memory_space<hbm>> -> memref<8192x768xf32, #tpu.memory_space<hbm>>
    %dma_start3A_166 = arith.constant 0 : i32
    %dma_start3A_167 = arith.constant 0 : i32
    %dma_start3A_168 = tpu.memref_slice %dma_start3A_165[%dma_start3A_166, %dma_start3A_167] : memref<8192x768xf32, #tpu.memory_space<hbm>> -> memref<8192x768xf32, #tpu.memory_space<hbm>>
    tpu.enqueue_indirect_dma source(%dma_start3A_168 : memref<8192x768xf32, #tpu.memory_space<hbm>>) target(%dma_start3A_158 : memref<16x768xf32, #tpu.memory_space<vmem>>) offsets(%dma_start3A_161 : memref<16xi32, #tpu.memory_space<vmem>>) semaphore(%arg12 : memref<!tpu.dma_semaphore, #tpu.memory_space<semaphore_mem>>)
    %dma_start3A_169 = arith.constant 2 : i32
    %dma_start3A_170 = arith.constant 0 : i32
    %dma_start3A_171 = arith.constant 0 : i32
    %dma_start3A_172 = arith.constant 0 : i32
    %dma_start3A_173 = arith.constant 0 : i32
    %dma_start3A_174 = tpu.memref_slice %arg9[%dma_start3A_171, %dma_start3A_172, %dma_start3A_173] : memref<2x64x768xf32, #tpu.memory_space<vmem>> -> memref<1x64x768xf32, #tpu.memory_space<vmem>>
    %dma_start3A_175 = tpu.memref_squeeze %dma_start3A_174 : memref<1x64x768xf32, #tpu.memory_space<vmem>> -> memref<64x768xf32, #tpu.memory_space<vmem>>
    %dma_start3A_176 = arith.constant 32 : i32
    %dma_start3A_177 = arith.constant 0 : i32
    %dma_start3A_178 = tpu.memref_slice %dma_start3A_175[%dma_start3A_176, %dma_start3A_177] : memref<64x768xf32, #tpu.memory_space<vmem>> -> memref<16x768xf32, #tpu.memory_space<vmem>>
    %dma_start3A_179 = arith.constant 0 : i32
    %dma_start3A_180 = tpu.memref_slice %arg7[%dma_start3A_170, %dma_start3A_179] : memref<16x16xi32, #tpu.memory_space<vmem>> -> memref<1x16xi32, #tpu.memory_space<vmem>>
    %dma_start3A_181 = tpu.memref_squeeze %dma_start3A_180 : memref<1x16xi32, #tpu.memory_space<vmem>> -> memref<16xi32, #tpu.memory_space<vmem>>
    %dma_start3A_182 = arith.constant 0 : i32
    %dma_start3A_183 = arith.constant 0 : i32
    %dma_start3A_184 = tpu.memref_slice %arg5[%dma_start3A_169, %dma_start3A_182, %dma_start3A_183] : memref<4x8192x768xf32, #tpu.memory_space<hbm>> -> memref<1x8192x768xf32, #tpu.memory_space<hbm>>
    %dma_start3A_185 = tpu.memref_squeeze %dma_start3A_184 : memref<1x8192x768xf32, #tpu.memory_space<hbm>> -> memref<8192x768xf32, #tpu.memory_space<hbm>>
    %dma_start3A_186 = arith.constant 0 : i32
    %dma_start3A_187 = arith.constant 0 : i32
    %dma_start3A_188 = tpu.memref_slice %dma_start3A_185[%dma_start3A_186, %dma_start3A_187] : memref<8192x768xf32, #tpu.memory_space<hbm>> -> memref<8192x768xf32, #tpu.memory_space<hbm>>
    tpu.enqueue_indirect_dma source(%dma_start3A_188 : memref<8192x768xf32, #tpu.memory_space<hbm>>) target(%dma_start3A_178 : memref<16x768xf32, #tpu.memory_space<vmem>>) offsets(%dma_start3A_181 : memref<16xi32, #tpu.memory_space<vmem>>) semaphore(%arg12 : memref<!tpu.dma_semaphore, #tpu.memory_space<semaphore_mem>>)
    %dma_start3A_189 = arith.constant 3 : i32
    %dma_start3A_190 = arith.constant 0 : i32
    %dma_start3A_191 = arith.constant 0 : i32
    %dma_start3A_192 = arith.constant 0 : i32
    %dma_start3A_193 = arith.constant 0 : i32
    %dma_start3A_194 = tpu.memref_slice %arg9[%dma_start3A_191, %dma_start3A_192, %dma_start3A_193] : memref<2x64x768xf32, #tpu.memory_space<vmem>> -> memref<1x64x768xf32, #tpu.memory_space<vmem>>
    %dma_start3A_195 = tpu.memref_squeeze %dma_start3A_194 : memref<1x64x768xf32, #tpu.memory_space<vmem>> -> memref<64x768xf32, #tpu.memory_space<vmem>>
    %dma_start3A_196 = arith.constant 48 : i32
    %dma_start3A_197 = arith.constant 0 : i32
    %dma_start3A_198 = tpu.memref_slice %dma_start3A_195[%dma_start3A_196, %dma_start3A_197] : memref<64x768xf32, #tpu.memory_space<vmem>> -> memref<16x768xf32, #tpu.memory_space<vmem>>
    %dma_start3A_199 = arith.constant 0 : i32
    %dma_start3A_200 = tpu.memref_slice %arg7[%dma_start3A_190, %dma_start3A_199] : memref<16x16xi32, #tpu.memory_space<vmem>> -> memref<1x16xi32, #tpu.memory_space<vmem>>
    %dma_start3A_201 = tpu.memref_squeeze %dma_start3A_200 : memref<1x16xi32, #tpu.memory_space<vmem>> -> memref<16xi32, #tpu.memory_space<vmem>>
    %dma_start3A_202 = arith.constant 0 : i32
    %dma_start3A_203 = arith.constant 0 : i32
    %dma_start3A_204 = tpu.memref_slice %arg5[%dma_start3A_189, %dma_start3A_202, %dma_start3A_203] : memref<4x8192x768xf32, #tpu.memory_space<hbm>> -> memref<1x8192x768xf32, #tpu.memory_space<hbm>>
    %dma_start3A_205 = tpu.memref_squeeze %dma_start3A_204 : memref<1x8192x768xf32, #tpu.memory_space<hbm>> -> memref<8192x768xf32, #tpu.memory_space<hbm>>
    %dma_start3A_206 = arith.constant 0 : i32
    %dma_start3A_207 = arith.constant 0 : i32
    %dma_start3A_208 = tpu.memref_slice %dma_start3A_205[%dma_start3A_206, %dma_start3A_207] : memref<8192x768xf32, #tpu.memory_space<hbm>> -> memref<8192x768xf32, #tpu.memory_space<hbm>>
    tpu.enqueue_indirect_dma source(%dma_start3A_208 : memref<8192x768xf32, #tpu.memory_space<hbm>>) target(%dma_start3A_198 : memref<16x768xf32, #tpu.memory_space<vmem>>) offsets(%dma_start3A_201 : memref<16xi32, #tpu.memory_space<vmem>>) semaphore(%arg12 : memref<!tpu.dma_semaphore, #tpu.memory_space<semaphore_mem>>)
    %scan3A = arith.constant 0 : i32
    %scan3A_209 = arith.constant 8 : i32
    %scan3A_210 = arith.addi %scan3A, %scan3A_209 : i32
    %scan3A_211 = arith.constant 1 : i32
    %scan3A_212:4 = scf.for %scan3A_229 = %scan3A to %scan3A_210 step %scan3A_211 iter_args(%scan3A_230 = %broadcast_in_dim3A_5, %scan3A_231 = %broadcast_in_dim3A_5, %scan3A_232 = %broadcast_in_dim3A_5, %scan3A_233 = %broadcast_in_dim3A_5) -> (vector<16xf32>, vector<16xf32>, vector<16xf32>, vector<16xf32>)  : i32 {
      %and3A = arith.constant 1 : i32
      %and3A_234 = arith.andi %scan3A_229, %and3A : i32
      %mul3A_235 = arith.constant 8 : i32
      %mul3A_236 = arith.muli %and3A_234, %mul3A_235 : i32
      %mul3A_237 = arith.constant 2 : i32
      %mul3A_238 = arith.muli %mul3A_237, %scan3A_229 : i32
      %add3A_239 = arith.constant 0 : i32
      %add3A_240 = arith.addi %mul3A_238, %add3A_239 : i32
      %add3A_241 = arith.constant 1 : i32
      %add3A_242 = arith.addi %add3A_240, %add3A_241 : i32
      %lt3A = arith.constant 16 : i32
      %lt3A_243 = arith.cmpi slt, %add3A_242, %lt3A : i32
      %convert_element_type3A = arith.extui %lt3A_243 : i1 to i32
      %cond3A = arith.constant 0 : i32
      %cond3A_244 = arith.cmpi ne, %convert_element_type3A, %cond3A : i32
      scf.if %cond3A_244 {
        %add3A_669 = arith.constant 1 : i32
        %add3A_670 = arith.addi %add3A_240, %add3A_669 : i32
        %mul3A_671 = arith.constant 16 : i32
        %mul3A_672 = arith.muli %add3A, %mul3A_671 : i32
        %add3A_673 = arith.addi %mul3A_672, %add3A_670 : i32
        %mul3A_674 = arith.constant 4 : i32
        %mul3A_675 = arith.muli %add3A_673, %mul3A_674 : i32
        %add3A_676 = arith.constant 0 : i32
        %add3A_677 = arith.addi %mul3A_675, %add3A_676 : i32
        %dma_start3A_678 = arith.constant 1 : i32
        %dma_start3A_679 = arith.constant 0 : i32
        %dma_start3A_680 = arith.constant 0 : i32
        %dma_start3A_681 = tpu.memref_slice %arg8[%dma_start3A_678, %dma_start3A_679, %dma_start3A_680] : memref<2x16x768xf32, #tpu.memory_space<vmem>> -> memref<1x16x768xf32, #tpu.memory_space<vmem>>
        %dma_start3A_682 = tpu.memref_squeeze %dma_start3A_681 : memref<1x16x768xf32, #tpu.memory_space<vmem>> -> memref<16x768xf32, #tpu.memory_space<vmem>>
        %dma_start3A_683 = arith.constant 0 : i32
        %dma_start3A_684 = arith.constant 0 : i32
        %dma_start3A_685 = tpu.memref_slice %dma_start3A_682[%dma_start3A_683, %dma_start3A_684] : memref<16x768xf32, #tpu.memory_space<vmem>> -> memref<4x768xf32, #tpu.memory_space<vmem>>
        %dma_start3A_686 = arith.constant 0 : i32
        %dma_start3A_687 = arith.constant 0 : i32
        %dma_start3A_688 = tpu.memref_slice %arg3[%add3A_677, %dma_start3A_686, %dma_start3A_687] : memref<2048x4x768xf32, #tpu.memory_space<hbm>> -> memref<1x4x768xf32, #tpu.memory_space<hbm>>
        %dma_start3A_689 = tpu.memref_squeeze %dma_start3A_688 : memref<1x4x768xf32, #tpu.memory_space<hbm>> -> memref<4x768xf32, #tpu.memory_space<hbm>>
        %dma_start3A_690 = arith.constant 0 : i32
        %dma_start3A_691 = arith.constant 0 : i32
        %dma_start3A_692 = tpu.memref_slice %arg8[%dma_start3A_678, %dma_start3A_690, %dma_start3A_691] : memref<2x16x768xf32, #tpu.memory_space<vmem>> -> memref<1x16x768xf32, #tpu.memory_space<vmem>>
        %dma_start3A_693 = tpu.memref_squeeze %dma_start3A_692 : memref<1x16x768xf32, #tpu.memory_space<vmem>> -> memref<16x768xf32, #tpu.memory_space<vmem>>
        %dma_start3A_694 = arith.constant 0 : i32
        %dma_start3A_695 = arith.constant 0 : i32
        %dma_start3A_696 = tpu.memref_slice %dma_start3A_693[%dma_start3A_694, %dma_start3A_695] : memref<16x768xf32, #tpu.memory_space<vmem>> -> memref<4x768xf32, #tpu.memory_space<vmem>>
        %dma_start3A_697 = arith.constant 0 : i32
        %dma_start3A_698 = arith.constant 0 : i32
        %dma_start3A_699 = tpu.memref_slice %arg3[%add3A_677, %dma_start3A_697, %dma_start3A_698] : memref<2048x4x768xf32, #tpu.memory_space<hbm>> -> memref<1x4x768xf32, #tpu.memory_space<hbm>>
        %dma_start3A_700 = tpu.memref_squeeze %dma_start3A_699 : memref<1x4x768xf32, #tpu.memory_space<hbm>> -> memref<4x768xf32, #tpu.memory_space<hbm>>
        tpu.enqueue_dma source(%dma_start3A_700 : memref<4x768xf32, #tpu.memory_space<hbm>>) target(%dma_start3A_696 : memref<4x768xf32, #tpu.memory_space<vmem>>) target_semaphore(%arg13 : memref<!tpu.dma_semaphore, #tpu.memory_space<semaphore_mem>>)
        %mul3A_701 = arith.constant 16 : i32
        %mul3A_702 = arith.muli %add3A, %mul3A_701 : i32
        %add3A_703 = arith.addi %mul3A_702, %add3A_670 : i32
        %mul3A_704 = arith.constant 4 : i32
        %mul3A_705 = arith.muli %add3A_703, %mul3A_704 : i32
        %add3A_706 = arith.constant 1 : i32
        %add3A_707 = arith.addi %mul3A_705, %add3A_706 : i32
        %dma_start3A_708 = arith.constant 1 : i32
        %dma_start3A_709 = arith.constant 0 : i32
        %dma_start3A_710 = arith.constant 0 : i32
        %dma_start3A_711 = tpu.memref_slice %arg8[%dma_start3A_708, %dma_start3A_709, %dma_start3A_710] : memref<2x16x768xf32, #tpu.memory_space<vmem>> -> memref<1x16x768xf32, #tpu.memory_space<vmem>>
        %dma_start3A_712 = tpu.memref_squeeze %dma_start3A_711 : memref<1x16x768xf32, #tpu.memory_space<vmem>> -> memref<16x768xf32, #tpu.memory_space<vmem>>
        %dma_start3A_713 = arith.constant 4 : i32
        %dma_start3A_714 = arith.constant 0 : i32
        %dma_start3A_715 = tpu.memref_slice %dma_start3A_712[%dma_start3A_713, %dma_start3A_714] : memref<16x768xf32, #tpu.memory_space<vmem>> -> memref<4x768xf32, #tpu.memory_space<vmem>>
        %dma_start3A_716 = arith.constant 0 : i32
        %dma_start3A_717 = arith.constant 0 : i32
        %dma_start3A_718 = tpu.memref_slice %arg3[%add3A_707, %dma_start3A_716, %dma_start3A_717] : memref<2048x4x768xf32, #tpu.memory_space<hbm>> -> memref<1x4x768xf32, #tpu.memory_space<hbm>>
        %dma_start3A_719 = tpu.memref_squeeze %dma_start3A_718 : memref<1x4x768xf32, #tpu.memory_space<hbm>> -> memref<4x768xf32, #tpu.memory_space<hbm>>
        %dma_start3A_720 = arith.constant 0 : i32
        %dma_start3A_721 = arith.constant 0 : i32
        %dma_start3A_722 = tpu.memref_slice %arg8[%dma_start3A_708, %dma_start3A_720, %dma_start3A_721] : memref<2x16x768xf32, #tpu.memory_space<vmem>> -> memref<1x16x768xf32, #tpu.memory_space<vmem>>
        %dma_start3A_723 = tpu.memref_squeeze %dma_start3A_722 : memref<1x16x768xf32, #tpu.memory_space<vmem>> -> memref<16x768xf32, #tpu.memory_space<vmem>>
        %dma_start3A_724 = arith.constant 4 : i32
        %dma_start3A_725 = arith.constant 0 : i32
        %dma_start3A_726 = tpu.memref_slice %dma_start3A_723[%dma_start3A_724, %dma_start3A_725] : memref<16x768xf32, #tpu.memory_space<vmem>> -> memref<4x768xf32, #tpu.memory_space<vmem>>
        %dma_start3A_727 = arith.constant 0 : i32
        %dma_start3A_728 = arith.constant 0 : i32
        %dma_start3A_729 = tpu.memref_slice %arg3[%add3A_707, %dma_start3A_727, %dma_start3A_728] : memref<2048x4x768xf32, #tpu.memory_space<hbm>> -> memref<1x4x768xf32, #tpu.memory_space<hbm>>
        %dma_start3A_730 = tpu.memref_squeeze %dma_start3A_729 : memref<1x4x768xf32, #tpu.memory_space<hbm>> -> memref<4x768xf32, #tpu.memory_space<hbm>>
        tpu.enqueue_dma source(%dma_start3A_730 : memref<4x768xf32, #tpu.memory_space<hbm>>) target(%dma_start3A_726 : memref<4x768xf32, #tpu.memory_space<vmem>>) target_semaphore(%arg13 : memref<!tpu.dma_semaphore, #tpu.memory_space<semaphore_mem>>)
        %mul3A_731 = arith.constant 16 : i32
        %mul3A_732 = arith.muli %add3A, %mul3A_731 : i32
        %add3A_733 = arith.addi %mul3A_732, %add3A_670 : i32
        %mul3A_734 = arith.constant 4 : i32
        %mul3A_735 = arith.muli %add3A_733, %mul3A_734 : i32
        %add3A_736 = arith.constant 2 : i32
        %add3A_737 = arith.addi %mul3A_735, %add3A_736 : i32
        %dma_start3A_738 = arith.constant 1 : i32
        %dma_start3A_739 = arith.constant 0 : i32
        %dma_start3A_740 = arith.constant 0 : i32
        %dma_start3A_741 = tpu.memref_slice %arg8[%dma_start3A_738, %dma_start3A_739, %dma_start3A_740] : memref<2x16x768xf32, #tpu.memory_space<vmem>> -> memref<1x16x768xf32, #tpu.memory_space<vmem>>
        %dma_start3A_742 = tpu.memref_squeeze %dma_start3A_741 : memref<1x16x768xf32, #tpu.memory_space<vmem>> -> memref<16x768xf32, #tpu.memory_space<vmem>>
        %dma_start3A_743 = arith.constant 8 : i32
        %dma_start3A_744 = arith.constant 0 : i32
        %dma_start3A_745 = tpu.memref_slice %dma_start3A_742[%dma_start3A_743, %dma_start3A_744] : memref<16x768xf32, #tpu.memory_space<vmem>> -> memref<4x768xf32, #tpu.memory_space<vmem>>
        %dma_start3A_746 = arith.constant 0 : i32
        %dma_start3A_747 = arith.constant 0 : i32
        %dma_start3A_748 = tpu.memref_slice %arg3[%add3A_737, %dma_start3A_746, %dma_start3A_747] : memref<2048x4x768xf32, #tpu.memory_space<hbm>> -> memref<1x4x768xf32, #tpu.memory_space<hbm>>
        %dma_start3A_749 = tpu.memref_squeeze %dma_start3A_748 : memref<1x4x768xf32, #tpu.memory_space<hbm>> -> memref<4x768xf32, #tpu.memory_space<hbm>>
        %dma_start3A_750 = arith.constant 0 : i32
        %dma_start3A_751 = arith.constant 0 : i32
        %dma_start3A_752 = tpu.memref_slice %arg8[%dma_start3A_738, %dma_start3A_750, %dma_start3A_751] : memref<2x16x768xf32, #tpu.memory_space<vmem>> -> memref<1x16x768xf32, #tpu.memory_space<vmem>>
        %dma_start3A_753 = tpu.memref_squeeze %dma_start3A_752 : memref<1x16x768xf32, #tpu.memory_space<vmem>> -> memref<16x768xf32, #tpu.memory_space<vmem>>
        %dma_start3A_754 = arith.constant 8 : i32
        %dma_start3A_755 = arith.constant 0 : i32
        %dma_start3A_756 = tpu.memref_slice %dma_start3A_753[%dma_start3A_754, %dma_start3A_755] : memref<16x768xf32, #tpu.memory_space<vmem>> -> memref<4x768xf32, #tpu.memory_space<vmem>>
        %dma_start3A_757 = arith.constant 0 : i32
        %dma_start3A_758 = arith.constant 0 : i32
        %dma_start3A_759 = tpu.memref_slice %arg3[%add3A_737, %dma_start3A_757, %dma_start3A_758] : memref<2048x4x768xf32, #tpu.memory_space<hbm>> -> memref<1x4x768xf32, #tpu.memory_space<hbm>>
        %dma_start3A_760 = tpu.memref_squeeze %dma_start3A_759 : memref<1x4x768xf32, #tpu.memory_space<hbm>> -> memref<4x768xf32, #tpu.memory_space<hbm>>
        tpu.enqueue_dma source(%dma_start3A_760 : memref<4x768xf32, #tpu.memory_space<hbm>>) target(%dma_start3A_756 : memref<4x768xf32, #tpu.memory_space<vmem>>) target_semaphore(%arg13 : memref<!tpu.dma_semaphore, #tpu.memory_space<semaphore_mem>>)
        %mul3A_761 = arith.constant 16 : i32
        %mul3A_762 = arith.muli %add3A, %mul3A_761 : i32
        %add3A_763 = arith.addi %mul3A_762, %add3A_670 : i32
        %mul3A_764 = arith.constant 4 : i32
        %mul3A_765 = arith.muli %add3A_763, %mul3A_764 : i32
        %add3A_766 = arith.constant 3 : i32
        %add3A_767 = arith.addi %mul3A_765, %add3A_766 : i32
        %dma_start3A_768 = arith.constant 1 : i32
        %dma_start3A_769 = arith.constant 0 : i32
        %dma_start3A_770 = arith.constant 0 : i32
        %dma_start3A_771 = tpu.memref_slice %arg8[%dma_start3A_768, %dma_start3A_769, %dma_start3A_770] : memref<2x16x768xf32, #tpu.memory_space<vmem>> -> memref<1x16x768xf32, #tpu.memory_space<vmem>>
        %dma_start3A_772 = tpu.memref_squeeze %dma_start3A_771 : memref<1x16x768xf32, #tpu.memory_space<vmem>> -> memref<16x768xf32, #tpu.memory_space<vmem>>
        %dma_start3A_773 = arith.constant 12 : i32
        %dma_start3A_774 = arith.constant 0 : i32
        %dma_start3A_775 = tpu.memref_slice %dma_start3A_772[%dma_start3A_773, %dma_start3A_774] : memref<16x768xf32, #tpu.memory_space<vmem>> -> memref<4x768xf32, #tpu.memory_space<vmem>>
        %dma_start3A_776 = arith.constant 0 : i32
        %dma_start3A_777 = arith.constant 0 : i32
        %dma_start3A_778 = tpu.memref_slice %arg3[%add3A_767, %dma_start3A_776, %dma_start3A_777] : memref<2048x4x768xf32, #tpu.memory_space<hbm>> -> memref<1x4x768xf32, #tpu.memory_space<hbm>>
        %dma_start3A_779 = tpu.memref_squeeze %dma_start3A_778 : memref<1x4x768xf32, #tpu.memory_space<hbm>> -> memref<4x768xf32, #tpu.memory_space<hbm>>
        %dma_start3A_780 = arith.constant 0 : i32
        %dma_start3A_781 = arith.constant 0 : i32
        %dma_start3A_782 = tpu.memref_slice %arg8[%dma_start3A_768, %dma_start3A_780, %dma_start3A_781] : memref<2x16x768xf32, #tpu.memory_space<vmem>> -> memref<1x16x768xf32, #tpu.memory_space<vmem>>
        %dma_start3A_783 = tpu.memref_squeeze %dma_start3A_782 : memref<1x16x768xf32, #tpu.memory_space<vmem>> -> memref<16x768xf32, #tpu.memory_space<vmem>>
        %dma_start3A_784 = arith.constant 12 : i32
        %dma_start3A_785 = arith.constant 0 : i32
        %dma_start3A_786 = tpu.memref_slice %dma_start3A_783[%dma_start3A_784, %dma_start3A_785] : memref<16x768xf32, #tpu.memory_space<vmem>> -> memref<4x768xf32, #tpu.memory_space<vmem>>
        %dma_start3A_787 = arith.constant 0 : i32
        %dma_start3A_788 = arith.constant 0 : i32
        %dma_start3A_789 = tpu.memref_slice %arg3[%add3A_767, %dma_start3A_787, %dma_start3A_788] : memref<2048x4x768xf32, #tpu.memory_space<hbm>> -> memref<1x4x768xf32, #tpu.memory_space<hbm>>
        %dma_start3A_790 = tpu.memref_squeeze %dma_start3A_789 : memref<1x4x768xf32, #tpu.memory_space<hbm>> -> memref<4x768xf32, #tpu.memory_space<hbm>>
        tpu.enqueue_dma source(%dma_start3A_790 : memref<4x768xf32, #tpu.memory_space<hbm>>) target(%dma_start3A_786 : memref<4x768xf32, #tpu.memory_space<vmem>>) target_semaphore(%arg13 : memref<!tpu.dma_semaphore, #tpu.memory_space<semaphore_mem>>)
        %dma_start3A_791 = arith.constant 0 : i32
        %dma_start3A_792 = arith.constant 1 : i32
        %dma_start3A_793 = arith.constant 0 : i32
        %dma_start3A_794 = arith.constant 0 : i32
        %dma_start3A_795 = tpu.memref_slice %arg9[%dma_start3A_792, %dma_start3A_793, %dma_start3A_794] : memref<2x64x768xf32, #tpu.memory_space<vmem>> -> memref<1x64x768xf32, #tpu.memory_space<vmem>>
        %dma_start3A_796 = tpu.memref_squeeze %dma_start3A_795 : memref<1x64x768xf32, #tpu.memory_space<vmem>> -> memref<64x768xf32, #tpu.memory_space<vmem>>
        %dma_start3A_797 = arith.constant 0 : i32
        %dma_start3A_798 = arith.constant 0 : i32
        %dma_start3A_799 = tpu.memref_slice %dma_start3A_796[%dma_start3A_797, %dma_start3A_798] : memref<64x768xf32, #tpu.memory_space<vmem>> -> memref<16x768xf32, #tpu.memory_space<vmem>>
        %dma_start3A_800 = arith.constant 0 : i32
        %dma_start3A_801 = tpu.memref_slice %arg7[%add3A_670, %dma_start3A_800] : memref<16x16xi32, #tpu.memory_space<vmem>> -> memref<1x16xi32, #tpu.memory_space<vmem>>
        %dma_start3A_802 = tpu.memref_squeeze %dma_start3A_801 : memref<1x16xi32, #tpu.memory_space<vmem>> -> memref<16xi32, #tpu.memory_space<vmem>>
        %dma_start3A_803 = arith.constant 0 : i32
        %dma_start3A_804 = arith.constant 0 : i32
        %dma_start3A_805 = tpu.memref_slice %arg5[%dma_start3A_791, %dma_start3A_803, %dma_start3A_804] : memref<4x8192x768xf32, #tpu.memory_space<hbm>> -> memref<1x8192x768xf32, #tpu.memory_space<hbm>>
        %dma_start3A_806 = tpu.memref_squeeze %dma_start3A_805 : memref<1x8192x768xf32, #tpu.memory_space<hbm>> -> memref<8192x768xf32, #tpu.memory_space<hbm>>
        %dma_start3A_807 = arith.constant 0 : i32
        %dma_start3A_808 = arith.constant 0 : i32
        %dma_start3A_809 = tpu.memref_slice %dma_start3A_806[%dma_start3A_807, %dma_start3A_808] : memref<8192x768xf32, #tpu.memory_space<hbm>> -> memref<8192x768xf32, #tpu.memory_space<hbm>>
        tpu.enqueue_indirect_dma source(%dma_start3A_809 : memref<8192x768xf32, #tpu.memory_space<hbm>>) target(%dma_start3A_799 : memref<16x768xf32, #tpu.memory_space<vmem>>) offsets(%dma_start3A_802 : memref<16xi32, #tpu.memory_space<vmem>>) semaphore(%arg13 : memref<!tpu.dma_semaphore, #tpu.memory_space<semaphore_mem>>)
        %dma_start3A_810 = arith.constant 1 : i32
        %dma_start3A_811 = arith.constant 1 : i32
        %dma_start3A_812 = arith.constant 0 : i32
        %dma_start3A_813 = arith.constant 0 : i32
        %dma_start3A_814 = tpu.memref_slice %arg9[%dma_start3A_811, %dma_start3A_812, %dma_start3A_813] : memref<2x64x768xf32, #tpu.memory_space<vmem>> -> memref<1x64x768xf32, #tpu.memory_space<vmem>>
        %dma_start3A_815 = tpu.memref_squeeze %dma_start3A_814 : memref<1x64x768xf32, #tpu.memory_space<vmem>> -> memref<64x768xf32, #tpu.memory_space<vmem>>
        %dma_start3A_816 = arith.constant 16 : i32
        %dma_start3A_817 = arith.constant 0 : i32
        %dma_start3A_818 = tpu.memref_slice %dma_start3A_815[%dma_start3A_816, %dma_start3A_817] : memref<64x768xf32, #tpu.memory_space<vmem>> -> memref<16x768xf32, #tpu.memory_space<vmem>>
        %dma_start3A_819 = arith.constant 0 : i32
        %dma_start3A_820 = tpu.memref_slice %arg7[%add3A_670, %dma_start3A_819] : memref<16x16xi32, #tpu.memory_space<vmem>> -> memref<1x16xi32, #tpu.memory_space<vmem>>
        %dma_start3A_821 = tpu.memref_squeeze %dma_start3A_820 : memref<1x16xi32, #tpu.memory_space<vmem>> -> memref<16xi32, #tpu.memory_space<vmem>>
        %dma_start3A_822 = arith.constant 0 : i32
        %dma_start3A_823 = arith.constant 0 : i32
        %dma_start3A_824 = tpu.memref_slice %arg5[%dma_start3A_810, %dma_start3A_822, %dma_start3A_823] : memref<4x8192x768xf32, #tpu.memory_space<hbm>> -> memref<1x8192x768xf32, #tpu.memory_space<hbm>>
        %dma_start3A_825 = tpu.memref_squeeze %dma_start3A_824 : memref<1x8192x768xf32, #tpu.memory_space<hbm>> -> memref<8192x768xf32, #tpu.memory_space<hbm>>
        %dma_start3A_826 = arith.constant 0 : i32
        %dma_start3A_827 = arith.constant 0 : i32
        %dma_start3A_828 = tpu.memref_slice %dma_start3A_825[%dma_start3A_826, %dma_start3A_827] : memref<8192x768xf32, #tpu.memory_space<hbm>> -> memref<8192x768xf32, #tpu.memory_space<hbm>>
        tpu.enqueue_indirect_dma source(%dma_start3A_828 : memref<8192x768xf32, #tpu.memory_space<hbm>>) target(%dma_start3A_818 : memref<16x768xf32, #tpu.memory_space<vmem>>) offsets(%dma_start3A_821 : memref<16xi32, #tpu.memory_space<vmem>>) semaphore(%arg13 : memref<!tpu.dma_semaphore, #tpu.memory_space<semaphore_mem>>)
        %dma_start3A_829 = arith.constant 2 : i32
        %dma_start3A_830 = arith.constant 1 : i32
        %dma_start3A_831 = arith.constant 0 : i32
        %dma_start3A_832 = arith.constant 0 : i32
        %dma_start3A_833 = tpu.memref_slice %arg9[%dma_start3A_830, %dma_start3A_831, %dma_start3A_832] : memref<2x64x768xf32, #tpu.memory_space<vmem>> -> memref<1x64x768xf32, #tpu.memory_space<vmem>>
        %dma_start3A_834 = tpu.memref_squeeze %dma_start3A_833 : memref<1x64x768xf32, #tpu.memory_space<vmem>> -> memref<64x768xf32, #tpu.memory_space<vmem>>
        %dma_start3A_835 = arith.constant 32 : i32
        %dma_start3A_836 = arith.constant 0 : i32
        %dma_start3A_837 = tpu.memref_slice %dma_start3A_834[%dma_start3A_835, %dma_start3A_836] : memref<64x768xf32, #tpu.memory_space<vmem>> -> memref<16x768xf32, #tpu.memory_space<vmem>>
        %dma_start3A_838 = arith.constant 0 : i32
        %dma_start3A_839 = tpu.memref_slice %arg7[%add3A_670, %dma_start3A_838] : memref<16x16xi32, #tpu.memory_space<vmem>> -> memref<1x16xi32, #tpu.memory_space<vmem>>
        %dma_start3A_840 = tpu.memref_squeeze %dma_start3A_839 : memref<1x16xi32, #tpu.memory_space<vmem>> -> memref<16xi32, #tpu.memory_space<vmem>>
        %dma_start3A_841 = arith.constant 0 : i32
        %dma_start3A_842 = arith.constant 0 : i32
        %dma_start3A_843 = tpu.memref_slice %arg5[%dma_start3A_829, %dma_start3A_841, %dma_start3A_842] : memref<4x8192x768xf32, #tpu.memory_space<hbm>> -> memref<1x8192x768xf32, #tpu.memory_space<hbm>>
        %dma_start3A_844 = tpu.memref_squeeze %dma_start3A_843 : memref<1x8192x768xf32, #tpu.memory_space<hbm>> -> memref<8192x768xf32, #tpu.memory_space<hbm>>
        %dma_start3A_845 = arith.constant 0 : i32
        %dma_start3A_846 = arith.constant 0 : i32
        %dma_start3A_847 = tpu.memref_slice %dma_start3A_844[%dma_start3A_845, %dma_start3A_846] : memref<8192x768xf32, #tpu.memory_space<hbm>> -> memref<8192x768xf32, #tpu.memory_space<hbm>>
        tpu.enqueue_indirect_dma source(%dma_start3A_847 : memref<8192x768xf32, #tpu.memory_space<hbm>>) target(%dma_start3A_837 : memref<16x768xf32, #tpu.memory_space<vmem>>) offsets(%dma_start3A_840 : memref<16xi32, #tpu.memory_space<vmem>>) semaphore(%arg13 : memref<!tpu.dma_semaphore, #tpu.memory_space<semaphore_mem>>)
        %dma_start3A_848 = arith.constant 3 : i32
        %dma_start3A_849 = arith.constant 1 : i32
        %dma_start3A_850 = arith.constant 0 : i32
        %dma_start3A_851 = arith.constant 0 : i32
        %dma_start3A_852 = tpu.memref_slice %arg9[%dma_start3A_849, %dma_start3A_850, %dma_start3A_851] : memref<2x64x768xf32, #tpu.memory_space<vmem>> -> memref<1x64x768xf32, #tpu.memory_space<vmem>>
        %dma_start3A_853 = tpu.memref_squeeze %dma_start3A_852 : memref<1x64x768xf32, #tpu.memory_space<vmem>> -> memref<64x768xf32, #tpu.memory_space<vmem>>
        %dma_start3A_854 = arith.constant 48 : i32
        %dma_start3A_855 = arith.constant 0 : i32
        %dma_start3A_856 = tpu.memref_slice %dma_start3A_853[%dma_start3A_854, %dma_start3A_855] : memref<64x768xf32, #tpu.memory_space<vmem>> -> memref<16x768xf32, #tpu.memory_space<vmem>>
        %dma_start3A_857 = arith.constant 0 : i32
        %dma_start3A_858 = tpu.memref_slice %arg7[%add3A_670, %dma_start3A_857] : memref<16x16xi32, #tpu.memory_space<vmem>> -> memref<1x16xi32, #tpu.memory_space<vmem>>
        %dma_start3A_859 = tpu.memref_squeeze %dma_start3A_858 : memref<1x16xi32, #tpu.memory_space<vmem>> -> memref<16xi32, #tpu.memory_space<vmem>>
        %dma_start3A_860 = arith.constant 0 : i32
        %dma_start3A_861 = arith.constant 0 : i32
        %dma_start3A_862 = tpu.memref_slice %arg5[%dma_start3A_848, %dma_start3A_860, %dma_start3A_861] : memref<4x8192x768xf32, #tpu.memory_space<hbm>> -> memref<1x8192x768xf32, #tpu.memory_space<hbm>>
        %dma_start3A_863 = tpu.memref_squeeze %dma_start3A_862 : memref<1x8192x768xf32, #tpu.memory_space<hbm>> -> memref<8192x768xf32, #tpu.memory_space<hbm>>
        %dma_start3A_864 = arith.constant 0 : i32
        %dma_start3A_865 = arith.constant 0 : i32
        %dma_start3A_866 = tpu.memref_slice %dma_start3A_863[%dma_start3A_864, %dma_start3A_865] : memref<8192x768xf32, #tpu.memory_space<hbm>> -> memref<8192x768xf32, #tpu.memory_space<hbm>>
        tpu.enqueue_indirect_dma source(%dma_start3A_866 : memref<8192x768xf32, #tpu.memory_space<hbm>>) target(%dma_start3A_856 : memref<16x768xf32, #tpu.memory_space<vmem>>) offsets(%dma_start3A_859 : memref<16xi32, #tpu.memory_space<vmem>>) semaphore(%arg13 : memref<!tpu.dma_semaphore, #tpu.memory_space<semaphore_mem>>)
      } else {
      }
      %mul3A_245 = arith.constant 16 : i32
      %mul3A_246 = arith.muli %add3A, %mul3A_245 : i32
      %add3A_247 = arith.addi %mul3A_246, %add3A_240 : i32
      %mul3A_248 = arith.constant 4 : i32
      %mul3A_249 = arith.muli %add3A_247, %mul3A_248 : i32
      %add3A_250 = arith.constant 0 : i32
      %add3A_251 = arith.addi %mul3A_249, %add3A_250 : i32
      %dma_wait3A = arith.constant 0 : i32
      %dma_wait3A_252 = arith.constant 0 : i32
      %dma_wait3A_253 = arith.constant 0 : i32
      %dma_wait3A_254 = tpu.memref_slice %arg8[%dma_wait3A, %dma_wait3A_252, %dma_wait3A_253] : memref<2x16x768xf32, #tpu.memory_space<vmem>> -> memref<1x16x768xf32, #tpu.memory_space<vmem>>
      %dma_wait3A_255 = tpu.memref_squeeze %dma_wait3A_254 : memref<1x16x768xf32, #tpu.memory_space<vmem>> -> memref<16x768xf32, #tpu.memory_space<vmem>>
      %dma_wait3A_256 = arith.constant 0 : i32
      %dma_wait3A_257 = arith.constant 0 : i32
      %dma_wait3A_258 = tpu.memref_slice %dma_wait3A_255[%dma_wait3A_256, %dma_wait3A_257] : memref<16x768xf32, #tpu.memory_space<vmem>> -> memref<4x768xf32, #tpu.memory_space<vmem>>
      %dma_wait3A_259 = arith.constant 0 : i32
      %dma_wait3A_260 = arith.constant 0 : i32
      %dma_wait3A_261 = tpu.memref_slice %arg3[%add3A_251, %dma_wait3A_259, %dma_wait3A_260] : memref<2048x4x768xf32, #tpu.memory_space<hbm>> -> memref<1x4x768xf32, #tpu.memory_space<hbm>>
      %dma_wait3A_262 = tpu.memref_squeeze %dma_wait3A_261 : memref<1x4x768xf32, #tpu.memory_space<hbm>> -> memref<4x768xf32, #tpu.memory_space<hbm>>
      %dma_wait3A_263 = arith.constant 0 : i32
      %dma_wait3A_264 = arith.constant 0 : i32
      %dma_wait3A_265 = tpu.memref_slice %arg8[%dma_wait3A, %dma_wait3A_263, %dma_wait3A_264] : memref<2x16x768xf32, #tpu.memory_space<vmem>> -> memref<1x16x768xf32, #tpu.memory_space<vmem>>
      %dma_wait3A_266 = tpu.memref_squeeze %dma_wait3A_265 : memref<1x16x768xf32, #tpu.memory_space<vmem>> -> memref<16x768xf32, #tpu.memory_space<vmem>>
      %dma_wait3A_267 = arith.constant 0 : i32
      %dma_wait3A_268 = arith.constant 0 : i32
      %dma_wait3A_269 = tpu.memref_slice %dma_wait3A_266[%dma_wait3A_267, %dma_wait3A_268] : memref<16x768xf32, #tpu.memory_space<vmem>> -> memref<4x768xf32, #tpu.memory_space<vmem>>
      %dma_wait3A_270 = arith.constant 0 : i32
      %dma_wait3A_271 = arith.constant 0 : i32
      %dma_wait3A_272 = tpu.memref_slice %arg3[%add3A_251, %dma_wait3A_270, %dma_wait3A_271] : memref<2048x4x768xf32, #tpu.memory_space<hbm>> -> memref<1x4x768xf32, #tpu.memory_space<hbm>>
      %dma_wait3A_273 = tpu.memref_squeeze %dma_wait3A_272 : memref<1x4x768xf32, #tpu.memory_space<hbm>> -> memref<4x768xf32, #tpu.memory_space<hbm>>
      tpu.wait_dma2 semaphore(%arg12 : memref<!tpu.dma_semaphore, #tpu.memory_space<semaphore_mem>>) src(%dma_wait3A_273 : memref<4x768xf32, #tpu.memory_space<hbm>>) dst(%dma_wait3A_269 : memref<4x768xf32, #tpu.memory_space<vmem>>)
      %mul3A_274 = arith.constant 16 : i32
      %mul3A_275 = arith.muli %add3A, %mul3A_274 : i32
      %add3A_276 = arith.addi %mul3A_275, %add3A_240 : i32
      %mul3A_277 = arith.constant 4 : i32
      %mul3A_278 = arith.muli %add3A_276, %mul3A_277 : i32
      %add3A_279 = arith.constant 1 : i32
      %add3A_280 = arith.addi %mul3A_278, %add3A_279 : i32
      %dma_wait3A_281 = arith.constant 0 : i32
      %dma_wait3A_282 = arith.constant 0 : i32
      %dma_wait3A_283 = arith.constant 0 : i32
      %dma_wait3A_284 = tpu.memref_slice %arg8[%dma_wait3A_281, %dma_wait3A_282, %dma_wait3A_283] : memref<2x16x768xf32, #tpu.memory_space<vmem>> -> memref<1x16x768xf32, #tpu.memory_space<vmem>>
      %dma_wait3A_285 = tpu.memref_squeeze %dma_wait3A_284 : memref<1x16x768xf32, #tpu.memory_space<vmem>> -> memref<16x768xf32, #tpu.memory_space<vmem>>
      %dma_wait3A_286 = arith.constant 4 : i32
      %dma_wait3A_287 = arith.constant 0 : i32
      %dma_wait3A_288 = tpu.memref_slice %dma_wait3A_285[%dma_wait3A_286, %dma_wait3A_287] : memref<16x768xf32, #tpu.memory_space<vmem>> -> memref<4x768xf32, #tpu.memory_space<vmem>>
      %dma_wait3A_289 = arith.constant 0 : i32
      %dma_wait3A_290 = arith.constant 0 : i32
      %dma_wait3A_291 = tpu.memref_slice %arg3[%add3A_280, %dma_wait3A_289, %dma_wait3A_290] : memref<2048x4x768xf32, #tpu.memory_space<hbm>> -> memref<1x4x768xf32, #tpu.memory_space<hbm>>
      %dma_wait3A_292 = tpu.memref_squeeze %dma_wait3A_291 : memref<1x4x768xf32, #tpu.memory_space<hbm>> -> memref<4x768xf32, #tpu.memory_space<hbm>>
      %dma_wait3A_293 = arith.constant 0 : i32
      %dma_wait3A_294 = arith.constant 0 : i32
      %dma_wait3A_295 = tpu.memref_slice %arg8[%dma_wait3A_281, %dma_wait3A_293, %dma_wait3A_294] : memref<2x16x768xf32, #tpu.memory_space<vmem>> -> memref<1x16x768xf32, #tpu.memory_space<vmem>>
      %dma_wait3A_296 = tpu.memref_squeeze %dma_wait3A_295 : memref<1x16x768xf32, #tpu.memory_space<vmem>> -> memref<16x768xf32, #tpu.memory_space<vmem>>
      %dma_wait3A_297 = arith.constant 4 : i32
      %dma_wait3A_298 = arith.constant 0 : i32
      %dma_wait3A_299 = tpu.memref_slice %dma_wait3A_296[%dma_wait3A_297, %dma_wait3A_298] : memref<16x768xf32, #tpu.memory_space<vmem>> -> memref<4x768xf32, #tpu.memory_space<vmem>>
      %dma_wait3A_300 = arith.constant 0 : i32
      %dma_wait3A_301 = arith.constant 0 : i32
      %dma_wait3A_302 = tpu.memref_slice %arg3[%add3A_280, %dma_wait3A_300, %dma_wait3A_301] : memref<2048x4x768xf32, #tpu.memory_space<hbm>> -> memref<1x4x768xf32, #tpu.memory_space<hbm>>
      %dma_wait3A_303 = tpu.memref_squeeze %dma_wait3A_302 : memref<1x4x768xf32, #tpu.memory_space<hbm>> -> memref<4x768xf32, #tpu.memory_space<hbm>>
      tpu.wait_dma2 semaphore(%arg12 : memref<!tpu.dma_semaphore, #tpu.memory_space<semaphore_mem>>) src(%dma_wait3A_303 : memref<4x768xf32, #tpu.memory_space<hbm>>) dst(%dma_wait3A_299 : memref<4x768xf32, #tpu.memory_space<vmem>>)
      %mul3A_304 = arith.constant 16 : i32
      %mul3A_305 = arith.muli %add3A, %mul3A_304 : i32
      %add3A_306 = arith.addi %mul3A_305, %add3A_240 : i32
      %mul3A_307 = arith.constant 4 : i32
      %mul3A_308 = arith.muli %add3A_306, %mul3A_307 : i32
      %add3A_309 = arith.constant 2 : i32
      %add3A_310 = arith.addi %mul3A_308, %add3A_309 : i32
      %dma_wait3A_311 = arith.constant 0 : i32
      %dma_wait3A_312 = arith.constant 0 : i32
      %dma_wait3A_313 = arith.constant 0 : i32
      %dma_wait3A_314 = tpu.memref_slice %arg8[%dma_wait3A_311, %dma_wait3A_312, %dma_wait3A_313] : memref<2x16x768xf32, #tpu.memory_space<vmem>> -> memref<1x16x768xf32, #tpu.memory_space<vmem>>
      %dma_wait3A_315 = tpu.memref_squeeze %dma_wait3A_314 : memref<1x16x768xf32, #tpu.memory_space<vmem>> -> memref<16x768xf32, #tpu.memory_space<vmem>>
      %dma_wait3A_316 = arith.constant 8 : i32
      %dma_wait3A_317 = arith.constant 0 : i32
      %dma_wait3A_318 = tpu.memref_slice %dma_wait3A_315[%dma_wait3A_316, %dma_wait3A_317] : memref<16x768xf32, #tpu.memory_space<vmem>> -> memref<4x768xf32, #tpu.memory_space<vmem>>
      %dma_wait3A_319 = arith.constant 0 : i32
      %dma_wait3A_320 = arith.constant 0 : i32
      %dma_wait3A_321 = tpu.memref_slice %arg3[%add3A_310, %dma_wait3A_319, %dma_wait3A_320] : memref<2048x4x768xf32, #tpu.memory_space<hbm>> -> memref<1x4x768xf32, #tpu.memory_space<hbm>>
      %dma_wait3A_322 = tpu.memref_squeeze %dma_wait3A_321 : memref<1x4x768xf32, #tpu.memory_space<hbm>> -> memref<4x768xf32, #tpu.memory_space<hbm>>
      %dma_wait3A_323 = arith.constant 0 : i32
      %dma_wait3A_324 = arith.constant 0 : i32
      %dma_wait3A_325 = tpu.memref_slice %arg8[%dma_wait3A_311, %dma_wait3A_323, %dma_wait3A_324] : memref<2x16x768xf32, #tpu.memory_space<vmem>> -> memref<1x16x768xf32, #tpu.memory_space<vmem>>
      %dma_wait3A_326 = tpu.memref_squeeze %dma_wait3A_325 : memref<1x16x768xf32, #tpu.memory_space<vmem>> -> memref<16x768xf32, #tpu.memory_space<vmem>>
      %dma_wait3A_327 = arith.constant 8 : i32
      %dma_wait3A_328 = arith.constant 0 : i32
      %dma_wait3A_329 = tpu.memref_slice %dma_wait3A_326[%dma_wait3A_327, %dma_wait3A_328] : memref<16x768xf32, #tpu.memory_space<vmem>> -> memref<4x768xf32, #tpu.memory_space<vmem>>
      %dma_wait3A_330 = arith.constant 0 : i32
      %dma_wait3A_331 = arith.constant 0 : i32
      %dma_wait3A_332 = tpu.memref_slice %arg3[%add3A_310, %dma_wait3A_330, %dma_wait3A_331] : memref<2048x4x768xf32, #tpu.memory_space<hbm>> -> memref<1x4x768xf32, #tpu.memory_space<hbm>>
      %dma_wait3A_333 = tpu.memref_squeeze %dma_wait3A_332 : memref<1x4x768xf32, #tpu.memory_space<hbm>> -> memref<4x768xf32, #tpu.memory_space<hbm>>
      tpu.wait_dma2 semaphore(%arg12 : memref<!tpu.dma_semaphore, #tpu.memory_space<semaphore_mem>>) src(%dma_wait3A_333 : memref<4x768xf32, #tpu.memory_space<hbm>>) dst(%dma_wait3A_329 : memref<4x768xf32, #tpu.memory_space<vmem>>)
      %mul3A_334 = arith.constant 16 : i32
      %mul3A_335 = arith.muli %add3A, %mul3A_334 : i32
      %add3A_336 = arith.addi %mul3A_335, %add3A_240 : i32
      %mul3A_337 = arith.constant 4 : i32
      %mul3A_338 = arith.muli %add3A_336, %mul3A_337 : i32
      %add3A_339 = arith.constant 3 : i32
      %add3A_340 = arith.addi %mul3A_338, %add3A_339 : i32
      %dma_wait3A_341 = arith.constant 0 : i32
      %dma_wait3A_342 = arith.constant 0 : i32
      %dma_wait3A_343 = arith.constant 0 : i32
      %dma_wait3A_344 = tpu.memref_slice %arg8[%dma_wait3A_341, %dma_wait3A_342, %dma_wait3A_343] : memref<2x16x768xf32, #tpu.memory_space<vmem>> -> memref<1x16x768xf32, #tpu.memory_space<vmem>>
      %dma_wait3A_345 = tpu.memref_squeeze %dma_wait3A_344 : memref<1x16x768xf32, #tpu.memory_space<vmem>> -> memref<16x768xf32, #tpu.memory_space<vmem>>
      %dma_wait3A_346 = arith.constant 12 : i32
      %dma_wait3A_347 = arith.constant 0 : i32
      %dma_wait3A_348 = tpu.memref_slice %dma_wait3A_345[%dma_wait3A_346, %dma_wait3A_347] : memref<16x768xf32, #tpu.memory_space<vmem>> -> memref<4x768xf32, #tpu.memory_space<vmem>>
      %dma_wait3A_349 = arith.constant 0 : i32
      %dma_wait3A_350 = arith.constant 0 : i32
      %dma_wait3A_351 = tpu.memref_slice %arg3[%add3A_340, %dma_wait3A_349, %dma_wait3A_350] : memref<2048x4x768xf32, #tpu.memory_space<hbm>> -> memref<1x4x768xf32, #tpu.memory_space<hbm>>
      %dma_wait3A_352 = tpu.memref_squeeze %dma_wait3A_351 : memref<1x4x768xf32, #tpu.memory_space<hbm>> -> memref<4x768xf32, #tpu.memory_space<hbm>>
      %dma_wait3A_353 = arith.constant 0 : i32
      %dma_wait3A_354 = arith.constant 0 : i32
      %dma_wait3A_355 = tpu.memref_slice %arg8[%dma_wait3A_341, %dma_wait3A_353, %dma_wait3A_354] : memref<2x16x768xf32, #tpu.memory_space<vmem>> -> memref<1x16x768xf32, #tpu.memory_space<vmem>>
      %dma_wait3A_356 = tpu.memref_squeeze %dma_wait3A_355 : memref<1x16x768xf32, #tpu.memory_space<vmem>> -> memref<16x768xf32, #tpu.memory_space<vmem>>
      %dma_wait3A_357 = arith.constant 12 : i32
      %dma_wait3A_358 = arith.constant 0 : i32
      %dma_wait3A_359 = tpu.memref_slice %dma_wait3A_356[%dma_wait3A_357, %dma_wait3A_358] : memref<16x768xf32, #tpu.memory_space<vmem>> -> memref<4x768xf32, #tpu.memory_space<vmem>>
      %dma_wait3A_360 = arith.constant 0 : i32
      %dma_wait3A_361 = arith.constant 0 : i32
      %dma_wait3A_362 = tpu.memref_slice %arg3[%add3A_340, %dma_wait3A_360, %dma_wait3A_361] : memref<2048x4x768xf32, #tpu.memory_space<hbm>> -> memref<1x4x768xf32, #tpu.memory_space<hbm>>
      %dma_wait3A_363 = tpu.memref_squeeze %dma_wait3A_362 : memref<1x4x768xf32, #tpu.memory_space<hbm>> -> memref<4x768xf32, #tpu.memory_space<hbm>>
      tpu.wait_dma2 semaphore(%arg12 : memref<!tpu.dma_semaphore, #tpu.memory_space<semaphore_mem>>) src(%dma_wait3A_363 : memref<4x768xf32, #tpu.memory_space<hbm>>) dst(%dma_wait3A_359 : memref<4x768xf32, #tpu.memory_space<vmem>>)
      %dma_wait3A_364 = arith.constant 0 : i32
      %dma_wait3A_365 = arith.constant 0 : i32
      %dma_wait3A_366 = arith.constant 0 : i32
      %dma_wait3A_367 = arith.constant 0 : i32
      %dma_wait3A_368 = tpu.memref_slice %arg9[%dma_wait3A_365, %dma_wait3A_366, %dma_wait3A_367] : memref<2x64x768xf32, #tpu.memory_space<vmem>> -> memref<1x64x768xf32, #tpu.memory_space<vmem>>
      %dma_wait3A_369 = tpu.memref_squeeze %dma_wait3A_368 : memref<1x64x768xf32, #tpu.memory_space<vmem>> -> memref<64x768xf32, #tpu.memory_space<vmem>>
      %dma_wait3A_370 = arith.constant 0 : i32
      %dma_wait3A_371 = arith.constant 0 : i32
      %dma_wait3A_372 = tpu.memref_slice %dma_wait3A_369[%dma_wait3A_370, %dma_wait3A_371] : memref<64x768xf32, #tpu.memory_space<vmem>> -> memref<16x768xf32, #tpu.memory_space<vmem>>
      %dma_wait3A_373 = arith.constant 0 : i32
      %dma_wait3A_374 = tpu.memref_slice %arg7[%add3A_240, %dma_wait3A_373] : memref<16x16xi32, #tpu.memory_space<vmem>> -> memref<1x16xi32, #tpu.memory_space<vmem>>
      %dma_wait3A_375 = tpu.memref_squeeze %dma_wait3A_374 : memref<1x16xi32, #tpu.memory_space<vmem>> -> memref<16xi32, #tpu.memory_space<vmem>>
      %dma_wait3A_376 = arith.constant 0 : i32
      %dma_wait3A_377 = arith.constant 0 : i32
      %dma_wait3A_378 = tpu.memref_slice %arg5[%dma_wait3A_364, %dma_wait3A_376, %dma_wait3A_377] : memref<4x8192x768xf32, #tpu.memory_space<hbm>> -> memref<1x8192x768xf32, #tpu.memory_space<hbm>>
      %dma_wait3A_379 = tpu.memref_squeeze %dma_wait3A_378 : memref<1x8192x768xf32, #tpu.memory_space<hbm>> -> memref<8192x768xf32, #tpu.memory_space<hbm>>
      %dma_wait3A_380 = arith.constant 0 : i32
      %dma_wait3A_381 = arith.constant 0 : i32
      %dma_wait3A_382 = tpu.memref_slice %dma_wait3A_379[%dma_wait3A_380, %dma_wait3A_381] : memref<8192x768xf32, #tpu.memory_space<hbm>> -> memref<8192x768xf32, #tpu.memory_space<hbm>>
      tpu.wait_indirect_dma semaphore(%arg12 : memref<!tpu.dma_semaphore, #tpu.memory_space<semaphore_mem>>) src(%dma_wait3A_382 : memref<8192x768xf32, #tpu.memory_space<hbm>>) dst(%dma_wait3A_372 : memref<16x768xf32, #tpu.memory_space<vmem>>)
      %dma_wait3A_383 = arith.constant 1 : i32
      %dma_wait3A_384 = arith.constant 0 : i32
      %dma_wait3A_385 = arith.constant 0 : i32
      %dma_wait3A_386 = arith.constant 0 : i32
      %dma_wait3A_387 = tpu.memref_slice %arg9[%dma_wait3A_384, %dma_wait3A_385, %dma_wait3A_386] : memref<2x64x768xf32, #tpu.memory_space<vmem>> -> memref<1x64x768xf32, #tpu.memory_space<vmem>>
      %dma_wait3A_388 = tpu.memref_squeeze %dma_wait3A_387 : memref<1x64x768xf32, #tpu.memory_space<vmem>> -> memref<64x768xf32, #tpu.memory_space<vmem>>
      %dma_wait3A_389 = arith.constant 16 : i32
      %dma_wait3A_390 = arith.constant 0 : i32
      %dma_wait3A_391 = tpu.memref_slice %dma_wait3A_388[%dma_wait3A_389, %dma_wait3A_390] : memref<64x768xf32, #tpu.memory_space<vmem>> -> memref<16x768xf32, #tpu.memory_space<vmem>>
      %dma_wait3A_392 = arith.constant 0 : i32
      %dma_wait3A_393 = tpu.memref_slice %arg7[%add3A_240, %dma_wait3A_392] : memref<16x16xi32, #tpu.memory_space<vmem>> -> memref<1x16xi32, #tpu.memory_space<vmem>>
      %dma_wait3A_394 = tpu.memref_squeeze %dma_wait3A_393 : memref<1x16xi32, #tpu.memory_space<vmem>> -> memref<16xi32, #tpu.memory_space<vmem>>
      %dma_wait3A_395 = arith.constant 0 : i32
      %dma_wait3A_396 = arith.constant 0 : i32
      %dma_wait3A_397 = tpu.memref_slice %arg5[%dma_wait3A_383, %dma_wait3A_395, %dma_wait3A_396] : memref<4x8192x768xf32, #tpu.memory_space<hbm>> -> memref<1x8192x768xf32, #tpu.memory_space<hbm>>
      %dma_wait3A_398 = tpu.memref_squeeze %dma_wait3A_397 : memref<1x8192x768xf32, #tpu.memory_space<hbm>> -> memref<8192x768xf32, #tpu.memory_space<hbm>>
      %dma_wait3A_399 = arith.constant 0 : i32
      %dma_wait3A_400 = arith.constant 0 : i32
      %dma_wait3A_401 = tpu.memref_slice %dma_wait3A_398[%dma_wait3A_399, %dma_wait3A_400] : memref<8192x768xf32, #tpu.memory_space<hbm>> -> memref<8192x768xf32, #tpu.memory_space<hbm>>
      tpu.wait_indirect_dma semaphore(%arg12 : memref<!tpu.dma_semaphore, #tpu.memory_space<semaphore_mem>>) src(%dma_wait3A_401 : memref<8192x768xf32, #tpu.memory_space<hbm>>) dst(%dma_wait3A_391 : memref<16x768xf32, #tpu.memory_space<vmem>>)
      %dma_wait3A_402 = arith.constant 2 : i32
      %dma_wait3A_403 = arith.constant 0 : i32
      %dma_wait3A_404 = arith.constant 0 : i32
      %dma_wait3A_405 = arith.constant 0 : i32
      %dma_wait3A_406 = tpu.memref_slice %arg9[%dma_wait3A_403, %dma_wait3A_404, %dma_wait3A_405] : memref<2x64x768xf32, #tpu.memory_space<vmem>> -> memref<1x64x768xf32, #tpu.memory_space<vmem>>
      %dma_wait3A_407 = tpu.memref_squeeze %dma_wait3A_406 : memref<1x64x768xf32, #tpu.memory_space<vmem>> -> memref<64x768xf32, #tpu.memory_space<vmem>>
      %dma_wait3A_408 = arith.constant 32 : i32
      %dma_wait3A_409 = arith.constant 0 : i32
      %dma_wait3A_410 = tpu.memref_slice %dma_wait3A_407[%dma_wait3A_408, %dma_wait3A_409] : memref<64x768xf32, #tpu.memory_space<vmem>> -> memref<16x768xf32, #tpu.memory_space<vmem>>
      %dma_wait3A_411 = arith.constant 0 : i32
      %dma_wait3A_412 = tpu.memref_slice %arg7[%add3A_240, %dma_wait3A_411] : memref<16x16xi32, #tpu.memory_space<vmem>> -> memref<1x16xi32, #tpu.memory_space<vmem>>
      %dma_wait3A_413 = tpu.memref_squeeze %dma_wait3A_412 : memref<1x16xi32, #tpu.memory_space<vmem>> -> memref<16xi32, #tpu.memory_space<vmem>>
      %dma_wait3A_414 = arith.constant 0 : i32
      %dma_wait3A_415 = arith.constant 0 : i32
      %dma_wait3A_416 = tpu.memref_slice %arg5[%dma_wait3A_402, %dma_wait3A_414, %dma_wait3A_415] : memref<4x8192x768xf32, #tpu.memory_space<hbm>> -> memref<1x8192x768xf32, #tpu.memory_space<hbm>>
      %dma_wait3A_417 = tpu.memref_squeeze %dma_wait3A_416 : memref<1x8192x768xf32, #tpu.memory_space<hbm>> -> memref<8192x768xf32, #tpu.memory_space<hbm>>
      %dma_wait3A_418 = arith.constant 0 : i32
      %dma_wait3A_419 = arith.constant 0 : i32
      %dma_wait3A_420 = tpu.memref_slice %dma_wait3A_417[%dma_wait3A_418, %dma_wait3A_419] : memref<8192x768xf32, #tpu.memory_space<hbm>> -> memref<8192x768xf32, #tpu.memory_space<hbm>>
      tpu.wait_indirect_dma semaphore(%arg12 : memref<!tpu.dma_semaphore, #tpu.memory_space<semaphore_mem>>) src(%dma_wait3A_420 : memref<8192x768xf32, #tpu.memory_space<hbm>>) dst(%dma_wait3A_410 : memref<16x768xf32, #tpu.memory_space<vmem>>)
      %dma_wait3A_421 = arith.constant 3 : i32
      %dma_wait3A_422 = arith.constant 0 : i32
      %dma_wait3A_423 = arith.constant 0 : i32
      %dma_wait3A_424 = arith.constant 0 : i32
      %dma_wait3A_425 = tpu.memref_slice %arg9[%dma_wait3A_422, %dma_wait3A_423, %dma_wait3A_424] : memref<2x64x768xf32, #tpu.memory_space<vmem>> -> memref<1x64x768xf32, #tpu.memory_space<vmem>>
      %dma_wait3A_426 = tpu.memref_squeeze %dma_wait3A_425 : memref<1x64x768xf32, #tpu.memory_space<vmem>> -> memref<64x768xf32, #tpu.memory_space<vmem>>
      %dma_wait3A_427 = arith.constant 48 : i32
      %dma_wait3A_428 = arith.constant 0 : i32
      %dma_wait3A_429 = tpu.memref_slice %dma_wait3A_426[%dma_wait3A_427, %dma_wait3A_428] : memref<64x768xf32, #tpu.memory_space<vmem>> -> memref<16x768xf32, #tpu.memory_space<vmem>>
      %dma_wait3A_430 = arith.constant 0 : i32
      %dma_wait3A_431 = tpu.memref_slice %arg7[%add3A_240, %dma_wait3A_430] : memref<16x16xi32, #tpu.memory_space<vmem>> -> memref<1x16xi32, #tpu.memory_space<vmem>>
      %dma_wait3A_432 = tpu.memref_squeeze %dma_wait3A_431 : memref<1x16xi32, #tpu.memory_space<vmem>> -> memref<16xi32, #tpu.memory_space<vmem>>
      %dma_wait3A_433 = arith.constant 0 : i32
      %dma_wait3A_434 = arith.constant 0 : i32
      %dma_wait3A_435 = tpu.memref_slice %arg5[%dma_wait3A_421, %dma_wait3A_433, %dma_wait3A_434] : memref<4x8192x768xf32, #tpu.memory_space<hbm>> -> memref<1x8192x768xf32, #tpu.memory_space<hbm>>
      %dma_wait3A_436 = tpu.memref_squeeze %dma_wait3A_435 : memref<1x8192x768xf32, #tpu.memory_space<hbm>> -> memref<8192x768xf32, #tpu.memory_space<hbm>>
      %dma_wait3A_437 = arith.constant 0 : i32
      %dma_wait3A_438 = arith.constant 0 : i32
      %dma_wait3A_439 = tpu.memref_slice %dma_wait3A_436[%dma_wait3A_437, %dma_wait3A_438] : memref<8192x768xf32, #tpu.memory_space<hbm>> -> memref<8192x768xf32, #tpu.memory_space<hbm>>
      tpu.wait_indirect_dma semaphore(%arg12 : memref<!tpu.dma_semaphore, #tpu.memory_space<semaphore_mem>>) src(%dma_wait3A_439 : memref<8192x768xf32, #tpu.memory_space<hbm>>) dst(%dma_wait3A_429 : memref<16x768xf32, #tpu.memory_space<vmem>>)
      %scan3A_440 = arith.constant 0 : i32
      %scan3A_441 = arith.constant 4 : i32
      %scan3A_442 = arith.addi %scan3A_440, %scan3A_441 : i32
      %scan3A_443 = arith.constant 1 : i32
      %scan3A_444:4 = scf.for %scan3A_669 = %scan3A_440 to %scan3A_442 step %scan3A_443 iter_args(%scan3A_670 = %scan3A_230, %scan3A_671 = %scan3A_231, %scan3A_672 = %scan3A_232, %scan3A_673 = %scan3A_233) -> (vector<16xf32>, vector<16xf32>, vector<16xf32>, vector<16xf32>)  : i32 {
        %scan3A_674 = arith.constant 0 : i32
        %scan3A_675 = arith.constant 4 : i32
        %scan3A_676 = arith.addi %scan3A_674, %scan3A_675 : i32
        %scan3A_677 = arith.constant 1 : i32
        %scan3A_678:4 = scf.for %scan3A_714 = %scan3A_674 to %scan3A_676 step %scan3A_677 iter_args(%scan3A_715 = %broadcast_in_dim3A_5, %scan3A_716 = %broadcast_in_dim3A_5, %scan3A_717 = %broadcast_in_dim3A_5, %scan3A_718 = %broadcast_in_dim3A_5) -> (vector<16xf32>, vector<16xf32>, vector<16xf32>, vector<16xf32>)  : i32 {
          %mul3A_719 = arith.constant 4 : i32
          %mul3A_720 = arith.muli %scan3A_669, %mul3A_719 : i32
          %add3A_721 = arith.addi %mul3A_720, %scan3A_714 : i32
          %scan3A_722 = arith.constant 0 : i32
          %scan3A_723 = arith.constant 48 : i32
          %scan3A_724 = arith.addi %scan3A_722, %scan3A_723 : i32
          %scan3A_725 = arith.constant 4 : i32
          %scan3A_726:4 = scf.for %scan3A_728 = %scan3A_722 to %scan3A_724 step %scan3A_725 iter_args(%scan3A_729 = %scan3A_715, %scan3A_730 = %scan3A_716, %scan3A_731 = %scan3A_717, %scan3A_732 = %scan3A_718) -> (vector<16xf32>, vector<16xf32>, vector<16xf32>, vector<16xf32>)  : i32 {
            %mul3A_733 = arith.constant 16 : i32
            %mul3A_734 = arith.muli %scan3A_728, %mul3A_733 : i32
            %get3A = arith.constant 0 : i32
            %get3A_735 = arith.index_cast %get3A : i32 to index
            %get3A_736 = arith.index_cast %add3A_721 : i32 to index
            %get3A_737 = arith.index_cast %mul3A_734 : i32 to index
            %get3A_738 = tpu.vector_load %arg8[%get3A_735, %get3A_736, %get3A_737] {strides = array<i32>} : memref<2x16x768xf32, #tpu.memory_space<vmem>>, vector<16xf32>,
            %add3A_739 = arith.constant 0 : i32
            %add3A_740 = arith.addi %add3A_739, %add3A_721 : i32
            %get3A_741 = arith.constant 0 : i32
            %get3A_742 = arith.index_cast %get3A_741 : i32 to index
            %get3A_743 = arith.index_cast %add3A_740 : i32 to index
            %get3A_744 = arith.index_cast %mul3A_734 : i32 to index
            %get3A_745 = tpu.vector_load %arg9[%get3A_742, %get3A_743, %get3A_744] {strides = array<i32>} : memref<2x64x768xf32, #tpu.memory_space<vmem>>, vector<16xf32>,
            %mul3A_746 = arith.mulf %get3A_738, %get3A_745 : vector<16xf32>
            %add3A_747 = arith.addf %scan3A_729, %mul3A_746 : vector<16xf32>
            %add3A_748 = arith.constant 16 : i32
            %add3A_749 = arith.addi %add3A_748, %add3A_721 : i32
            %get3A_750 = arith.constant 0 : i32
            %get3A_751 = arith.index_cast %get3A_750 : i32 to index
            %get3A_752 = arith.index_cast %add3A_749 : i32 to index
            %get3A_753 = arith.index_cast %mul3A_734 : i32 to index
            %get3A_754 = tpu.vector_load %arg9[%get3A_751, %get3A_752, %get3A_753] {strides = array<i32>} : memref<2x64x768xf32, #tpu.memory_space<vmem>>, vector<16xf32>,
            %mul3A_755 = arith.mulf %get3A_738, %get3A_754 : vector<16xf32>
            %add3A_756 = arith.addf %scan3A_730, %mul3A_755 : vector<16xf32>
            %add3A_757 = arith.constant 32 : i32
            %add3A_758 = arith.addi %add3A_757, %add3A_721 : i32
            %get3A_759 = arith.constant 0 : i32
            %get3A_760 = arith.index_cast %get3A_759 : i32 to index
            %get3A_761 = arith.index_cast %add3A_758 : i32 to index
            %get3A_762 = arith.index_cast %mul3A_734 : i32 to index
            %get3A_763 = tpu.vector_load %arg9[%get3A_760, %get3A_761, %get3A_762] {strides = array<i32>} : memref<2x64x768xf32, #tpu.memory_space<vmem>>, vector<16xf32>,
            %mul3A_764 = arith.mulf %get3A_738, %get3A_763 : vector<16xf32>
            %add3A_765 = arith.addf %scan3A_731, %mul3A_764 : vector<16xf32>
            %add3A_766 = arith.constant 48 : i32
            %add3A_767 = arith.addi %add3A_766, %add3A_721 : i32
            %get3A_768 = arith.constant 0 : i32
            %get3A_769 = arith.index_cast %get3A_768 : i32 to index
            %get3A_770 = arith.index_cast %add3A_767 : i32 to index
            %get3A_771 = arith.index_cast %mul3A_734 : i32 to index
            %get3A_772 = tpu.vector_load %arg9[%get3A_769, %get3A_770, %get3A_771] {strides = array<i32>} : memref<2x64x768xf32, #tpu.memory_space<vmem>>, vector<16xf32>,
            %mul3A_773 = arith.mulf %get3A_738, %get3A_772 : vector<16xf32>
            %add3A_774 = arith.addf %scan3A_732, %mul3A_773 : vector<16xf32>
            %scan3A_775 = arith.constant 1 : i32
            %scan3A_776 = arith.addi %scan3A_728, %scan3A_775 : i32
            %mul3A_777 = arith.constant 16 : i32
            %mul3A_778 = arith.muli %scan3A_776, %mul3A_777 : i32
            %get3A_779 = arith.constant 0 : i32
            %get3A_780 = arith.index_cast %get3A_779 : i32 to index
            %get3A_781 = arith.index_cast %add3A_721 : i32 to index
            %get3A_782 = arith.index_cast %mul3A_778 : i32 to index
            %get3A_783 = tpu.vector_load %arg8[%get3A_780, %get3A_781, %get3A_782] {strides = array<i32>} : memref<2x16x768xf32, #tpu.memory_space<vmem>>, vector<16xf32>,
            %add3A_784 = arith.constant 0 : i32
            %add3A_785 = arith.addi %add3A_784, %add3A_721 : i32
            %get3A_786 = arith.constant 0 : i32
            %get3A_787 = arith.index_cast %get3A_786 : i32 to index
            %get3A_788 = arith.index_cast %add3A_785 : i32 to index
            %get3A_789 = arith.index_cast %mul3A_778 : i32 to index
            %get3A_790 = tpu.vector_load %arg9[%get3A_787, %get3A_788, %get3A_789] {strides = array<i32>} : memref<2x64x768xf32, #tpu.memory_space<vmem>>, vector<16xf32>,
            %mul3A_791 = arith.mulf %get3A_783, %get3A_790 : vector<16xf32>
            %add3A_792 = arith.addf %add3A_747, %mul3A_791 : vector<16xf32>
            %add3A_793 = arith.constant 16 : i32
            %add3A_794 = arith.addi %add3A_793, %add3A_721 : i32
            %get3A_795 = arith.constant 0 : i32
            %get3A_796 = arith.index_cast %get3A_795 : i32 to index
            %get3A_797 = arith.index_cast %add3A_794 : i32 to index
            %get3A_798 = arith.index_cast %mul3A_778 : i32 to index
            %get3A_799 = tpu.vector_load %arg9[%get3A_796, %get3A_797, %get3A_798] {strides = array<i32>} : memref<2x64x768xf32, #tpu.memory_space<vmem>>, vector<16xf32>,
            %mul3A_800 = arith.mulf %get3A_783, %get3A_799 : vector<16xf32>
            %add3A_801 = arith.addf %add3A_756, %mul3A_800 : vector<16xf32>
            %add3A_802 = arith.constant 32 : i32
            %add3A_803 = arith.addi %add3A_802, %add3A_721 : i32
            %get3A_804 = arith.constant 0 : i32
            %get3A_805 = arith.index_cast %get3A_804 : i32 to index
            %get3A_806 = arith.index_cast %add3A_803 : i32 to index
            %get3A_807 = arith.index_cast %mul3A_778 : i32 to index
            %get3A_808 = tpu.vector_load %arg9[%get3A_805, %get3A_806, %get3A_807] {strides = array<i32>} : memref<2x64x768xf32, #tpu.memory_space<vmem>>, vector<16xf32>,
            %mul3A_809 = arith.mulf %get3A_783, %get3A_808 : vector<16xf32>
            %add3A_810 = arith.addf %add3A_765, %mul3A_809 : vector<16xf32>
            %add3A_811 = arith.constant 48 : i32
            %add3A_812 = arith.addi %add3A_811, %add3A_721 : i32
            %get3A_813 = arith.constant 0 : i32
            %get3A_814 = arith.index_cast %get3A_813 : i32 to index
            %get3A_815 = arith.index_cast %add3A_812 : i32 to index
            %get3A_816 = arith.index_cast %mul3A_778 : i32 to index
            %get3A_817 = tpu.vector_load %arg9[%get3A_814, %get3A_815, %get3A_816] {strides = array<i32>} : memref<2x64x768xf32, #tpu.memory_space<vmem>>, vector<16xf32>,
            %mul3A_818 = arith.mulf %get3A_783, %get3A_817 : vector<16xf32>
            %add3A_819 = arith.addf %add3A_774, %mul3A_818 : vector<16xf32>
            %scan3A_820 = arith.constant 2 : i32
            %scan3A_821 = arith.addi %scan3A_728, %scan3A_820 : i32
            %mul3A_822 = arith.constant 16 : i32
            %mul3A_823 = arith.muli %scan3A_821, %mul3A_822 : i32
            %get3A_824 = arith.constant 0 : i32
            %get3A_825 = arith.index_cast %get3A_824 : i32 to index
            %get3A_826 = arith.index_cast %add3A_721 : i32 to index
            %get3A_827 = arith.index_cast %mul3A_823 : i32 to index
            %get3A_828 = tpu.vector_load %arg8[%get3A_825, %get3A_826, %get3A_827] {strides = array<i32>} : memref<2x16x768xf32, #tpu.memory_space<vmem>>, vector<16xf32>,
            %add3A_829 = arith.constant 0 : i32
            %add3A_830 = arith.addi %add3A_829, %add3A_721 : i32
            %get3A_831 = arith.constant 0 : i32
            %get3A_832 = arith.index_cast %get3A_831 : i32 to index
            %get3A_833 = arith.index_cast %add3A_830 : i32 to index
            %get3A_834 = arith.index_cast %mul3A_823 : i32 to index
            %get3A_835 = tpu.vector_load %arg9[%get3A_832, %get3A_833, %get3A_834] {strides = array<i32>} : memref<2x64x768xf32, #tpu.memory_space<vmem>>, vector<16xf32>,
            %mul3A_836 = arith.mulf %get3A_828, %get3A_835 : vector<16xf32>
            %add3A_837 = arith.addf %add3A_792, %mul3A_836 : vector<16xf32>
            %add3A_838 = arith.constant 16 : i32
            %add3A_839 = arith.addi %add3A_838, %add3A_721 : i32
            %get3A_840 = arith.constant 0 : i32
            %get3A_841 = arith.index_cast %get3A_840 : i32 to index
            %get3A_842 = arith.index_cast %add3A_839 : i32 to index
            %get3A_843 = arith.index_cast %mul3A_823 : i32 to index
            %get3A_844 = tpu.vector_load %arg9[%get3A_841, %get3A_842, %get3A_843] {strides = array<i32>} : memref<2x64x768xf32, #tpu.memory_space<vmem>>, vector<16xf32>,
            %mul3A_845 = arith.mulf %get3A_828, %get3A_844 : vector<16xf32>
            %add3A_846 = arith.addf %add3A_801, %mul3A_845 : vector<16xf32>
            %add3A_847 = arith.constant 32 : i32
            %add3A_848 = arith.addi %add3A_847, %add3A_721 : i32
            %get3A_849 = arith.constant 0 : i32
            %get3A_850 = arith.index_cast %get3A_849 : i32 to index
            %get3A_851 = arith.index_cast %add3A_848 : i32 to index
            %get3A_852 = arith.index_cast %mul3A_823 : i32 to index
            %get3A_853 = tpu.vector_load %arg9[%get3A_850, %get3A_851, %get3A_852] {strides = array<i32>} : memref<2x64x768xf32, #tpu.memory_space<vmem>>, vector<16xf32>,
            %mul3A_854 = arith.mulf %get3A_828, %get3A_853 : vector<16xf32>
            %add3A_855 = arith.addf %add3A_810, %mul3A_854 : vector<16xf32>
            %add3A_856 = arith.constant 48 : i32
            %add3A_857 = arith.addi %add3A_856, %add3A_721 : i32
            %get3A_858 = arith.constant 0 : i32
            %get3A_859 = arith.index_cast %get3A_858 : i32 to index
            %get3A_860 = arith.index_cast %add3A_857 : i32 to index
            %get3A_861 = arith.index_cast %mul3A_823 : i32 to index
            %get3A_862 = tpu.vector_load %arg9[%get3A_859, %get3A_860, %get3A_861] {strides = array<i32>} : memref<2x64x768xf32, #tpu.memory_space<vmem>>, vector<16xf32>,
            %mul3A_863 = arith.mulf %get3A_828, %get3A_862 : vector<16xf32>
            %add3A_864 = arith.addf %add3A_819, %mul3A_863 : vector<16xf32>
            %scan3A_865 = arith.constant 3 : i32
            %scan3A_866 = arith.addi %scan3A_728, %scan3A_865 : i32
            %mul3A_867 = arith.constant 16 : i32
            %mul3A_868 = arith.muli %scan3A_866, %mul3A_867 : i32
            %get3A_869 = arith.constant 0 : i32
            %get3A_870 = arith.index_cast %get3A_869 : i32 to index
            %get3A_871 = arith.index_cast %add3A_721 : i32 to index
            %get3A_872 = arith.index_cast %mul3A_868 : i32 to index
            %get3A_873 = tpu.vector_load %arg8[%get3A_870, %get3A_871, %get3A_872] {strides = array<i32>} : memref<2x16x768xf32, #tpu.memory_space<vmem>>, vector<16xf32>,
            %add3A_874 = arith.constant 0 : i32
            %add3A_875 = arith.addi %add3A_874, %add3A_721 : i32
            %get3A_876 = arith.constant 0 : i32
            %get3A_877 = arith.index_cast %get3A_876 : i32 to index
            %get3A_878 = arith.index_cast %add3A_875 : i32 to index
            %get3A_879 = arith.index_cast %mul3A_868 : i32 to index
            %get3A_880 = tpu.vector_load %arg9[%get3A_877, %get3A_878, %get3A_879] {strides = array<i32>} : memref<2x64x768xf32, #tpu.memory_space<vmem>>, vector<16xf32>,
            %mul3A_881 = arith.mulf %get3A_873, %get3A_880 : vector<16xf32>
            %add3A_882 = arith.addf %add3A_837, %mul3A_881 : vector<16xf32>
            %add3A_883 = arith.constant 16 : i32
            %add3A_884 = arith.addi %add3A_883, %add3A_721 : i32
            %get3A_885 = arith.constant 0 : i32
            %get3A_886 = arith.index_cast %get3A_885 : i32 to index
            %get3A_887 = arith.index_cast %add3A_884 : i32 to index
            %get3A_888 = arith.index_cast %mul3A_868 : i32 to index
            %get3A_889 = tpu.vector_load %arg9[%get3A_886, %get3A_887, %get3A_888] {strides = array<i32>} : memref<2x64x768xf32, #tpu.memory_space<vmem>>, vector<16xf32>,
            %mul3A_890 = arith.mulf %get3A_873, %get3A_889 : vector<16xf32>
            %add3A_891 = arith.addf %add3A_846, %mul3A_890 : vector<16xf32>
            %add3A_892 = arith.constant 32 : i32
            %add3A_893 = arith.addi %add3A_892, %add3A_721 : i32
            %get3A_894 = arith.constant 0 : i32
            %get3A_895 = arith.index_cast %get3A_894 : i32 to index
            %get3A_896 = arith.index_cast %add3A_893 : i32 to index
            %get3A_897 = arith.index_cast %mul3A_868 : i32 to index
            %get3A_898 = tpu.vector_load %arg9[%get3A_895, %get3A_896, %get3A_897] {strides = array<i32>} : memref<2x64x768xf32, #tpu.memory_space<vmem>>, vector<16xf32>,
            %mul3A_899 = arith.mulf %get3A_873, %get3A_898 : vector<16xf32>
            %add3A_900 = arith.addf %add3A_855, %mul3A_899 : vector<16xf32>
            %add3A_901 = arith.constant 48 : i32
            %add3A_902 = arith.addi %add3A_901, %add3A_721 : i32
            %get3A_903 = arith.constant 0 : i32
            %get3A_904 = arith.index_cast %get3A_903 : i32 to index
            %get3A_905 = arith.index_cast %add3A_902 : i32 to index
            %get3A_906 = arith.index_cast %mul3A_868 : i32 to index
            %get3A_907 = tpu.vector_load %arg9[%get3A_904, %get3A_905, %get3A_906] {strides = array<i32>} : memref<2x64x768xf32, #tpu.memory_space<vmem>>, vector<16xf32>,
            %mul3A_908 = arith.mulf %get3A_873, %get3A_907 : vector<16xf32>
            %add3A_909 = arith.addf %add3A_864, %mul3A_908 : vector<16xf32>
            scf.yield %add3A_882, %add3A_891, %add3A_900, %add3A_909 : vector<16xf32>, vector<16xf32>, vector<16xf32>, vector<16xf32>
          }
          %scan3A_727 = arith.constant 48 : i32
          scf.yield %scan3A_726#0, %scan3A_726#1, %scan3A_726#2, %scan3A_726#3 : vector<16xf32>, vector<16xf32>, vector<16xf32>, vector<16xf32>
        }
        %scan3A_679 = arith.constant 4 : i32
        %add3A_680 = arith.constant 0 : i32
        %add3A_681 = arith.addi %mul3A_236, %add3A_680 : i32
        %add3A_682 = arith.addi %add3A_681, %scan3A_669 : i32
        %eq3A_683 = vector.broadcast %add3A_682 : i32 to vector<16xi32>
        %eq3A_684 = arith.cmpi eq, %iota3A, %eq3A_683 : vector<16xi32>
        %reduce_sum3A = arith.constant true
        %reduce_sum3A_685 = vector.broadcast %reduce_sum3A : i1 to vector<16xi1>
        %reduce_sum3A_686 = tpu.scan <sum>, %scan3A_678#0 masked %reduce_sum3A_685 : vector<16xf32>, vector<16xi1> -> vector<16xf32>
        %reduce_sum3A_687 = vector.extract %reduce_sum3A_686[15] : f32 from vector<16xf32>
        %broadcast_in_dim3A_688 = vector.broadcast %reduce_sum3A_687 : f32 to vector<16xf32>
        %select_n3A_689 = arith.select %eq3A_684, %broadcast_in_dim3A_688, %scan3A_670 : vector<16xi1>, vector<16xf32>
        %eq3A_690 = vector.broadcast %add3A_682 : i32 to vector<16xi32>
        %eq3A_691 = arith.cmpi eq, %iota3A, %eq3A_690 : vector<16xi32>
        %reduce_sum3A_692 = arith.constant true
        %reduce_sum3A_693 = vector.broadcast %reduce_sum3A_692 : i1 to vector<16xi1>
        %reduce_sum3A_694 = tpu.scan <sum>, %scan3A_678#1 masked %reduce_sum3A_693 : vector<16xf32>, vector<16xi1> -> vector<16xf32>
        %reduce_sum3A_695 = vector.extract %reduce_sum3A_694[15] : f32 from vector<16xf32>
        %broadcast_in_dim3A_696 = vector.broadcast %reduce_sum3A_695 : f32 to vector<16xf32>
        %select_n3A_697 = arith.select %eq3A_691, %broadcast_in_dim3A_696, %scan3A_671 : vector<16xi1>, vector<16xf32>
        %eq3A_698 = vector.broadcast %add3A_682 : i32 to vector<16xi32>
        %eq3A_699 = arith.cmpi eq, %iota3A, %eq3A_698 : vector<16xi32>
        %reduce_sum3A_700 = arith.constant true
        %reduce_sum3A_701 = vector.broadcast %reduce_sum3A_700 : i1 to vector<16xi1>
        %reduce_sum3A_702 = tpu.scan <sum>, %scan3A_678#2 masked %reduce_sum3A_701 : vector<16xf32>, vector<16xi1> -> vector<16xf32>
        %reduce_sum3A_703 = vector.extract %reduce_sum3A_702[15] : f32 from vector<16xf32>
        %broadcast_in_dim3A_704 = vector.broadcast %reduce_sum3A_703 : f32 to vector<16xf32>
        %select_n3A_705 = arith.select %eq3A_699, %broadcast_in_dim3A_704, %scan3A_672 : vector<16xi1>, vector<16xf32>
        %eq3A_706 = vector.broadcast %add3A_682 : i32 to vector<16xi32>
        %eq3A_707 = arith.cmpi eq, %iota3A, %eq3A_706 : vector<16xi32>
        %reduce_sum3A_708 = arith.constant true
        %reduce_sum3A_709 = vector.broadcast %reduce_sum3A_708 : i1 to vector<16xi1>
        %reduce_sum3A_710 = tpu.scan <sum>, %scan3A_678#3 masked %reduce_sum3A_709 : vector<16xf32>, vector<16xi1> -> vector<16xf32>
        %reduce_sum3A_711 = vector.extract %reduce_sum3A_710[15] : f32 from vector<16xf32>
        %broadcast_in_dim3A_712 = vector.broadcast %reduce_sum3A_711 : f32 to vector<16xf32>
        %select_n3A_713 = arith.select %eq3A_707, %broadcast_in_dim3A_712, %scan3A_673 : vector<16xi1>, vector<16xf32>
        scf.yield %select_n3A_689, %select_n3A_697, %select_n3A_705, %select_n3A_713 : vector<16xf32>, vector<16xf32>, vector<16xf32>, vector<16xf32>
      }
      %scan3A_445 = arith.constant 4 : i32
      %mul3A_446 = arith.constant 2 : i32
      %mul3A_447 = arith.muli %mul3A_446, %scan3A_229 : i32
      %add3A_448 = arith.constant 1 : i32
      %add3A_449 = arith.addi %mul3A_447, %add3A_448 : i32
      %add3A_450 = arith.constant 1 : i32
      %add3A_451 = arith.addi %add3A_449, %add3A_450 : i32
      %lt3A_452 = arith.constant 16 : i32
      %lt3A_453 = arith.cmpi slt, %add3A_451, %lt3A_452 : i32
      %convert_element_type3A_454 = arith.extui %lt3A_453 : i1 to i32
      %cond3A_455 = arith.constant 0 : i32
      %cond3A_456 = arith.cmpi ne, %convert_element_type3A_454, %cond3A_455 : i32
      scf.if %cond3A_456 {
        %add3A_669 = arith.constant 1 : i32
        %add3A_670 = arith.addi %add3A_449, %add3A_669 : i32
        %mul3A_671 = arith.constant 16 : i32
        %mul3A_672 = arith.muli %add3A, %mul3A_671 : i32
        %add3A_673 = arith.addi %mul3A_672, %add3A_670 : i32
        %mul3A_674 = arith.constant 4 : i32
        %mul3A_675 = arith.muli %add3A_673, %mul3A_674 : i32
        %add3A_676 = arith.constant 0 : i32
        %add3A_677 = arith.addi %mul3A_675, %add3A_676 : i32
        %dma_start3A_678 = arith.constant 0 : i32
        %dma_start3A_679 = arith.constant 0 : i32
        %dma_start3A_680 = arith.constant 0 : i32
        %dma_start3A_681 = tpu.memref_slice %arg8[%dma_start3A_678, %dma_start3A_679, %dma_start3A_680] : memref<2x16x768xf32, #tpu.memory_space<vmem>> -> memref<1x16x768xf32, #tpu.memory_space<vmem>>
        %dma_start3A_682 = tpu.memref_squeeze %dma_start3A_681 : memref<1x16x768xf32, #tpu.memory_space<vmem>> -> memref<16x768xf32, #tpu.memory_space<vmem>>
        %dma_start3A_683 = arith.constant 0 : i32
        %dma_start3A_684 = arith.constant 0 : i32
        %dma_start3A_685 = tpu.memref_slice %dma_start3A_682[%dma_start3A_683, %dma_start3A_684] : memref<16x768xf32, #tpu.memory_space<vmem>> -> memref<4x768xf32, #tpu.memory_space<vmem>>
        %dma_start3A_686 = arith.constant 0 : i32
        %dma_start3A_687 = arith.constant 0 : i32
        %dma_start3A_688 = tpu.memref_slice %arg3[%add3A_677, %dma_start3A_686, %dma_start3A_687] : memref<2048x4x768xf32, #tpu.memory_space<hbm>> -> memref<1x4x768xf32, #tpu.memory_space<hbm>>
        %dma_start3A_689 = tpu.memref_squeeze %dma_start3A_688 : memref<1x4x768xf32, #tpu.memory_space<hbm>> -> memref<4x768xf32, #tpu.memory_space<hbm>>
        %dma_start3A_690 = arith.constant 0 : i32
        %dma_start3A_691 = arith.constant 0 : i32
        %dma_start3A_692 = tpu.memref_slice %arg8[%dma_start3A_678, %dma_start3A_690, %dma_start3A_691] : memref<2x16x768xf32, #tpu.memory_space<vmem>> -> memref<1x16x768xf32, #tpu.memory_space<vmem>>
        %dma_start3A_693 = tpu.memref_squeeze %dma_start3A_692 : memref<1x16x768xf32, #tpu.memory_space<vmem>> -> memref<16x768xf32, #tpu.memory_space<vmem>>
        %dma_start3A_694 = arith.constant 0 : i32
        %dma_start3A_695 = arith.constant 0 : i32
        %dma_start3A_696 = tpu.memref_slice %dma_start3A_693[%dma_start3A_694, %dma_start3A_695] : memref<16x768xf32, #tpu.memory_space<vmem>> -> memref<4x768xf32, #tpu.memory_space<vmem>>
        %dma_start3A_697 = arith.constant 0 : i32
        %dma_start3A_698 = arith.constant 0 : i32
        %dma_start3A_699 = tpu.memref_slice %arg3[%add3A_677, %dma_start3A_697, %dma_start3A_698] : memref<2048x4x768xf32, #tpu.memory_space<hbm>> -> memref<1x4x768xf32, #tpu.memory_space<hbm>>
        %dma_start3A_700 = tpu.memref_squeeze %dma_start3A_699 : memref<1x4x768xf32, #tpu.memory_space<hbm>> -> memref<4x768xf32, #tpu.memory_space<hbm>>
        tpu.enqueue_dma source(%dma_start3A_700 : memref<4x768xf32, #tpu.memory_space<hbm>>) target(%dma_start3A_696 : memref<4x768xf32, #tpu.memory_space<vmem>>) target_semaphore(%arg12 : memref<!tpu.dma_semaphore, #tpu.memory_space<semaphore_mem>>)
        %mul3A_701 = arith.constant 16 : i32
        %mul3A_702 = arith.muli %add3A, %mul3A_701 : i32
        %add3A_703 = arith.addi %mul3A_702, %add3A_670 : i32
        %mul3A_704 = arith.constant 4 : i32
        %mul3A_705 = arith.muli %add3A_703, %mul3A_704 : i32
        %add3A_706 = arith.constant 1 : i32
        %add3A_707 = arith.addi %mul3A_705, %add3A_706 : i32
        %dma_start3A_708 = arith.constant 0 : i32
        %dma_start3A_709 = arith.constant 0 : i32
        %dma_start3A_710 = arith.constant 0 : i32
        %dma_start3A_711 = tpu.memref_slice %arg8[%dma_start3A_708, %dma_start3A_709, %dma_start3A_710] : memref<2x16x768xf32, #tpu.memory_space<vmem>> -> memref<1x16x768xf32, #tpu.memory_space<vmem>>
        %dma_start3A_712 = tpu.memref_squeeze %dma_start3A_711 : memref<1x16x768xf32, #tpu.memory_space<vmem>> -> memref<16x768xf32, #tpu.memory_space<vmem>>
        %dma_start3A_713 = arith.constant 4 : i32
        %dma_start3A_714 = arith.constant 0 : i32
        %dma_start3A_715 = tpu.memref_slice %dma_start3A_712[%dma_start3A_713, %dma_start3A_714] : memref<16x768xf32, #tpu.memory_space<vmem>> -> memref<4x768xf32, #tpu.memory_space<vmem>>
        %dma_start3A_716 = arith.constant 0 : i32
        %dma_start3A_717 = arith.constant 0 : i32
        %dma_start3A_718 = tpu.memref_slice %arg3[%add3A_707, %dma_start3A_716, %dma_start3A_717] : memref<2048x4x768xf32, #tpu.memory_space<hbm>> -> memref<1x4x768xf32, #tpu.memory_space<hbm>>
        %dma_start3A_719 = tpu.memref_squeeze %dma_start3A_718 : memref<1x4x768xf32, #tpu.memory_space<hbm>> -> memref<4x768xf32, #tpu.memory_space<hbm>>
        %dma_start3A_720 = arith.constant 0 : i32
        %dma_start3A_721 = arith.constant 0 : i32
        %dma_start3A_722 = tpu.memref_slice %arg8[%dma_start3A_708, %dma_start3A_720, %dma_start3A_721] : memref<2x16x768xf32, #tpu.memory_space<vmem>> -> memref<1x16x768xf32, #tpu.memory_space<vmem>>
        %dma_start3A_723 = tpu.memref_squeeze %dma_start3A_722 : memref<1x16x768xf32, #tpu.memory_space<vmem>> -> memref<16x768xf32, #tpu.memory_space<vmem>>
        %dma_start3A_724 = arith.constant 4 : i32
        %dma_start3A_725 = arith.constant 0 : i32
        %dma_start3A_726 = tpu.memref_slice %dma_start3A_723[%dma_start3A_724, %dma_start3A_725] : memref<16x768xf32, #tpu.memory_space<vmem>> -> memref<4x768xf32, #tpu.memory_space<vmem>>
        %dma_start3A_727 = arith.constant 0 : i32
        %dma_start3A_728 = arith.constant 0 : i32
        %dma_start3A_729 = tpu.memref_slice %arg3[%add3A_707, %dma_start3A_727, %dma_start3A_728] : memref<2048x4x768xf32, #tpu.memory_space<hbm>> -> memref<1x4x768xf32, #tpu.memory_space<hbm>>
        %dma_start3A_730 = tpu.memref_squeeze %dma_start3A_729 : memref<1x4x768xf32, #tpu.memory_space<hbm>> -> memref<4x768xf32, #tpu.memory_space<hbm>>
        tpu.enqueue_dma source(%dma_start3A_730 : memref<4x768xf32, #tpu.memory_space<hbm>>) target(%dma_start3A_726 : memref<4x768xf32, #tpu.memory_space<vmem>>) target_semaphore(%arg12 : memref<!tpu.dma_semaphore, #tpu.memory_space<semaphore_mem>>)
        %mul3A_731 = arith.constant 16 : i32
        %mul3A_732 = arith.muli %add3A, %mul3A_731 : i32
        %add3A_733 = arith.addi %mul3A_732, %add3A_670 : i32
        %mul3A_734 = arith.constant 4 : i32
        %mul3A_735 = arith.muli %add3A_733, %mul3A_734 : i32
        %add3A_736 = arith.constant 2 : i32
        %add3A_737 = arith.addi %mul3A_735, %add3A_736 : i32
        %dma_start3A_738 = arith.constant 0 : i32
        %dma_start3A_739 = arith.constant 0 : i32
        %dma_start3A_740 = arith.constant 0 : i32
        %dma_start3A_741 = tpu.memref_slice %arg8[%dma_start3A_738, %dma_start3A_739, %dma_start3A_740] : memref<2x16x768xf32, #tpu.memory_space<vmem>> -> memref<1x16x768xf32, #tpu.memory_space<vmem>>
        %dma_start3A_742 = tpu.memref_squeeze %dma_start3A_741 : memref<1x16x768xf32, #tpu.memory_space<vmem>> -> memref<16x768xf32, #tpu.memory_space<vmem>>
        %dma_start3A_743 = arith.constant 8 : i32
        %dma_start3A_744 = arith.constant 0 : i32
        %dma_start3A_745 = tpu.memref_slice %dma_start3A_742[%dma_start3A_743, %dma_start3A_744] : memref<16x768xf32, #tpu.memory_space<vmem>> -> memref<4x768xf32, #tpu.memory_space<vmem>>
        %dma_start3A_746 = arith.constant 0 : i32
        %dma_start3A_747 = arith.constant 0 : i32
        %dma_start3A_748 = tpu.memref_slice %arg3[%add3A_737, %dma_start3A_746, %dma_start3A_747] : memref<2048x4x768xf32, #tpu.memory_space<hbm>> -> memref<1x4x768xf32, #tpu.memory_space<hbm>>
        %dma_start3A_749 = tpu.memref_squeeze %dma_start3A_748 : memref<1x4x768xf32, #tpu.memory_space<hbm>> -> memref<4x768xf32, #tpu.memory_space<hbm>>
        %dma_start3A_750 = arith.constant 0 : i32
        %dma_start3A_751 = arith.constant 0 : i32
        %dma_start3A_752 = tpu.memref_slice %arg8[%dma_start3A_738, %dma_start3A_750, %dma_start3A_751] : memref<2x16x768xf32, #tpu.memory_space<vmem>> -> memref<1x16x768xf32, #tpu.memory_space<vmem>>
        %dma_start3A_753 = tpu.memref_squeeze %dma_start3A_752 : memref<1x16x768xf32, #tpu.memory_space<vmem>> -> memref<16x768xf32, #tpu.memory_space<vmem>>
        %dma_start3A_754 = arith.constant 8 : i32
        %dma_start3A_755 = arith.constant 0 : i32
        %dma_start3A_756 = tpu.memref_slice %dma_start3A_753[%dma_start3A_754, %dma_start3A_755] : memref<16x768xf32, #tpu.memory_space<vmem>> -> memref<4x768xf32, #tpu.memory_space<vmem>>
        %dma_start3A_757 = arith.constant 0 : i32
        %dma_start3A_758 = arith.constant 0 : i32
        %dma_start3A_759 = tpu.memref_slice %arg3[%add3A_737, %dma_start3A_757, %dma_start3A_758] : memref<2048x4x768xf32, #tpu.memory_space<hbm>> -> memref<1x4x768xf32, #tpu.memory_space<hbm>>
        %dma_start3A_760 = tpu.memref_squeeze %dma_start3A_759 : memref<1x4x768xf32, #tpu.memory_space<hbm>> -> memref<4x768xf32, #tpu.memory_space<hbm>>
        tpu.enqueue_dma source(%dma_start3A_760 : memref<4x768xf32, #tpu.memory_space<hbm>>) target(%dma_start3A_756 : memref<4x768xf32, #tpu.memory_space<vmem>>) target_semaphore(%arg12 : memref<!tpu.dma_semaphore, #tpu.memory_space<semaphore_mem>>)
        %mul3A_761 = arith.constant 16 : i32
        %mul3A_762 = arith.muli %add3A, %mul3A_761 : i32
        %add3A_763 = arith.addi %mul3A_762, %add3A_670 : i32
        %mul3A_764 = arith.constant 4 : i32
        %mul3A_765 = arith.muli %add3A_763, %mul3A_764 : i32
        %add3A_766 = arith.constant 3 : i32
        %add3A_767 = arith.addi %mul3A_765, %add3A_766 : i32
        %dma_start3A_768 = arith.constant 0 : i32
        %dma_start3A_769 = arith.constant 0 : i32
        %dma_start3A_770 = arith.constant 0 : i32
        %dma_start3A_771 = tpu.memref_slice %arg8[%dma_start3A_768, %dma_start3A_769, %dma_start3A_770] : memref<2x16x768xf32, #tpu.memory_space<vmem>> -> memref<1x16x768xf32, #tpu.memory_space<vmem>>
        %dma_start3A_772 = tpu.memref_squeeze %dma_start3A_771 : memref<1x16x768xf32, #tpu.memory_space<vmem>> -> memref<16x768xf32, #tpu.memory_space<vmem>>
        %dma_start3A_773 = arith.constant 12 : i32
        %dma_start3A_774 = arith.constant 0 : i32
        %dma_start3A_775 = tpu.memref_slice %dma_start3A_772[%dma_start3A_773, %dma_start3A_774] : memref<16x768xf32, #tpu.memory_space<vmem>> -> memref<4x768xf32, #tpu.memory_space<vmem>>
        %dma_start3A_776 = arith.constant 0 : i32
        %dma_start3A_777 = arith.constant 0 : i32
        %dma_start3A_778 = tpu.memref_slice %arg3[%add3A_767, %dma_start3A_776, %dma_start3A_777] : memref<2048x4x768xf32, #tpu.memory_space<hbm>> -> memref<1x4x768xf32, #tpu.memory_space<hbm>>
        %dma_start3A_779 = tpu.memref_squeeze %dma_start3A_778 : memref<1x4x768xf32, #tpu.memory_space<hbm>> -> memref<4x768xf32, #tpu.memory_space<hbm>>
        %dma_start3A_780 = arith.constant 0 : i32
        %dma_start3A_781 = arith.constant 0 : i32
        %dma_start3A_782 = tpu.memref_slice %arg8[%dma_start3A_768, %dma_start3A_780, %dma_start3A_781] : memref<2x16x768xf32, #tpu.memory_space<vmem>> -> memref<1x16x768xf32, #tpu.memory_space<vmem>>
        %dma_start3A_783 = tpu.memref_squeeze %dma_start3A_782 : memref<1x16x768xf32, #tpu.memory_space<vmem>> -> memref<16x768xf32, #tpu.memory_space<vmem>>
        %dma_start3A_784 = arith.constant 12 : i32
        %dma_start3A_785 = arith.constant 0 : i32
        %dma_start3A_786 = tpu.memref_slice %dma_start3A_783[%dma_start3A_784, %dma_start3A_785] : memref<16x768xf32, #tpu.memory_space<vmem>> -> memref<4x768xf32, #tpu.memory_space<vmem>>
        %dma_start3A_787 = arith.constant 0 : i32
        %dma_start3A_788 = arith.constant 0 : i32
        %dma_start3A_789 = tpu.memref_slice %arg3[%add3A_767, %dma_start3A_787, %dma_start3A_788] : memref<2048x4x768xf32, #tpu.memory_space<hbm>> -> memref<1x4x768xf32, #tpu.memory_space<hbm>>
        %dma_start3A_790 = tpu.memref_squeeze %dma_start3A_789 : memref<1x4x768xf32, #tpu.memory_space<hbm>> -> memref<4x768xf32, #tpu.memory_space<hbm>>
        tpu.enqueue_dma source(%dma_start3A_790 : memref<4x768xf32, #tpu.memory_space<hbm>>) target(%dma_start3A_786 : memref<4x768xf32, #tpu.memory_space<vmem>>) target_semaphore(%arg12 : memref<!tpu.dma_semaphore, #tpu.memory_space<semaphore_mem>>)
        %dma_start3A_791 = arith.constant 0 : i32
        %dma_start3A_792 = arith.constant 0 : i32
        %dma_start3A_793 = arith.constant 0 : i32
        %dma_start3A_794 = arith.constant 0 : i32
        %dma_start3A_795 = tpu.memref_slice %arg9[%dma_start3A_792, %dma_start3A_793, %dma_start3A_794] : memref<2x64x768xf32, #tpu.memory_space<vmem>> -> memref<1x64x768xf32, #tpu.memory_space<vmem>>
        %dma_start3A_796 = tpu.memref_squeeze %dma_start3A_795 : memref<1x64x768xf32, #tpu.memory_space<vmem>> -> memref<64x768xf32, #tpu.memory_space<vmem>>
        %dma_start3A_797 = arith.constant 0 : i32
        %dma_start3A_798 = arith.constant 0 : i32
        %dma_start3A_799 = tpu.memref_slice %dma_start3A_796[%dma_start3A_797, %dma_start3A_798] : memref<64x768xf32, #tpu.memory_space<vmem>> -> memref<16x768xf32, #tpu.memory_space<vmem>>
        %dma_start3A_800 = arith.constant 0 : i32
        %dma_start3A_801 = tpu.memref_slice %arg7[%add3A_670, %dma_start3A_800] : memref<16x16xi32, #tpu.memory_space<vmem>> -> memref<1x16xi32, #tpu.memory_space<vmem>>
        %dma_start3A_802 = tpu.memref_squeeze %dma_start3A_801 : memref<1x16xi32, #tpu.memory_space<vmem>> -> memref<16xi32, #tpu.memory_space<vmem>>
        %dma_start3A_803 = arith.constant 0 : i32
        %dma_start3A_804 = arith.constant 0 : i32
        %dma_start3A_805 = tpu.memref_slice %arg5[%dma_start3A_791, %dma_start3A_803, %dma_start3A_804] : memref<4x8192x768xf32, #tpu.memory_space<hbm>> -> memref<1x8192x768xf32, #tpu.memory_space<hbm>>
        %dma_start3A_806 = tpu.memref_squeeze %dma_start3A_805 : memref<1x8192x768xf32, #tpu.memory_space<hbm>> -> memref<8192x768xf32, #tpu.memory_space<hbm>>
        %dma_start3A_807 = arith.constant 0 : i32
        %dma_start3A_808 = arith.constant 0 : i32
        %dma_start3A_809 = tpu.memref_slice %dma_start3A_806[%dma_start3A_807, %dma_start3A_808] : memref<8192x768xf32, #tpu.memory_space<hbm>> -> memref<8192x768xf32, #tpu.memory_space<hbm>>
        tpu.enqueue_indirect_dma source(%dma_start3A_809 : memref<8192x768xf32, #tpu.memory_space<hbm>>) target(%dma_start3A_799 : memref<16x768xf32, #tpu.memory_space<vmem>>) offsets(%dma_start3A_802 : memref<16xi32, #tpu.memory_space<vmem>>) semaphore(%arg12 : memref<!tpu.dma_semaphore, #tpu.memory_space<semaphore_mem>>)
        %dma_start3A_810 = arith.constant 1 : i32
        %dma_start3A_811 = arith.constant 0 : i32
        %dma_start3A_812 = arith.constant 0 : i32
        %dma_start3A_813 = arith.constant 0 : i32
        %dma_start3A_814 = tpu.memref_slice %arg9[%dma_start3A_811, %dma_start3A_812, %dma_start3A_813] : memref<2x64x768xf32, #tpu.memory_space<vmem>> -> memref<1x64x768xf32, #tpu.memory_space<vmem>>
        %dma_start3A_815 = tpu.memref_squeeze %dma_start3A_814 : memref<1x64x768xf32, #tpu.memory_space<vmem>> -> memref<64x768xf32, #tpu.memory_space<vmem>>
        %dma_start3A_816 = arith.constant 16 : i32
        %dma_start3A_817 = arith.constant 0 : i32
        %dma_start3A_818 = tpu.memref_slice %dma_start3A_815[%dma_start3A_816, %dma_start3A_817] : memref<64x768xf32, #tpu.memory_space<vmem>> -> memref<16x768xf32, #tpu.memory_space<vmem>>
        %dma_start3A_819 = arith.constant 0 : i32
        %dma_start3A_820 = tpu.memref_slice %arg7[%add3A_670, %dma_start3A_819] : memref<16x16xi32, #tpu.memory_space<vmem>> -> memref<1x16xi32, #tpu.memory_space<vmem>>
        %dma_start3A_821 = tpu.memref_squeeze %dma_start3A_820 : memref<1x16xi32, #tpu.memory_space<vmem>> -> memref<16xi32, #tpu.memory_space<vmem>>
        %dma_start3A_822 = arith.constant 0 : i32
        %dma_start3A_823 = arith.constant 0 : i32
        %dma_start3A_824 = tpu.memref_slice %arg5[%dma_start3A_810, %dma_start3A_822, %dma_start3A_823] : memref<4x8192x768xf32, #tpu.memory_space<hbm>> -> memref<1x8192x768xf32, #tpu.memory_space<hbm>>
        %dma_start3A_825 = tpu.memref_squeeze %dma_start3A_824 : memref<1x8192x768xf32, #tpu.memory_space<hbm>> -> memref<8192x768xf32, #tpu.memory_space<hbm>>
        %dma_start3A_826 = arith.constant 0 : i32
        %dma_start3A_827 = arith.constant 0 : i32
        %dma_start3A_828 = tpu.memref_slice %dma_start3A_825[%dma_start3A_826, %dma_start3A_827] : memref<8192x768xf32, #tpu.memory_space<hbm>> -> memref<8192x768xf32, #tpu.memory_space<hbm>>
        tpu.enqueue_indirect_dma source(%dma_start3A_828 : memref<8192x768xf32, #tpu.memory_space<hbm>>) target(%dma_start3A_818 : memref<16x768xf32, #tpu.memory_space<vmem>>) offsets(%dma_start3A_821 : memref<16xi32, #tpu.memory_space<vmem>>) semaphore(%arg12 : memref<!tpu.dma_semaphore, #tpu.memory_space<semaphore_mem>>)
        %dma_start3A_829 = arith.constant 2 : i32
        %dma_start3A_830 = arith.constant 0 : i32
        %dma_start3A_831 = arith.constant 0 : i32
        %dma_start3A_832 = arith.constant 0 : i32
        %dma_start3A_833 = tpu.memref_slice %arg9[%dma_start3A_830, %dma_start3A_831, %dma_start3A_832] : memref<2x64x768xf32, #tpu.memory_space<vmem>> -> memref<1x64x768xf32, #tpu.memory_space<vmem>>
        %dma_start3A_834 = tpu.memref_squeeze %dma_start3A_833 : memref<1x64x768xf32, #tpu.memory_space<vmem>> -> memref<64x768xf32, #tpu.memory_space<vmem>>
        %dma_start3A_835 = arith.constant 32 : i32
        %dma_start3A_836 = arith.constant 0 : i32
        %dma_start3A_837 = tpu.memref_slice %dma_start3A_834[%dma_start3A_835, %dma_start3A_836] : memref<64x768xf32, #tpu.memory_space<vmem>> -> memref<16x768xf32, #tpu.memory_space<vmem>>
        %dma_start3A_838 = arith.constant 0 : i32
        %dma_start3A_839 = tpu.memref_slice %arg7[%add3A_670, %dma_start3A_838] : memref<16x16xi32, #tpu.memory_space<vmem>> -> memref<1x16xi32, #tpu.memory_space<vmem>>
        %dma_start3A_840 = tpu.memref_squeeze %dma_start3A_839 : memref<1x16xi32, #tpu.memory_space<vmem>> -> memref<16xi32, #tpu.memory_space<vmem>>
        %dma_start3A_841 = arith.constant 0 : i32
        %dma_start3A_842 = arith.constant 0 : i32
        %dma_start3A_843 = tpu.memref_slice %arg5[%dma_start3A_829, %dma_start3A_841, %dma_start3A_842] : memref<4x8192x768xf32, #tpu.memory_space<hbm>> -> memref<1x8192x768xf32, #tpu.memory_space<hbm>>
        %dma_start3A_844 = tpu.memref_squeeze %dma_start3A_843 : memref<1x8192x768xf32, #tpu.memory_space<hbm>> -> memref<8192x768xf32, #tpu.memory_space<hbm>>
        %dma_start3A_845 = arith.constant 0 : i32
        %dma_start3A_846 = arith.constant 0 : i32
        %dma_start3A_847 = tpu.memref_slice %dma_start3A_844[%dma_start3A_845, %dma_start3A_846] : memref<8192x768xf32, #tpu.memory_space<hbm>> -> memref<8192x768xf32, #tpu.memory_space<hbm>>
        tpu.enqueue_indirect_dma source(%dma_start3A_847 : memref<8192x768xf32, #tpu.memory_space<hbm>>) target(%dma_start3A_837 : memref<16x768xf32, #tpu.memory_space<vmem>>) offsets(%dma_start3A_840 : memref<16xi32, #tpu.memory_space<vmem>>) semaphore(%arg12 : memref<!tpu.dma_semaphore, #tpu.memory_space<semaphore_mem>>)
        %dma_start3A_848 = arith.constant 3 : i32
        %dma_start3A_849 = arith.constant 0 : i32
        %dma_start3A_850 = arith.constant 0 : i32
        %dma_start3A_851 = arith.constant 0 : i32
        %dma_start3A_852 = tpu.memref_slice %arg9[%dma_start3A_849, %dma_start3A_850, %dma_start3A_851] : memref<2x64x768xf32, #tpu.memory_space<vmem>> -> memref<1x64x768xf32, #tpu.memory_space<vmem>>
        %dma_start3A_853 = tpu.memref_squeeze %dma_start3A_852 : memref<1x64x768xf32, #tpu.memory_space<vmem>> -> memref<64x768xf32, #tpu.memory_space<vmem>>
        %dma_start3A_854 = arith.constant 48 : i32
        %dma_start3A_855 = arith.constant 0 : i32
        %dma_start3A_856 = tpu.memref_slice %dma_start3A_853[%dma_start3A_854, %dma_start3A_855] : memref<64x768xf32, #tpu.memory_space<vmem>> -> memref<16x768xf32, #tpu.memory_space<vmem>>
        %dma_start3A_857 = arith.constant 0 : i32
        %dma_start3A_858 = tpu.memref_slice %arg7[%add3A_670, %dma_start3A_857] : memref<16x16xi32, #tpu.memory_space<vmem>> -> memref<1x16xi32, #tpu.memory_space<vmem>>
        %dma_start3A_859 = tpu.memref_squeeze %dma_start3A_858 : memref<1x16xi32, #tpu.memory_space<vmem>> -> memref<16xi32, #tpu.memory_space<vmem>>
        %dma_start3A_860 = arith.constant 0 : i32
        %dma_start3A_861 = arith.constant 0 : i32
        %dma_start3A_862 = tpu.memref_slice %arg5[%dma_start3A_848, %dma_start3A_860, %dma_start3A_861] : memref<4x8192x768xf32, #tpu.memory_space<hbm>> -> memref<1x8192x768xf32, #tpu.memory_space<hbm>>
        %dma_start3A_863 = tpu.memref_squeeze %dma_start3A_862 : memref<1x8192x768xf32, #tpu.memory_space<hbm>> -> memref<8192x768xf32, #tpu.memory_space<hbm>>
        %dma_start3A_864 = arith.constant 0 : i32
        %dma_start3A_865 = arith.constant 0 : i32
        %dma_start3A_866 = tpu.memref_slice %dma_start3A_863[%dma_start3A_864, %dma_start3A_865] : memref<8192x768xf32, #tpu.memory_space<hbm>> -> memref<8192x768xf32, #tpu.memory_space<hbm>>
        tpu.enqueue_indirect_dma source(%dma_start3A_866 : memref<8192x768xf32, #tpu.memory_space<hbm>>) target(%dma_start3A_856 : memref<16x768xf32, #tpu.memory_space<vmem>>) offsets(%dma_start3A_859 : memref<16xi32, #tpu.memory_space<vmem>>) semaphore(%arg12 : memref<!tpu.dma_semaphore, #tpu.memory_space<semaphore_mem>>)
      } else {
      }
      %mul3A_457 = arith.constant 16 : i32
      %mul3A_458 = arith.muli %add3A, %mul3A_457 : i32
      %add3A_459 = arith.addi %mul3A_458, %add3A_449 : i32
      %mul3A_460 = arith.constant 4 : i32
      %mul3A_461 = arith.muli %add3A_459, %mul3A_460 : i32
      %add3A_462 = arith.constant 0 : i32
      %add3A_463 = arith.addi %mul3A_461, %add3A_462 : i32
      %dma_wait3A_464 = arith.constant 1 : i32
      %dma_wait3A_465 = arith.constant 0 : i32
      %dma_wait3A_466 = arith.constant 0 : i32
      %dma_wait3A_467 = tpu.memref_slice %arg8[%dma_wait3A_464, %dma_wait3A_465, %dma_wait3A_466] : memref<2x16x768xf32, #tpu.memory_space<vmem>> -> memref<1x16x768xf32, #tpu.memory_space<vmem>>
      %dma_wait3A_468 = tpu.memref_squeeze %dma_wait3A_467 : memref<1x16x768xf32, #tpu.memory_space<vmem>> -> memref<16x768xf32, #tpu.memory_space<vmem>>
      %dma_wait3A_469 = arith.constant 0 : i32
      %dma_wait3A_470 = arith.constant 0 : i32
      %dma_wait3A_471 = tpu.memref_slice %dma_wait3A_468[%dma_wait3A_469, %dma_wait3A_470] : memref<16x768xf32, #tpu.memory_space<vmem>> -> memref<4x768xf32, #tpu.memory_space<vmem>>
      %dma_wait3A_472 = arith.constant 0 : i32
      %dma_wait3A_473 = arith.constant 0 : i32
      %dma_wait3A_474 = tpu.memref_slice %arg3[%add3A_463, %dma_wait3A_472, %dma_wait3A_473] : memref<2048x4x768xf32, #tpu.memory_space<hbm>> -> memref<1x4x768xf32, #tpu.memory_space<hbm>>
      %dma_wait3A_475 = tpu.memref_squeeze %dma_wait3A_474 : memref<1x4x768xf32, #tpu.memory_space<hbm>> -> memref<4x768xf32, #tpu.memory_space<hbm>>
      %dma_wait3A_476 = arith.constant 0 : i32
      %dma_wait3A_477 = arith.constant 0 : i32
      %dma_wait3A_478 = tpu.memref_slice %arg8[%dma_wait3A_464, %dma_wait3A_476, %dma_wait3A_477] : memref<2x16x768xf32, #tpu.memory_space<vmem>> -> memref<1x16x768xf32, #tpu.memory_space<vmem>>
      %dma_wait3A_479 = tpu.memref_squeeze %dma_wait3A_478 : memref<1x16x768xf32, #tpu.memory_space<vmem>> -> memref<16x768xf32, #tpu.memory_space<vmem>>
      %dma_wait3A_480 = arith.constant 0 : i32
      %dma_wait3A_481 = arith.constant 0 : i32
      %dma_wait3A_482 = tpu.memref_slice %dma_wait3A_479[%dma_wait3A_480, %dma_wait3A_481] : memref<16x768xf32, #tpu.memory_space<vmem>> -> memref<4x768xf32, #tpu.memory_space<vmem>>
      %dma_wait3A_483 = arith.constant 0 : i32
      %dma_wait3A_484 = arith.constant 0 : i32
      %dma_wait3A_485 = tpu.memref_slice %arg3[%add3A_463, %dma_wait3A_483, %dma_wait3A_484] : memref<2048x4x768xf32, #tpu.memory_space<hbm>> -> memref<1x4x768xf32, #tpu.memory_space<hbm>>
      %dma_wait3A_486 = tpu.memref_squeeze %dma_wait3A_485 : memref<1x4x768xf32, #tpu.memory_space<hbm>> -> memref<4x768xf32, #tpu.memory_space<hbm>>
      tpu.wait_dma2 semaphore(%arg13 : memref<!tpu.dma_semaphore, #tpu.memory_space<semaphore_mem>>) src(%dma_wait3A_486 : memref<4x768xf32, #tpu.memory_space<hbm>>) dst(%dma_wait3A_482 : memref<4x768xf32, #tpu.memory_space<vmem>>)
      %mul3A_487 = arith.constant 16 : i32
      %mul3A_488 = arith.muli %add3A, %mul3A_487 : i32
      %add3A_489 = arith.addi %mul3A_488, %add3A_449 : i32
      %mul3A_490 = arith.constant 4 : i32
      %mul3A_491 = arith.muli %add3A_489, %mul3A_490 : i32
      %add3A_492 = arith.constant 1 : i32
      %add3A_493 = arith.addi %mul3A_491, %add3A_492 : i32
      %dma_wait3A_494 = arith.constant 1 : i32
      %dma_wait3A_495 = arith.constant 0 : i32
      %dma_wait3A_496 = arith.constant 0 : i32
      %dma_wait3A_497 = tpu.memref_slice %arg8[%dma_wait3A_494, %dma_wait3A_495, %dma_wait3A_496] : memref<2x16x768xf32, #tpu.memory_space<vmem>> -> memref<1x16x768xf32, #tpu.memory_space<vmem>>
      %dma_wait3A_498 = tpu.memref_squeeze %dma_wait3A_497 : memref<1x16x768xf32, #tpu.memory_space<vmem>> -> memref<16x768xf32, #tpu.memory_space<vmem>>
      %dma_wait3A_499 = arith.constant 4 : i32
      %dma_wait3A_500 = arith.constant 0 : i32
      %dma_wait3A_501 = tpu.memref_slice %dma_wait3A_498[%dma_wait3A_499, %dma_wait3A_500] : memref<16x768xf32, #tpu.memory_space<vmem>> -> memref<4x768xf32, #tpu.memory_space<vmem>>
      %dma_wait3A_502 = arith.constant 0 : i32
      %dma_wait3A_503 = arith.constant 0 : i32
      %dma_wait3A_504 = tpu.memref_slice %arg3[%add3A_493, %dma_wait3A_502, %dma_wait3A_503] : memref<2048x4x768xf32, #tpu.memory_space<hbm>> -> memref<1x4x768xf32, #tpu.memory_space<hbm>>
      %dma_wait3A_505 = tpu.memref_squeeze %dma_wait3A_504 : memref<1x4x768xf32, #tpu.memory_space<hbm>> -> memref<4x768xf32, #tpu.memory_space<hbm>>
      %dma_wait3A_506 = arith.constant 0 : i32
      %dma_wait3A_507 = arith.constant 0 : i32
      %dma_wait3A_508 = tpu.memref_slice %arg8[%dma_wait3A_494, %dma_wait3A_506, %dma_wait3A_507] : memref<2x16x768xf32, #tpu.memory_space<vmem>> -> memref<1x16x768xf32, #tpu.memory_space<vmem>>
      %dma_wait3A_509 = tpu.memref_squeeze %dma_wait3A_508 : memref<1x16x768xf32, #tpu.memory_space<vmem>> -> memref<16x768xf32, #tpu.memory_space<vmem>>
      %dma_wait3A_510 = arith.constant 4 : i32
      %dma_wait3A_511 = arith.constant 0 : i32
      %dma_wait3A_512 = tpu.memref_slice %dma_wait3A_509[%dma_wait3A_510, %dma_wait3A_511] : memref<16x768xf32, #tpu.memory_space<vmem>> -> memref<4x768xf32, #tpu.memory_space<vmem>>
      %dma_wait3A_513 = arith.constant 0 : i32
      %dma_wait3A_514 = arith.constant 0 : i32
      %dma_wait3A_515 = tpu.memref_slice %arg3[%add3A_493, %dma_wait3A_513, %dma_wait3A_514] : memref<2048x4x768xf32, #tpu.memory_space<hbm>> -> memref<1x4x768xf32, #tpu.memory_space<hbm>>
      %dma_wait3A_516 = tpu.memref_squeeze %dma_wait3A_515 : memref<1x4x768xf32, #tpu.memory_space<hbm>> -> memref<4x768xf32, #tpu.memory_space<hbm>>
      tpu.wait_dma2 semaphore(%arg13 : memref<!tpu.dma_semaphore, #tpu.memory_space<semaphore_mem>>) src(%dma_wait3A_516 : memref<4x768xf32, #tpu.memory_space<hbm>>) dst(%dma_wait3A_512 : memref<4x768xf32, #tpu.memory_space<vmem>>)
      %mul3A_517 = arith.constant 16 : i32
      %mul3A_518 = arith.muli %add3A, %mul3A_517 : i32
      %add3A_519 = arith.addi %mul3A_518, %add3A_449 : i32
      %mul3A_520 = arith.constant 4 : i32
      %mul3A_521 = arith.muli %add3A_519, %mul3A_520 : i32
      %add3A_522 = arith.constant 2 : i32
      %add3A_523 = arith.addi %mul3A_521, %add3A_522 : i32
      %dma_wait3A_524 = arith.constant 1 : i32
      %dma_wait3A_525 = arith.constant 0 : i32
      %dma_wait3A_526 = arith.constant 0 : i32
      %dma_wait3A_527 = tpu.memref_slice %arg8[%dma_wait3A_524, %dma_wait3A_525, %dma_wait3A_526] : memref<2x16x768xf32, #tpu.memory_space<vmem>> -> memref<1x16x768xf32, #tpu.memory_space<vmem>>
      %dma_wait3A_528 = tpu.memref_squeeze %dma_wait3A_527 : memref<1x16x768xf32, #tpu.memory_space<vmem>> -> memref<16x768xf32, #tpu.memory_space<vmem>>
      %dma_wait3A_529 = arith.constant 8 : i32
      %dma_wait3A_530 = arith.constant 0 : i32
      %dma_wait3A_531 = tpu.memref_slice %dma_wait3A_528[%dma_wait3A_529, %dma_wait3A_530] : memref<16x768xf32, #tpu.memory_space<vmem>> -> memref<4x768xf32, #tpu.memory_space<vmem>>
      %dma_wait3A_532 = arith.constant 0 : i32
      %dma_wait3A_533 = arith.constant 0 : i32
      %dma_wait3A_534 = tpu.memref_slice %arg3[%add3A_523, %dma_wait3A_532, %dma_wait3A_533] : memref<2048x4x768xf32, #tpu.memory_space<hbm>> -> memref<1x4x768xf32, #tpu.memory_space<hbm>>
      %dma_wait3A_535 = tpu.memref_squeeze %dma_wait3A_534 : memref<1x4x768xf32, #tpu.memory_space<hbm>> -> memref<4x768xf32, #tpu.memory_space<hbm>>
      %dma_wait3A_536 = arith.constant 0 : i32
      %dma_wait3A_537 = arith.constant 0 : i32
      %dma_wait3A_538 = tpu.memref_slice %arg8[%dma_wait3A_524, %dma_wait3A_536, %dma_wait3A_537] : memref<2x16x768xf32, #tpu.memory_space<vmem>> -> memref<1x16x768xf32, #tpu.memory_space<vmem>>
      %dma_wait3A_539 = tpu.memref_squeeze %dma_wait3A_538 : memref<1x16x768xf32, #tpu.memory_space<vmem>> -> memref<16x768xf32, #tpu.memory_space<vmem>>
      %dma_wait3A_540 = arith.constant 8 : i32
      %dma_wait3A_541 = arith.constant 0 : i32
      %dma_wait3A_542 = tpu.memref_slice %dma_wait3A_539[%dma_wait3A_540, %dma_wait3A_541] : memref<16x768xf32, #tpu.memory_space<vmem>> -> memref<4x768xf32, #tpu.memory_space<vmem>>
      %dma_wait3A_543 = arith.constant 0 : i32
      %dma_wait3A_544 = arith.constant 0 : i32
      %dma_wait3A_545 = tpu.memref_slice %arg3[%add3A_523, %dma_wait3A_543, %dma_wait3A_544] : memref<2048x4x768xf32, #tpu.memory_space<hbm>> -> memref<1x4x768xf32, #tpu.memory_space<hbm>>
      %dma_wait3A_546 = tpu.memref_squeeze %dma_wait3A_545 : memref<1x4x768xf32, #tpu.memory_space<hbm>> -> memref<4x768xf32, #tpu.memory_space<hbm>>
      tpu.wait_dma2 semaphore(%arg13 : memref<!tpu.dma_semaphore, #tpu.memory_space<semaphore_mem>>) src(%dma_wait3A_546 : memref<4x768xf32, #tpu.memory_space<hbm>>) dst(%dma_wait3A_542 : memref<4x768xf32, #tpu.memory_space<vmem>>)
      %mul3A_547 = arith.constant 16 : i32
      %mul3A_548 = arith.muli %add3A, %mul3A_547 : i32
      %add3A_549 = arith.addi %mul3A_548, %add3A_449 : i32
      %mul3A_550 = arith.constant 4 : i32
      %mul3A_551 = arith.muli %add3A_549, %mul3A_550 : i32
      %add3A_552 = arith.constant 3 : i32
      %add3A_553 = arith.addi %mul3A_551, %add3A_552 : i32
      %dma_wait3A_554 = arith.constant 1 : i32
      %dma_wait3A_555 = arith.constant 0 : i32
      %dma_wait3A_556 = arith.constant 0 : i32
      %dma_wait3A_557 = tpu.memref_slice %arg8[%dma_wait3A_554, %dma_wait3A_555, %dma_wait3A_556] : memref<2x16x768xf32, #tpu.memory_space<vmem>> -> memref<1x16x768xf32, #tpu.memory_space<vmem>>
      %dma_wait3A_558 = tpu.memref_squeeze %dma_wait3A_557 : memref<1x16x768xf32, #tpu.memory_space<vmem>> -> memref<16x768xf32, #tpu.memory_space<vmem>>
      %dma_wait3A_559 = arith.constant 12 : i32
      %dma_wait3A_560 = arith.constant 0 : i32
      %dma_wait3A_561 = tpu.memref_slice %dma_wait3A_558[%dma_wait3A_559, %dma_wait3A_560] : memref<16x768xf32, #tpu.memory_space<vmem>> -> memref<4x768xf32, #tpu.memory_space<vmem>>
      %dma_wait3A_562 = arith.constant 0 : i32
      %dma_wait3A_563 = arith.constant 0 : i32
      %dma_wait3A_564 = tpu.memref_slice %arg3[%add3A_553, %dma_wait3A_562, %dma_wait3A_563] : memref<2048x4x768xf32, #tpu.memory_space<hbm>> -> memref<1x4x768xf32, #tpu.memory_space<hbm>>
      %dma_wait3A_565 = tpu.memref_squeeze %dma_wait3A_564 : memref<1x4x768xf32, #tpu.memory_space<hbm>> -> memref<4x768xf32, #tpu.memory_space<hbm>>
      %dma_wait3A_566 = arith.constant 0 : i32
      %dma_wait3A_567 = arith.constant 0 : i32
      %dma_wait3A_568 = tpu.memref_slice %arg8[%dma_wait3A_554, %dma_wait3A_566, %dma_wait3A_567] : memref<2x16x768xf32, #tpu.memory_space<vmem>> -> memref<1x16x768xf32, #tpu.memory_space<vmem>>
      %dma_wait3A_569 = tpu.memref_squeeze %dma_wait3A_568 : memref<1x16x768xf32, #tpu.memory_space<vmem>> -> memref<16x768xf32, #tpu.memory_space<vmem>>
      %dma_wait3A_570 = arith.constant 12 : i32
      %dma_wait3A_571 = arith.constant 0 : i32
      %dma_wait3A_572 = tpu.memref_slice %dma_wait3A_569[%dma_wait3A_570, %dma_wait3A_571] : memref<16x768xf32, #tpu.memory_space<vmem>> -> memref<4x768xf32, #tpu.memory_space<vmem>>
      %dma_wait3A_573 = arith.constant 0 : i32
      %dma_wait3A_574 = arith.constant 0 : i32
      %dma_wait3A_575 = tpu.memref_slice %arg3[%add3A_553, %dma_wait3A_573, %dma_wait3A_574] : memref<2048x4x768xf32, #tpu.memory_space<hbm>> -> memref<1x4x768xf32, #tpu.memory_space<hbm>>
      %dma_wait3A_576 = tpu.memref_squeeze %dma_wait3A_575 : memref<1x4x768xf32, #tpu.memory_space<hbm>> -> memref<4x768xf32, #tpu.memory_space<hbm>>
      tpu.wait_dma2 semaphore(%arg13 : memref<!tpu.dma_semaphore, #tpu.memory_space<semaphore_mem>>) src(%dma_wait3A_576 : memref<4x768xf32, #tpu.memory_space<hbm>>) dst(%dma_wait3A_572 : memref<4x768xf32, #tpu.memory_space<vmem>>)
      %dma_wait3A_577 = arith.constant 0 : i32
      %dma_wait3A_578 = arith.constant 1 : i32
      %dma_wait3A_579 = arith.constant 0 : i32
      %dma_wait3A_580 = arith.constant 0 : i32
      %dma_wait3A_581 = tpu.memref_slice %arg9[%dma_wait3A_578, %dma_wait3A_579, %dma_wait3A_580] : memref<2x64x768xf32, #tpu.memory_space<vmem>> -> memref<1x64x768xf32, #tpu.memory_space<vmem>>
      %dma_wait3A_582 = tpu.memref_squeeze %dma_wait3A_581 : memref<1x64x768xf32, #tpu.memory_space<vmem>> -> memref<64x768xf32, #tpu.memory_space<vmem>>
      %dma_wait3A_583 = arith.constant 0 : i32
      %dma_wait3A_584 = arith.constant 0 : i32
      %dma_wait3A_585 = tpu.memref_slice %dma_wait3A_582[%dma_wait3A_583, %dma_wait3A_584] : memref<64x768xf32, #tpu.memory_space<vmem>> -> memref<16x768xf32, #tpu.memory_space<vmem>>
      %dma_wait3A_586 = arith.constant 0 : i32
      %dma_wait3A_587 = tpu.memref_slice %arg7[%add3A_449, %dma_wait3A_586] : memref<16x16xi32, #tpu.memory_space<vmem>> -> memref<1x16xi32, #tpu.memory_space<vmem>>
      %dma_wait3A_588 = tpu.memref_squeeze %dma_wait3A_587 : memref<1x16xi32, #tpu.memory_space<vmem>> -> memref<16xi32, #tpu.memory_space<vmem>>
      %dma_wait3A_589 = arith.constant 0 : i32
      %dma_wait3A_590 = arith.constant 0 : i32
      %dma_wait3A_591 = tpu.memref_slice %arg5[%dma_wait3A_577, %dma_wait3A_589, %dma_wait3A_590] : memref<4x8192x768xf32, #tpu.memory_space<hbm>> -> memref<1x8192x768xf32, #tpu.memory_space<hbm>>
      %dma_wait3A_592 = tpu.memref_squeeze %dma_wait3A_591 : memref<1x8192x768xf32, #tpu.memory_space<hbm>> -> memref<8192x768xf32, #tpu.memory_space<hbm>>
      %dma_wait3A_593 = arith.constant 0 : i32
      %dma_wait3A_594 = arith.constant 0 : i32
      %dma_wait3A_595 = tpu.memref_slice %dma_wait3A_592[%dma_wait3A_593, %dma_wait3A_594] : memref<8192x768xf32, #tpu.memory_space<hbm>> -> memref<8192x768xf32, #tpu.memory_space<hbm>>
      tpu.wait_indirect_dma semaphore(%arg13 : memref<!tpu.dma_semaphore, #tpu.memory_space<semaphore_mem>>) src(%dma_wait3A_595 : memref<8192x768xf32, #tpu.memory_space<hbm>>) dst(%dma_wait3A_585 : memref<16x768xf32, #tpu.memory_space<vmem>>)
      %dma_wait3A_596 = arith.constant 1 : i32
      %dma_wait3A_597 = arith.constant 1 : i32
      %dma_wait3A_598 = arith.constant 0 : i32
      %dma_wait3A_599 = arith.constant 0 : i32
      %dma_wait3A_600 = tpu.memref_slice %arg9[%dma_wait3A_597, %dma_wait3A_598, %dma_wait3A_599] : memref<2x64x768xf32, #tpu.memory_space<vmem>> -> memref<1x64x768xf32, #tpu.memory_space<vmem>>
      %dma_wait3A_601 = tpu.memref_squeeze %dma_wait3A_600 : memref<1x64x768xf32, #tpu.memory_space<vmem>> -> memref<64x768xf32, #tpu.memory_space<vmem>>
      %dma_wait3A_602 = arith.constant 16 : i32
      %dma_wait3A_603 = arith.constant 0 : i32
      %dma_wait3A_604 = tpu.memref_slice %dma_wait3A_601[%dma_wait3A_602, %dma_wait3A_603] : memref<64x768xf32, #tpu.memory_space<vmem>> -> memref<16x768xf32, #tpu.memory_space<vmem>>
      %dma_wait3A_605 = arith.constant 0 : i32
      %dma_wait3A_606 = tpu.memref_slice %arg7[%add3A_449, %dma_wait3A_605] : memref<16x16xi32, #tpu.memory_space<vmem>> -> memref<1x16xi32, #tpu.memory_space<vmem>>
      %dma_wait3A_607 = tpu.memref_squeeze %dma_wait3A_606 : memref<1x16xi32, #tpu.memory_space<vmem>> -> memref<16xi32, #tpu.memory_space<vmem>>
      %dma_wait3A_608 = arith.constant 0 : i32
      %dma_wait3A_609 = arith.constant 0 : i32
      %dma_wait3A_610 = tpu.memref_slice %arg5[%dma_wait3A_596, %dma_wait3A_608, %dma_wait3A_609] : memref<4x8192x768xf32, #tpu.memory_space<hbm>> -> memref<1x8192x768xf32, #tpu.memory_space<hbm>>
      %dma_wait3A_611 = tpu.memref_squeeze %dma_wait3A_610 : memref<1x8192x768xf32, #tpu.memory_space<hbm>> -> memref<8192x768xf32, #tpu.memory_space<hbm>>
      %dma_wait3A_612 = arith.constant 0 : i32
      %dma_wait3A_613 = arith.constant 0 : i32
      %dma_wait3A_614 = tpu.memref_slice %dma_wait3A_611[%dma_wait3A_612, %dma_wait3A_613] : memref<8192x768xf32, #tpu.memory_space<hbm>> -> memref<8192x768xf32, #tpu.memory_space<hbm>>
      tpu.wait_indirect_dma semaphore(%arg13 : memref<!tpu.dma_semaphore, #tpu.memory_space<semaphore_mem>>) src(%dma_wait3A_614 : memref<8192x768xf32, #tpu.memory_space<hbm>>) dst(%dma_wait3A_604 : memref<16x768xf32, #tpu.memory_space<vmem>>)
      %dma_wait3A_615 = arith.constant 2 : i32
      %dma_wait3A_616 = arith.constant 1 : i32
      %dma_wait3A_617 = arith.constant 0 : i32
      %dma_wait3A_618 = arith.constant 0 : i32
      %dma_wait3A_619 = tpu.memref_slice %arg9[%dma_wait3A_616, %dma_wait3A_617, %dma_wait3A_618] : memref<2x64x768xf32, #tpu.memory_space<vmem>> -> memref<1x64x768xf32, #tpu.memory_space<vmem>>
      %dma_wait3A_620 = tpu.memref_squeeze %dma_wait3A_619 : memref<1x64x768xf32, #tpu.memory_space<vmem>> -> memref<64x768xf32, #tpu.memory_space<vmem>>
      %dma_wait3A_621 = arith.constant 32 : i32
      %dma_wait3A_622 = arith.constant 0 : i32
      %dma_wait3A_623 = tpu.memref_slice %dma_wait3A_620[%dma_wait3A_621, %dma_wait3A_622] : memref<64x768xf32, #tpu.memory_space<vmem>> -> memref<16x768xf32, #tpu.memory_space<vmem>>
      %dma_wait3A_624 = arith.constant 0 : i32
      %dma_wait3A_625 = tpu.memref_slice %arg7[%add3A_449, %dma_wait3A_624] : memref<16x16xi32, #tpu.memory_space<vmem>> -> memref<1x16xi32, #tpu.memory_space<vmem>>
      %dma_wait3A_626 = tpu.memref_squeeze %dma_wait3A_625 : memref<1x16xi32, #tpu.memory_space<vmem>> -> memref<16xi32, #tpu.memory_space<vmem>>
      %dma_wait3A_627 = arith.constant 0 : i32
      %dma_wait3A_628 = arith.constant 0 : i32
      %dma_wait3A_629 = tpu.memref_slice %arg5[%dma_wait3A_615, %dma_wait3A_627, %dma_wait3A_628] : memref<4x8192x768xf32, #tpu.memory_space<hbm>> -> memref<1x8192x768xf32, #tpu.memory_space<hbm>>
      %dma_wait3A_630 = tpu.memref_squeeze %dma_wait3A_629 : memref<1x8192x768xf32, #tpu.memory_space<hbm>> -> memref<8192x768xf32, #tpu.memory_space<hbm>>
      %dma_wait3A_631 = arith.constant 0 : i32
      %dma_wait3A_632 = arith.constant 0 : i32
      %dma_wait3A_633 = tpu.memref_slice %dma_wait3A_630[%dma_wait3A_631, %dma_wait3A_632] : memref<8192x768xf32, #tpu.memory_space<hbm>> -> memref<8192x768xf32, #tpu.memory_space<hbm>>
      tpu.wait_indirect_dma semaphore(%arg13 : memref<!tpu.dma_semaphore, #tpu.memory_space<semaphore_mem>>) src(%dma_wait3A_633 : memref<8192x768xf32, #tpu.memory_space<hbm>>) dst(%dma_wait3A_623 : memref<16x768xf32, #tpu.memory_space<vmem>>)
      %dma_wait3A_634 = arith.constant 3 : i32
      %dma_wait3A_635 = arith.constant 1 : i32
      %dma_wait3A_636 = arith.constant 0 : i32
      %dma_wait3A_637 = arith.constant 0 : i32
      %dma_wait3A_638 = tpu.memref_slice %arg9[%dma_wait3A_635, %dma_wait3A_636, %dma_wait3A_637] : memref<2x64x768xf32, #tpu.memory_space<vmem>> -> memref<1x64x768xf32, #tpu.memory_space<vmem>>
      %dma_wait3A_639 = tpu.memref_squeeze %dma_wait3A_638 : memref<1x64x768xf32, #tpu.memory_space<vmem>> -> memref<64x768xf32, #tpu.memory_space<vmem>>
      %dma_wait3A_640 = arith.constant 48 : i32
      %dma_wait3A_641 = arith.constant 0 : i32
      %dma_wait3A_642 = tpu.memref_slice %dma_wait3A_639[%dma_wait3A_640, %dma_wait3A_641] : memref<64x768xf32, #tpu.memory_space<vmem>> -> memref<16x768xf32, #tpu.memory_space<vmem>>
      %dma_wait3A_643 = arith.constant 0 : i32
      %dma_wait3A_644 = tpu.memref_slice %arg7[%add3A_449, %dma_wait3A_643] : memref<16x16xi32, #tpu.memory_space<vmem>> -> memref<1x16xi32, #tpu.memory_space<vmem>>
      %dma_wait3A_645 = tpu.memref_squeeze %dma_wait3A_644 : memref<1x16xi32, #tpu.memory_space<vmem>> -> memref<16xi32, #tpu.memory_space<vmem>>
      %dma_wait3A_646 = arith.constant 0 : i32
      %dma_wait3A_647 = arith.constant 0 : i32
      %dma_wait3A_648 = tpu.memref_slice %arg5[%dma_wait3A_634, %dma_wait3A_646, %dma_wait3A_647] : memref<4x8192x768xf32, #tpu.memory_space<hbm>> -> memref<1x8192x768xf32, #tpu.memory_space<hbm>>
      %dma_wait3A_649 = tpu.memref_squeeze %dma_wait3A_648 : memref<1x8192x768xf32, #tpu.memory_space<hbm>> -> memref<8192x768xf32, #tpu.memory_space<hbm>>
      %dma_wait3A_650 = arith.constant 0 : i32
      %dma_wait3A_651 = arith.constant 0 : i32
      %dma_wait3A_652 = tpu.memref_slice %dma_wait3A_649[%dma_wait3A_650, %dma_wait3A_651] : memref<8192x768xf32, #tpu.memory_space<hbm>> -> memref<8192x768xf32, #tpu.memory_space<hbm>>
      tpu.wait_indirect_dma semaphore(%arg13 : memref<!tpu.dma_semaphore, #tpu.memory_space<semaphore_mem>>) src(%dma_wait3A_652 : memref<8192x768xf32, #tpu.memory_space<hbm>>) dst(%dma_wait3A_642 : memref<16x768xf32, #tpu.memory_space<vmem>>)
      %scan3A_653 = arith.constant 0 : i32
      %scan3A_654 = arith.constant 4 : i32
      %scan3A_655 = arith.addi %scan3A_653, %scan3A_654 : i32
      %scan3A_656 = arith.constant 1 : i32
      %scan3A_657:4 = scf.for %scan3A_669 = %scan3A_653 to %scan3A_655 step %scan3A_656 iter_args(%scan3A_670 = %scan3A_444#0, %scan3A_671 = %scan3A_444#1, %scan3A_672 = %scan3A_444#2, %scan3A_673 = %scan3A_444#3) -> (vector<16xf32>, vector<16xf32>, vector<16xf32>, vector<16xf32>)  : i32 {
        %scan3A_674 = arith.constant 0 : i32
        %scan3A_675 = arith.constant 4 : i32
        %scan3A_676 = arith.addi %scan3A_674, %scan3A_675 : i32
        %scan3A_677 = arith.constant 1 : i32
        %scan3A_678:4 = scf.for %scan3A_714 = %scan3A_674 to %scan3A_676 step %scan3A_677 iter_args(%scan3A_715 = %broadcast_in_dim3A_5, %scan3A_716 = %broadcast_in_dim3A_5, %scan3A_717 = %broadcast_in_dim3A_5, %scan3A_718 = %broadcast_in_dim3A_5) -> (vector<16xf32>, vector<16xf32>, vector<16xf32>, vector<16xf32>)  : i32 {
          %mul3A_719 = arith.constant 4 : i32
          %mul3A_720 = arith.muli %scan3A_669, %mul3A_719 : i32
          %add3A_721 = arith.addi %mul3A_720, %scan3A_714 : i32
          %scan3A_722 = arith.constant 0 : i32
          %scan3A_723 = arith.constant 48 : i32
          %scan3A_724 = arith.addi %scan3A_722, %scan3A_723 : i32
          %scan3A_725 = arith.constant 4 : i32
          %scan3A_726:4 = scf.for %scan3A_728 = %scan3A_722 to %scan3A_724 step %scan3A_725 iter_args(%scan3A_729 = %scan3A_715, %scan3A_730 = %scan3A_716, %scan3A_731 = %scan3A_717, %scan3A_732 = %scan3A_718) -> (vector<16xf32>, vector<16xf32>, vector<16xf32>, vector<16xf32>)  : i32 {
            %mul3A_733 = arith.constant 16 : i32
            %mul3A_734 = arith.muli %scan3A_728, %mul3A_733 : i32
            %get3A = arith.constant 1 : i32
            %get3A_735 = arith.index_cast %get3A : i32 to index
            %get3A_736 = arith.index_cast %add3A_721 : i32 to index
            %get3A_737 = arith.index_cast %mul3A_734 : i32 to index
            %get3A_738 = tpu.vector_load %arg8[%get3A_735, %get3A_736, %get3A_737] {strides = array<i32>} : memref<2x16x768xf32, #tpu.memory_space<vmem>>, vector<16xf32>,
            %add3A_739 = arith.constant 0 : i32
            %add3A_740 = arith.addi %add3A_739, %add3A_721 : i32
            %get3A_741 = arith.constant 1 : i32
            %get3A_742 = arith.index_cast %get3A_741 : i32 to index
            %get3A_743 = arith.index_cast %add3A_740 : i32 to index
            %get3A_744 = arith.index_cast %mul3A_734 : i32 to index
            %get3A_745 = tpu.vector_load %arg9[%get3A_742, %get3A_743, %get3A_744] {strides = array<i32>} : memref<2x64x768xf32, #tpu.memory_space<vmem>>, vector<16xf32>,
            %mul3A_746 = arith.mulf %get3A_738, %get3A_745 : vector<16xf32>
            %add3A_747 = arith.addf %scan3A_729, %mul3A_746 : vector<16xf32>
            %add3A_748 = arith.constant 16 : i32
            %add3A_749 = arith.addi %add3A_748, %add3A_721 : i32
            %get3A_750 = arith.constant 1 : i32
            %get3A_751 = arith.index_cast %get3A_750 : i32 to index
            %get3A_752 = arith.index_cast %add3A_749 : i32 to index
            %get3A_753 = arith.index_cast %mul3A_734 : i32 to index
            %get3A_754 = tpu.vector_load %arg9[%get3A_751, %get3A_752, %get3A_753] {strides = array<i32>} : memref<2x64x768xf32, #tpu.memory_space<vmem>>, vector<16xf32>,
            %mul3A_755 = arith.mulf %get3A_738, %get3A_754 : vector<16xf32>
            %add3A_756 = arith.addf %scan3A_730, %mul3A_755 : vector<16xf32>
            %add3A_757 = arith.constant 32 : i32
            %add3A_758 = arith.addi %add3A_757, %add3A_721 : i32
            %get3A_759 = arith.constant 1 : i32
            %get3A_760 = arith.index_cast %get3A_759 : i32 to index
            %get3A_761 = arith.index_cast %add3A_758 : i32 to index
            %get3A_762 = arith.index_cast %mul3A_734 : i32 to index
            %get3A_763 = tpu.vector_load %arg9[%get3A_760, %get3A_761, %get3A_762] {strides = array<i32>} : memref<2x64x768xf32, #tpu.memory_space<vmem>>, vector<16xf32>,
            %mul3A_764 = arith.mulf %get3A_738, %get3A_763 : vector<16xf32>
            %add3A_765 = arith.addf %scan3A_731, %mul3A_764 : vector<16xf32>
            %add3A_766 = arith.constant 48 : i32
            %add3A_767 = arith.addi %add3A_766, %add3A_721 : i32
            %get3A_768 = arith.constant 1 : i32
            %get3A_769 = arith.index_cast %get3A_768 : i32 to index
            %get3A_770 = arith.index_cast %add3A_767 : i32 to index
            %get3A_771 = arith.index_cast %mul3A_734 : i32 to index
            %get3A_772 = tpu.vector_load %arg9[%get3A_769, %get3A_770, %get3A_771] {strides = array<i32>} : memref<2x64x768xf32, #tpu.memory_space<vmem>>, vector<16xf32>,
            %mul3A_773 = arith.mulf %get3A_738, %get3A_772 : vector<16xf32>
            %add3A_774 = arith.addf %scan3A_732, %mul3A_773 : vector<16xf32>
            %scan3A_775 = arith.constant 1 : i32
            %scan3A_776 = arith.addi %scan3A_728, %scan3A_775 : i32
            %mul3A_777 = arith.constant 16 : i32
            %mul3A_778 = arith.muli %scan3A_776, %mul3A_777 : i32
            %get3A_779 = arith.constant 1 : i32
            %get3A_780 = arith.index_cast %get3A_779 : i32 to index
            %get3A_781 = arith.index_cast %add3A_721 : i32 to index
            %get3A_782 = arith.index_cast %mul3A_778 : i32 to index
            %get3A_783 = tpu.vector_load %arg8[%get3A_780, %get3A_781, %get3A_782] {strides = array<i32>} : memref<2x16x768xf32, #tpu.memory_space<vmem>>, vector<16xf32>,
            %add3A_784 = arith.constant 0 : i32
            %add3A_785 = arith.addi %add3A_784, %add3A_721 : i32
            %get3A_786 = arith.constant 1 : i32
            %get3A_787 = arith.index_cast %get3A_786 : i32 to index
            %get3A_788 = arith.index_cast %add3A_785 : i32 to index
            %get3A_789 = arith.index_cast %mul3A_778 : i32 to index
            %get3A_790 = tpu.vector_load %arg9[%get3A_787, %get3A_788, %get3A_789] {strides = array<i32>} : memref<2x64x768xf32, #tpu.memory_space<vmem>>, vector<16xf32>,
            %mul3A_791 = arith.mulf %get3A_783, %get3A_790 : vector<16xf32>
            %add3A_792 = arith.addf %add3A_747, %mul3A_791 : vector<16xf32>
            %add3A_793 = arith.constant 16 : i32
            %add3A_794 = arith.addi %add3A_793, %add3A_721 : i32
            %get3A_795 = arith.constant 1 : i32
            %get3A_796 = arith.index_cast %get3A_795 : i32 to index
            %get3A_797 = arith.index_cast %add3A_794 : i32 to index
            %get3A_798 = arith.index_cast %mul3A_778 : i32 to index
            %get3A_799 = tpu.vector_load %arg9[%get3A_796, %get3A_797, %get3A_798] {strides = array<i32>} : memref<2x64x768xf32, #tpu.memory_space<vmem>>, vector<16xf32>,
            %mul3A_800 = arith.mulf %get3A_783, %get3A_799 : vector<16xf32>
            %add3A_801 = arith.addf %add3A_756, %mul3A_800 : vector<16xf32>
            %add3A_802 = arith.constant 32 : i32
            %add3A_803 = arith.addi %add3A_802, %add3A_721 : i32
            %get3A_804 = arith.constant 1 : i32
            %get3A_805 = arith.index_cast %get3A_804 : i32 to index
            %get3A_806 = arith.index_cast %add3A_803 : i32 to index
            %get3A_807 = arith.index_cast %mul3A_778 : i32 to index
            %get3A_808 = tpu.vector_load %arg9[%get3A_805, %get3A_806, %get3A_807] {strides = array<i32>} : memref<2x64x768xf32, #tpu.memory_space<vmem>>, vector<16xf32>,
            %mul3A_809 = arith.mulf %get3A_783, %get3A_808 : vector<16xf32>
            %add3A_810 = arith.addf %add3A_765, %mul3A_809 : vector<16xf32>
            %add3A_811 = arith.constant 48 : i32
            %add3A_812 = arith.addi %add3A_811, %add3A_721 : i32
            %get3A_813 = arith.constant 1 : i32
            %get3A_814 = arith.index_cast %get3A_813 : i32 to index
            %get3A_815 = arith.index_cast %add3A_812 : i32 to index
            %get3A_816 = arith.index_cast %mul3A_778 : i32 to index
            %get3A_817 = tpu.vector_load %arg9[%get3A_814, %get3A_815, %get3A_816] {strides = array<i32>} : memref<2x64x768xf32, #tpu.memory_space<vmem>>, vector<16xf32>,
            %mul3A_818 = arith.mulf %get3A_783, %get3A_817 : vector<16xf32>
            %add3A_819 = arith.addf %add3A_774, %mul3A_818 : vector<16xf32>
            %scan3A_820 = arith.constant 2 : i32
            %scan3A_821 = arith.addi %scan3A_728, %scan3A_820 : i32
            %mul3A_822 = arith.constant 16 : i32
            %mul3A_823 = arith.muli %scan3A_821, %mul3A_822 : i32
            %get3A_824 = arith.constant 1 : i32
            %get3A_825 = arith.index_cast %get3A_824 : i32 to index
            %get3A_826 = arith.index_cast %add3A_721 : i32 to index
            %get3A_827 = arith.index_cast %mul3A_823 : i32 to index
            %get3A_828 = tpu.vector_load %arg8[%get3A_825, %get3A_826, %get3A_827] {strides = array<i32>} : memref<2x16x768xf32, #tpu.memory_space<vmem>>, vector<16xf32>,
            %add3A_829 = arith.constant 0 : i32
            %add3A_830 = arith.addi %add3A_829, %add3A_721 : i32
            %get3A_831 = arith.constant 1 : i32
            %get3A_832 = arith.index_cast %get3A_831 : i32 to index
            %get3A_833 = arith.index_cast %add3A_830 : i32 to index
            %get3A_834 = arith.index_cast %mul3A_823 : i32 to index
            %get3A_835 = tpu.vector_load %arg9[%get3A_832, %get3A_833, %get3A_834] {strides = array<i32>} : memref<2x64x768xf32, #tpu.memory_space<vmem>>, vector<16xf32>,
            %mul3A_836 = arith.mulf %get3A_828, %get3A_835 : vector<16xf32>
            %add3A_837 = arith.addf %add3A_792, %mul3A_836 : vector<16xf32>
            %add3A_838 = arith.constant 16 : i32
            %add3A_839 = arith.addi %add3A_838, %add3A_721 : i32
            %get3A_840 = arith.constant 1 : i32
            %get3A_841 = arith.index_cast %get3A_840 : i32 to index
            %get3A_842 = arith.index_cast %add3A_839 : i32 to index
            %get3A_843 = arith.index_cast %mul3A_823 : i32 to index
            %get3A_844 = tpu.vector_load %arg9[%get3A_841, %get3A_842, %get3A_843] {strides = array<i32>} : memref<2x64x768xf32, #tpu.memory_space<vmem>>, vector<16xf32>,
            %mul3A_845 = arith.mulf %get3A_828, %get3A_844 : vector<16xf32>
            %add3A_846 = arith.addf %add3A_801, %mul3A_845 : vector<16xf32>
            %add3A_847 = arith.constant 32 : i32
            %add3A_848 = arith.addi %add3A_847, %add3A_721 : i32
            %get3A_849 = arith.constant 1 : i32
            %get3A_850 = arith.index_cast %get3A_849 : i32 to index
            %get3A_851 = arith.index_cast %add3A_848 : i32 to index
            %get3A_852 = arith.index_cast %mul3A_823 : i32 to index
            %get3A_853 = tpu.vector_load %arg9[%get3A_850, %get3A_851, %get3A_852] {strides = array<i32>} : memref<2x64x768xf32, #tpu.memory_space<vmem>>, vector<16xf32>,
            %mul3A_854 = arith.mulf %get3A_828, %get3A_853 : vector<16xf32>
            %add3A_855 = arith.addf %add3A_810, %mul3A_854 : vector<16xf32>
            %add3A_856 = arith.constant 48 : i32
            %add3A_857 = arith.addi %add3A_856, %add3A_721 : i32
            %get3A_858 = arith.constant 1 : i32
            %get3A_859 = arith.index_cast %get3A_858 : i32 to index
            %get3A_860 = arith.index_cast %add3A_857 : i32 to index
            %get3A_861 = arith.index_cast %mul3A_823 : i32 to index
            %get3A_862 = tpu.vector_load %arg9[%get3A_859, %get3A_860, %get3A_861] {strides = array<i32>} : memref<2x64x768xf32, #tpu.memory_space<vmem>>, vector<16xf32>,
            %mul3A_863 = arith.mulf %get3A_828, %get3A_862 : vector<16xf32>
            %add3A_864 = arith.addf %add3A_819, %mul3A_863 : vector<16xf32>
            %scan3A_865 = arith.constant 3 : i32
            %scan3A_866 = arith.addi %scan3A_728, %scan3A_865 : i32
            %mul3A_867 = arith.constant 16 : i32
            %mul3A_868 = arith.muli %scan3A_866, %mul3A_867 : i32
            %get3A_869 = arith.constant 1 : i32
            %get3A_870 = arith.index_cast %get3A_869 : i32 to index
            %get3A_871 = arith.index_cast %add3A_721 : i32 to index
            %get3A_872 = arith.index_cast %mul3A_868 : i32 to index
            %get3A_873 = tpu.vector_load %arg8[%get3A_870, %get3A_871, %get3A_872] {strides = array<i32>} : memref<2x16x768xf32, #tpu.memory_space<vmem>>, vector<16xf32>,
            %add3A_874 = arith.constant 0 : i32
            %add3A_875 = arith.addi %add3A_874, %add3A_721 : i32
            %get3A_876 = arith.constant 1 : i32
            %get3A_877 = arith.index_cast %get3A_876 : i32 to index
            %get3A_878 = arith.index_cast %add3A_875 : i32 to index
            %get3A_879 = arith.index_cast %mul3A_868 : i32 to index
            %get3A_880 = tpu.vector_load %arg9[%get3A_877, %get3A_878, %get3A_879] {strides = array<i32>} : memref<2x64x768xf32, #tpu.memory_space<vmem>>, vector<16xf32>,
            %mul3A_881 = arith.mulf %get3A_873, %get3A_880 : vector<16xf32>
            %add3A_882 = arith.addf %add3A_837, %mul3A_881 : vector<16xf32>
            %add3A_883 = arith.constant 16 : i32
            %add3A_884 = arith.addi %add3A_883, %add3A_721 : i32
            %get3A_885 = arith.constant 1 : i32
            %get3A_886 = arith.index_cast %get3A_885 : i32 to index
            %get3A_887 = arith.index_cast %add3A_884 : i32 to index
            %get3A_888 = arith.index_cast %mul3A_868 : i32 to index
            %get3A_889 = tpu.vector_load %arg9[%get3A_886, %get3A_887, %get3A_888] {strides = array<i32>} : memref<2x64x768xf32, #tpu.memory_space<vmem>>, vector<16xf32>,
            %mul3A_890 = arith.mulf %get3A_873, %get3A_889 : vector<16xf32>
            %add3A_891 = arith.addf %add3A_846, %mul3A_890 : vector<16xf32>
            %add3A_892 = arith.constant 32 : i32
            %add3A_893 = arith.addi %add3A_892, %add3A_721 : i32
            %get3A_894 = arith.constant 1 : i32
            %get3A_895 = arith.index_cast %get3A_894 : i32 to index
            %get3A_896 = arith.index_cast %add3A_893 : i32 to index
            %get3A_897 = arith.index_cast %mul3A_868 : i32 to index
            %get3A_898 = tpu.vector_load %arg9[%get3A_895, %get3A_896, %get3A_897] {strides = array<i32>} : memref<2x64x768xf32, #tpu.memory_space<vmem>>, vector<16xf32>,
            %mul3A_899 = arith.mulf %get3A_873, %get3A_898 : vector<16xf32>
            %add3A_900 = arith.addf %add3A_855, %mul3A_899 : vector<16xf32>
            %add3A_901 = arith.constant 48 : i32
            %add3A_902 = arith.addi %add3A_901, %add3A_721 : i32
            %get3A_903 = arith.constant 1 : i32
            %get3A_904 = arith.index_cast %get3A_903 : i32 to index
            %get3A_905 = arith.index_cast %add3A_902 : i32 to index
            %get3A_906 = arith.index_cast %mul3A_868 : i32 to index
            %get3A_907 = tpu.vector_load %arg9[%get3A_904, %get3A_905, %get3A_906] {strides = array<i32>} : memref<2x64x768xf32, #tpu.memory_space<vmem>>, vector<16xf32>,
            %mul3A_908 = arith.mulf %get3A_873, %get3A_907 : vector<16xf32>
            %add3A_909 = arith.addf %add3A_864, %mul3A_908 : vector<16xf32>
            scf.yield %add3A_882, %add3A_891, %add3A_900, %add3A_909 : vector<16xf32>, vector<16xf32>, vector<16xf32>, vector<16xf32>
          }
          %scan3A_727 = arith.constant 48 : i32
          scf.yield %scan3A_726#0, %scan3A_726#1, %scan3A_726#2, %scan3A_726#3 : vector<16xf32>, vector<16xf32>, vector<16xf32>, vector<16xf32>
        }
        %scan3A_679 = arith.constant 4 : i32
        %add3A_680 = arith.constant 4 : i32
        %add3A_681 = arith.addi %mul3A_236, %add3A_680 : i32
        %add3A_682 = arith.addi %add3A_681, %scan3A_669 : i32
        %eq3A_683 = vector.broadcast %add3A_682 : i32 to vector<16xi32>
        %eq3A_684 = arith.cmpi eq, %iota3A, %eq3A_683 : vector<16xi32>
        %reduce_sum3A = arith.constant true
        %reduce_sum3A_685 = vector.broadcast %reduce_sum3A : i1 to vector<16xi1>
        %reduce_sum3A_686 = tpu.scan <sum>, %scan3A_678#0 masked %reduce_sum3A_685 : vector<16xf32>, vector<16xi1> -> vector<16xf32>
        %reduce_sum3A_687 = vector.extract %reduce_sum3A_686[15] : f32 from vector<16xf32>
        %broadcast_in_dim3A_688 = vector.broadcast %reduce_sum3A_687 : f32 to vector<16xf32>
        %select_n3A_689 = arith.select %eq3A_684, %broadcast_in_dim3A_688, %scan3A_670 : vector<16xi1>, vector<16xf32>
        %eq3A_690 = vector.broadcast %add3A_682 : i32 to vector<16xi32>
        %eq3A_691 = arith.cmpi eq, %iota3A, %eq3A_690 : vector<16xi32>
        %reduce_sum3A_692 = arith.constant true
        %reduce_sum3A_693 = vector.broadcast %reduce_sum3A_692 : i1 to vector<16xi1>
        %reduce_sum3A_694 = tpu.scan <sum>, %scan3A_678#1 masked %reduce_sum3A_693 : vector<16xf32>, vector<16xi1> -> vector<16xf32>
        %reduce_sum3A_695 = vector.extract %reduce_sum3A_694[15] : f32 from vector<16xf32>
        %broadcast_in_dim3A_696 = vector.broadcast %reduce_sum3A_695 : f32 to vector<16xf32>
        %select_n3A_697 = arith.select %eq3A_691, %broadcast_in_dim3A_696, %scan3A_671 : vector<16xi1>, vector<16xf32>
        %eq3A_698 = vector.broadcast %add3A_682 : i32 to vector<16xi32>
        %eq3A_699 = arith.cmpi eq, %iota3A, %eq3A_698 : vector<16xi32>
        %reduce_sum3A_700 = arith.constant true
        %reduce_sum3A_701 = vector.broadcast %reduce_sum3A_700 : i1 to vector<16xi1>
        %reduce_sum3A_702 = tpu.scan <sum>, %scan3A_678#2 masked %reduce_sum3A_701 : vector<16xf32>, vector<16xi1> -> vector<16xf32>
        %reduce_sum3A_703 = vector.extract %reduce_sum3A_702[15] : f32 from vector<16xf32>
        %broadcast_in_dim3A_704 = vector.broadcast %reduce_sum3A_703 : f32 to vector<16xf32>
        %select_n3A_705 = arith.select %eq3A_699, %broadcast_in_dim3A_704, %scan3A_672 : vector<16xi1>, vector<16xf32>
        %eq3A_706 = vector.broadcast %add3A_682 : i32 to vector<16xi32>
        %eq3A_707 = arith.cmpi eq, %iota3A, %eq3A_706 : vector<16xi32>
        %reduce_sum3A_708 = arith.constant true
        %reduce_sum3A_709 = vector.broadcast %reduce_sum3A_708 : i1 to vector<16xi1>
        %reduce_sum3A_710 = tpu.scan <sum>, %scan3A_678#3 masked %reduce_sum3A_709 : vector<16xf32>, vector<16xi1> -> vector<16xf32>
        %reduce_sum3A_711 = vector.extract %reduce_sum3A_710[15] : f32 from vector<16xf32>
        %broadcast_in_dim3A_712 = vector.broadcast %reduce_sum3A_711 : f32 to vector<16xf32>
        %select_n3A_713 = arith.select %eq3A_707, %broadcast_in_dim3A_712, %scan3A_673 : vector<16xi1>, vector<16xf32>
        scf.yield %select_n3A_689, %select_n3A_697, %select_n3A_705, %select_n3A_713 : vector<16xf32>, vector<16xf32>, vector<16xf32>, vector<16xf32>
      }
      %scan3A_658 = arith.constant 4 : i32
      %and3A_659 = arith.constant 1 : i32
      %and3A_660 = arith.andi %scan3A_229, %and3A_659 : i32
      %eq3A = arith.constant 1 : i32
      %eq3A_661 = arith.cmpi eq, %and3A_660, %eq3A : i32
      %shift_right_arithmetic3A = arith.constant 1 : i32
      %shift_right_arithmetic3A_662 = arith.shrsi %scan3A_229, %shift_right_arithmetic3A : i32
      %convert_element_type3A_663 = arith.extui %eq3A_661 : i1 to i32
      %cond3A_664 = arith.constant 0 : i32
      %cond3A_665 = arith.cmpi ne, %convert_element_type3A_663, %cond3A_664 : i32
      scf.if %cond3A_665 {
        %mul3A_669 = arith.constant 16 : i32
        %mul3A_670 = arith.muli %shift_right_arithmetic3A_662, %mul3A_669 : i32
        %get3A = arith.index_cast %mul3A_670 : i32 to index
        %get3A_671 = tpu.vector_load %arg10[%get3A] {strides = array<i32>} : memref<64xf32, #tpu.memory_space<vmem>>, vector<16xf32>,
        %add3A_672 = arith.addf %scan3A_657#0, %get3A_671 : vector<16xf32>
        %ge3A = arith.constant 0.000000e+00 : f32
        %ge3A_673 = vector.broadcast %ge3A : f32 to vector<16xf32>
        %ge3A_674 = arith.cmpf oge, %add3A_672, %ge3A_673 : vector<16xf32>
        %mul3A_675 = arith.constant 1.000000e-01 : f32
        %mul3A_676 = vector.broadcast %mul3A_675 : f32 to vector<16xf32>
        %mul3A_677 = arith.mulf %mul3A_676, %add3A_672 : vector<16xf32>
        %select_n3A_678 = arith.select %ge3A_674, %add3A_672, %mul3A_677 : vector<16xi1>, vector<16xf32>
        %mul3A_679 = arith.constant 16 : i32
        %mul3A_680 = arith.muli %shift_right_arithmetic3A_662, %mul3A_679 : i32
        %swap3A = arith.constant 0 : i32
        %swap3A_681 = arith.index_cast %swap3A : i32 to index
        %swap3A_682 = arith.index_cast %mul3A_680 : i32 to index
        %swap3A_683 = tpu.vector_load %arg11[%swap3A_681, %swap3A_682] {strides = array<i32>} : memref<4x64xf32, #tpu.memory_space<vmem>>, vector<16xf32>,
        tpu.vector_store %arg11[%swap3A_681, %swap3A_682], %select_n3A_678 {strides = array<i32>} : memref<4x64xf32, #tpu.memory_space<vmem>>, vector<16xf32>,
        %add3A_684 = arith.addf %scan3A_657#1, %get3A_671 : vector<16xf32>
        %ge3A_685 = arith.constant 0.000000e+00 : f32
        %ge3A_686 = vector.broadcast %ge3A_685 : f32 to vector<16xf32>
        %ge3A_687 = arith.cmpf oge, %add3A_684, %ge3A_686 : vector<16xf32>
        %mul3A_688 = arith.constant 1.000000e-01 : f32
        %mul3A_689 = vector.broadcast %mul3A_688 : f32 to vector<16xf32>
        %mul3A_690 = arith.mulf %mul3A_689, %add3A_684 : vector<16xf32>
        %select_n3A_691 = arith.select %ge3A_687, %add3A_684, %mul3A_690 : vector<16xi1>, vector<16xf32>
        %mul3A_692 = arith.constant 16 : i32
        %mul3A_693 = arith.muli %shift_right_arithmetic3A_662, %mul3A_692 : i32
        %swap3A_694 = arith.constant 1 : i32
        %swap3A_695 = arith.index_cast %swap3A_694 : i32 to index
        %swap3A_696 = arith.index_cast %mul3A_693 : i32 to index
        %swap3A_697 = tpu.vector_load %arg11[%swap3A_695, %swap3A_696] {strides = array<i32>} : memref<4x64xf32, #tpu.memory_space<vmem>>, vector<16xf32>,
        tpu.vector_store %arg11[%swap3A_695, %swap3A_696], %select_n3A_691 {strides = array<i32>} : memref<4x64xf32, #tpu.memory_space<vmem>>, vector<16xf32>,
        %add3A_698 = arith.addf %scan3A_657#2, %get3A_671 : vector<16xf32>
        %ge3A_699 = arith.constant 0.000000e+00 : f32
        %ge3A_700 = vector.broadcast %ge3A_699 : f32 to vector<16xf32>
        %ge3A_701 = arith.cmpf oge, %add3A_698, %ge3A_700 : vector<16xf32>
        %mul3A_702 = arith.constant 1.000000e-01 : f32
        %mul3A_703 = vector.broadcast %mul3A_702 : f32 to vector<16xf32>
        %mul3A_704 = arith.mulf %mul3A_703, %add3A_698 : vector<16xf32>
        %select_n3A_705 = arith.select %ge3A_701, %add3A_698, %mul3A_704 : vector<16xi1>, vector<16xf32>
        %mul3A_706 = arith.constant 16 : i32
        %mul3A_707 = arith.muli %shift_right_arithmetic3A_662, %mul3A_706 : i32
        %swap3A_708 = arith.constant 2 : i32
        %swap3A_709 = arith.index_cast %swap3A_708 : i32 to index
        %swap3A_710 = arith.index_cast %mul3A_707 : i32 to index
        %swap3A_711 = tpu.vector_load %arg11[%swap3A_709, %swap3A_710] {strides = array<i32>} : memref<4x64xf32, #tpu.memory_space<vmem>>, vector<16xf32>,
        tpu.vector_store %arg11[%swap3A_709, %swap3A_710], %select_n3A_705 {strides = array<i32>} : memref<4x64xf32, #tpu.memory_space<vmem>>, vector<16xf32>,
        %add3A_712 = arith.addf %scan3A_657#3, %get3A_671 : vector<16xf32>
        %ge3A_713 = arith.constant 0.000000e+00 : f32
        %ge3A_714 = vector.broadcast %ge3A_713 : f32 to vector<16xf32>
        %ge3A_715 = arith.cmpf oge, %add3A_712, %ge3A_714 : vector<16xf32>
        %mul3A_716 = arith.constant 1.000000e-01 : f32
        %mul3A_717 = vector.broadcast %mul3A_716 : f32 to vector<16xf32>
        %mul3A_718 = arith.mulf %mul3A_717, %add3A_712 : vector<16xf32>
        %select_n3A_719 = arith.select %ge3A_715, %add3A_712, %mul3A_718 : vector<16xi1>, vector<16xf32>
        %mul3A_720 = arith.constant 16 : i32
        %mul3A_721 = arith.muli %shift_right_arithmetic3A_662, %mul3A_720 : i32
        %swap3A_722 = arith.constant 3 : i32
        %swap3A_723 = arith.index_cast %swap3A_722 : i32 to index
        %swap3A_724 = arith.index_cast %mul3A_721 : i32 to index
        %swap3A_725 = tpu.vector_load %arg11[%swap3A_723, %swap3A_724] {strides = array<i32>} : memref<4x64xf32, #tpu.memory_space<vmem>>, vector<16xf32>,
        tpu.vector_store %arg11[%swap3A_723, %swap3A_724], %select_n3A_719 {strides = array<i32>} : memref<4x64xf32, #tpu.memory_space<vmem>>, vector<16xf32>,
      } else {
      }
      %select_n3A = arith.select %eq3A_661, %broadcast_in_dim3A_5, %scan3A_657#0 : vector<16xf32>
      %select_n3A_666 = arith.select %eq3A_661, %broadcast_in_dim3A_5, %scan3A_657#1 : vector<16xf32>
      %select_n3A_667 = arith.select %eq3A_661, %broadcast_in_dim3A_5, %scan3A_657#2 : vector<16xf32>
      %select_n3A_668 = arith.select %eq3A_661, %broadcast_in_dim3A_5, %scan3A_657#3 : vector<16xf32>
      scf.yield %select_n3A, %select_n3A_666, %select_n3A_667, %select_n3A_668 : vector<16xf32>, vector<16xf32>, vector<16xf32>, vector<16xf32>
    }
    %scan3A_213 = arith.constant 8 : i32
    %mul3A_214 = arith.constant 64 : i32
    %mul3A_215 = arith.muli %add3A, %mul3A_214 : i32
    %run_scoped3A = arith.constant 0 : i32
    %run_scoped3A_216 = arith.constant 0 : i32
    "tpu.region"() ({
      %run_scoped3A_229 = tpu.sem_alloc : memref<!tpu.dma_semaphore, #tpu.memory_space<semaphore_mem>>
      %dma_start3A_230 = arith.constant 0 : i32
      %dma_start3A_231 = tpu.memref_slice %arg11[%run_scoped3A, %dma_start3A_230] : memref<4x64xf32, #tpu.memory_space<vmem>> -> memref<1x64xf32, #tpu.memory_space<vmem>>
      %dma_start3A_232 = tpu.memref_squeeze %dma_start3A_231 : memref<1x64xf32, #tpu.memory_space<vmem>> -> memref<64xf32, #tpu.memory_space<vmem>>
      %dma_start3A_233 = arith.constant 0 : i32
      %dma_start3A_234 = tpu.memref_slice %arg6[%run_scoped3A_216, %dma_start3A_233] : memref<4x2048xf32, #tpu.memory_space<hbm>> -> memref<1x2048xf32, #tpu.memory_space<hbm>>
      %dma_start3A_235 = tpu.memref_squeeze %dma_start3A_234 : memref<1x2048xf32, #tpu.memory_space<hbm>> -> memref<2048xf32, #tpu.memory_space<hbm>>
      %dma_start3A_236 = tpu.memref_slice %dma_start3A_235[%mul3A_215] : memref<2048xf32, #tpu.memory_space<hbm>> -> memref<64xf32, #tpu.memory_space<hbm>>
      %dma_start3A_237 = arith.constant 0 : i32
      %dma_start3A_238 = tpu.memref_slice %arg6[%run_scoped3A_216, %dma_start3A_237] : memref<4x2048xf32, #tpu.memory_space<hbm>> -> memref<1x2048xf32, #tpu.memory_space<hbm>>
      %dma_start3A_239 = tpu.memref_squeeze %dma_start3A_238 : memref<1x2048xf32, #tpu.memory_space<hbm>> -> memref<2048xf32, #tpu.memory_space<hbm>>
      %dma_start3A_240 = tpu.memref_slice %dma_start3A_239[%mul3A_215] : memref<2048xf32, #tpu.memory_space<hbm>> -> memref<64xf32, #tpu.memory_space<hbm>>
      %dma_start3A_241 = arith.constant 0 : i32
      %dma_start3A_242 = tpu.memref_slice %arg11[%run_scoped3A, %dma_start3A_241] : memref<4x64xf32, #tpu.memory_space<vmem>> -> memref<1x64xf32, #tpu.memory_space<vmem>>
      %dma_start3A_243 = tpu.memref_squeeze %dma_start3A_242 : memref<1x64xf32, #tpu.memory_space<vmem>> -> memref<64xf32, #tpu.memory_space<vmem>>
      tpu.enqueue_dma source(%dma_start3A_243 : memref<64xf32, #tpu.memory_space<vmem>>) target(%dma_start3A_240 : memref<64xf32, #tpu.memory_space<hbm>>) target_semaphore(%run_scoped3A_229 : memref<!tpu.dma_semaphore, #tpu.memory_space<semaphore_mem>>)
      %dma_wait3A = arith.constant 0 : i32
      %dma_wait3A_244 = tpu.memref_slice %arg11[%run_scoped3A, %dma_wait3A] : memref<4x64xf32, #tpu.memory_space<vmem>> -> memref<1x64xf32, #tpu.memory_space<vmem>>
      %dma_wait3A_245 = tpu.memref_squeeze %dma_wait3A_244 : memref<1x64xf32, #tpu.memory_space<vmem>> -> memref<64xf32, #tpu.memory_space<vmem>>
      %dma_wait3A_246 = arith.constant 0 : i32
      %dma_wait3A_247 = tpu.memref_slice %arg6[%run_scoped3A_216, %dma_wait3A_246] : memref<4x2048xf32, #tpu.memory_space<hbm>> -> memref<1x2048xf32, #tpu.memory_space<hbm>>
      %dma_wait3A_248 = tpu.memref_squeeze %dma_wait3A_247 : memref<1x2048xf32, #tpu.memory_space<hbm>> -> memref<2048xf32, #tpu.memory_space<hbm>>
      %dma_wait3A_249 = tpu.memref_slice %dma_wait3A_248[%mul3A_215] : memref<2048xf32, #tpu.memory_space<hbm>> -> memref<64xf32, #tpu.memory_space<hbm>>
      %dma_wait3A_250 = arith.constant 0 : i32
      %dma_wait3A_251 = tpu.memref_slice %arg6[%run_scoped3A_216, %dma_wait3A_250] : memref<4x2048xf32, #tpu.memory_space<hbm>> -> memref<1x2048xf32, #tpu.memory_space<hbm>>
      %dma_wait3A_252 = tpu.memref_squeeze %dma_wait3A_251 : memref<1x2048xf32, #tpu.memory_space<hbm>> -> memref<2048xf32, #tpu.memory_space<hbm>>
      %dma_wait3A_253 = tpu.memref_slice %dma_wait3A_252[%mul3A_215] : memref<2048xf32, #tpu.memory_space<hbm>> -> memref<64xf32, #tpu.memory_space<hbm>>
      %dma_wait3A_254 = arith.constant 0 : i32
      %dma_wait3A_255 = tpu.memref_slice %arg11[%run_scoped3A, %dma_wait3A_254] : memref<4x64xf32, #tpu.memory_space<vmem>> -> memref<1x64xf32, #tpu.memory_space<vmem>>
      %dma_wait3A_256 = tpu.memref_squeeze %dma_wait3A_255 : memref<1x64xf32, #tpu.memory_space<vmem>> -> memref<64xf32, #tpu.memory_space<vmem>>
      tpu.wait_dma2 semaphore(%run_scoped3A_229 : memref<!tpu.dma_semaphore, #tpu.memory_space<semaphore_mem>>) src(%dma_wait3A_256 : memref<64xf32, #tpu.memory_space<vmem>>) dst(%dma_wait3A_253 : memref<64xf32, #tpu.memory_space<hbm>>)
      tpu.yield
    }) : () -> ()
    %mul3A_217 = arith.constant 64 : i32
    %mul3A_218 = arith.muli %add3A, %mul3A_217 : i32
    %run_scoped3A_219 = arith.constant 1 : i32
    %run_scoped3A_220 = arith.constant 1 : i32
    "tpu.region"() ({
      %run_scoped3A_229 = tpu.sem_alloc : memref<!tpu.dma_semaphore, #tpu.memory_space<semaphore_mem>>
      %dma_start3A_230 = arith.constant 0 : i32
      %dma_start3A_231 = tpu.memref_slice %arg11[%run_scoped3A_219, %dma_start3A_230] : memref<4x64xf32, #tpu.memory_space<vmem>> -> memref<1x64xf32, #tpu.memory_space<vmem>>
      %dma_start3A_232 = tpu.memref_squeeze %dma_start3A_231 : memref<1x64xf32, #tpu.memory_space<vmem>> -> memref<64xf32, #tpu.memory_space<vmem>>
      %dma_start3A_233 = arith.constant 0 : i32
      %dma_start3A_234 = tpu.memref_slice %arg6[%run_scoped3A_220, %dma_start3A_233] : memref<4x2048xf32, #tpu.memory_space<hbm>> -> memref<1x2048xf32, #tpu.memory_space<hbm>>
      %dma_start3A_235 = tpu.memref_squeeze %dma_start3A_234 : memref<1x2048xf32, #tpu.memory_space<hbm>> -> memref<2048xf32, #tpu.memory_space<hbm>>
      %dma_start3A_236 = tpu.memref_slice %dma_start3A_235[%mul3A_218] : memref<2048xf32, #tpu.memory_space<hbm>> -> memref<64xf32, #tpu.memory_space<hbm>>
      %dma_start3A_237 = arith.constant 0 : i32
      %dma_start3A_238 = tpu.memref_slice %arg6[%run_scoped3A_220, %dma_start3A_237] : memref<4x2048xf32, #tpu.memory_space<hbm>> -> memref<1x2048xf32, #tpu.memory_space<hbm>>
      %dma_start3A_239 = tpu.memref_squeeze %dma_start3A_238 : memref<1x2048xf32, #tpu.memory_space<hbm>> -> memref<2048xf32, #tpu.memory_space<hbm>>
      %dma_start3A_240 = tpu.memref_slice %dma_start3A_239[%mul3A_218] : memref<2048xf32, #tpu.memory_space<hbm>> -> memref<64xf32, #tpu.memory_space<hbm>>
      %dma_start3A_241 = arith.constant 0 : i32
      %dma_start3A_242 = tpu.memref_slice %arg11[%run_scoped3A_219, %dma_start3A_241] : memref<4x64xf32, #tpu.memory_space<vmem>> -> memref<1x64xf32, #tpu.memory_space<vmem>>
      %dma_start3A_243 = tpu.memref_squeeze %dma_start3A_242 : memref<1x64xf32, #tpu.memory_space<vmem>> -> memref<64xf32, #tpu.memory_space<vmem>>
      tpu.enqueue_dma source(%dma_start3A_243 : memref<64xf32, #tpu.memory_space<vmem>>) target(%dma_start3A_240 : memref<64xf32, #tpu.memory_space<hbm>>) target_semaphore(%run_scoped3A_229 : memref<!tpu.dma_semaphore, #tpu.memory_space<semaphore_mem>>)
      %dma_wait3A = arith.constant 0 : i32
      %dma_wait3A_244 = tpu.memref_slice %arg11[%run_scoped3A_219, %dma_wait3A] : memref<4x64xf32, #tpu.memory_space<vmem>> -> memref<1x64xf32, #tpu.memory_space<vmem>>
      %dma_wait3A_245 = tpu.memref_squeeze %dma_wait3A_244 : memref<1x64xf32, #tpu.memory_space<vmem>> -> memref<64xf32, #tpu.memory_space<vmem>>
      %dma_wait3A_246 = arith.constant 0 : i32
      %dma_wait3A_247 = tpu.memref_slice %arg6[%run_scoped3A_220, %dma_wait3A_246] : memref<4x2048xf32, #tpu.memory_space<hbm>> -> memref<1x2048xf32, #tpu.memory_space<hbm>>
      %dma_wait3A_248 = tpu.memref_squeeze %dma_wait3A_247 : memref<1x2048xf32, #tpu.memory_space<hbm>> -> memref<2048xf32, #tpu.memory_space<hbm>>
      %dma_wait3A_249 = tpu.memref_slice %dma_wait3A_248[%mul3A_218] : memref<2048xf32, #tpu.memory_space<hbm>> -> memref<64xf32, #tpu.memory_space<hbm>>
      %dma_wait3A_250 = arith.constant 0 : i32
      %dma_wait3A_251 = tpu.memref_slice %arg6[%run_scoped3A_220, %dma_wait3A_250] : memref<4x2048xf32, #tpu.memory_space<hbm>> -> memref<1x2048xf32, #tpu.memory_space<hbm>>
      %dma_wait3A_252 = tpu.memref_squeeze %dma_wait3A_251 : memref<1x2048xf32, #tpu.memory_space<hbm>> -> memref<2048xf32, #tpu.memory_space<hbm>>
      %dma_wait3A_253 = tpu.memref_slice %dma_wait3A_252[%mul3A_218] : memref<2048xf32, #tpu.memory_space<hbm>> -> memref<64xf32, #tpu.memory_space<hbm>>
      %dma_wait3A_254 = arith.constant 0 : i32
      %dma_wait3A_255 = tpu.memref_slice %arg11[%run_scoped3A_219, %dma_wait3A_254] : memref<4x64xf32, #tpu.memory_space<vmem>> -> memref<1x64xf32, #tpu.memory_space<vmem>>
      %dma_wait3A_256 = tpu.memref_squeeze %dma_wait3A_255 : memref<1x64xf32, #tpu.memory_space<vmem>> -> memref<64xf32, #tpu.memory_space<vmem>>
      tpu.wait_dma2 semaphore(%run_scoped3A_229 : memref<!tpu.dma_semaphore, #tpu.memory_space<semaphore_mem>>) src(%dma_wait3A_256 : memref<64xf32, #tpu.memory_space<vmem>>) dst(%dma_wait3A_253 : memref<64xf32, #tpu.memory_space<hbm>>)
      tpu.yield
    }) : () -> ()
    %mul3A_221 = arith.constant 64 : i32
    %mul3A_222 = arith.muli %add3A, %mul3A_221 : i32
    %run_scoped3A_223 = arith.constant 2 : i32
    %run_scoped3A_224 = arith.constant 2 : i32
    "tpu.region"() ({
      %run_scoped3A_229 = tpu.sem_alloc : memref<!tpu.dma_semaphore, #tpu.memory_space<semaphore_mem>>
      %dma_start3A_230 = arith.constant 0 : i32
      %dma_start3A_231 = tpu.memref_slice %arg11[%run_scoped3A_223, %dma_start3A_230] : memref<4x64xf32, #tpu.memory_space<vmem>> -> memref<1x64xf32, #tpu.memory_space<vmem>>
      %dma_start3A_232 = tpu.memref_squeeze %dma_start3A_231 : memref<1x64xf32, #tpu.memory_space<vmem>> -> memref<64xf32, #tpu.memory_space<vmem>>
      %dma_start3A_233 = arith.constant 0 : i32
      %dma_start3A_234 = tpu.memref_slice %arg6[%run_scoped3A_224, %dma_start3A_233] : memref<4x2048xf32, #tpu.memory_space<hbm>> -> memref<1x2048xf32, #tpu.memory_space<hbm>>
      %dma_start3A_235 = tpu.memref_squeeze %dma_start3A_234 : memref<1x2048xf32, #tpu.memory_space<hbm>> -> memref<2048xf32, #tpu.memory_space<hbm>>
      %dma_start3A_236 = tpu.memref_slice %dma_start3A_235[%mul3A_222] : memref<2048xf32, #tpu.memory_space<hbm>> -> memref<64xf32, #tpu.memory_space<hbm>>
      %dma_start3A_237 = arith.constant 0 : i32
      %dma_start3A_238 = tpu.memref_slice %arg6[%run_scoped3A_224, %dma_start3A_237] : memref<4x2048xf32, #tpu.memory_space<hbm>> -> memref<1x2048xf32, #tpu.memory_space<hbm>>
      %dma_start3A_239 = tpu.memref_squeeze %dma_start3A_238 : memref<1x2048xf32, #tpu.memory_space<hbm>> -> memref<2048xf32, #tpu.memory_space<hbm>>
      %dma_start3A_240 = tpu.memref_slice %dma_start3A_239[%mul3A_222] : memref<2048xf32, #tpu.memory_space<hbm>> -> memref<64xf32, #tpu.memory_space<hbm>>
      %dma_start3A_241 = arith.constant 0 : i32
      %dma_start3A_242 = tpu.memref_slice %arg11[%run_scoped3A_223, %dma_start3A_241] : memref<4x64xf32, #tpu.memory_space<vmem>> -> memref<1x64xf32, #tpu.memory_space<vmem>>
      %dma_start3A_243 = tpu.memref_squeeze %dma_start3A_242 : memref<1x64xf32, #tpu.memory_space<vmem>> -> memref<64xf32, #tpu.memory_space<vmem>>
      tpu.enqueue_dma source(%dma_start3A_243 : memref<64xf32, #tpu.memory_space<vmem>>) target(%dma_start3A_240 : memref<64xf32, #tpu.memory_space<hbm>>) target_semaphore(%run_scoped3A_229 : memref<!tpu.dma_semaphore, #tpu.memory_space<semaphore_mem>>)
      %dma_wait3A = arith.constant 0 : i32
      %dma_wait3A_244 = tpu.memref_slice %arg11[%run_scoped3A_223, %dma_wait3A] : memref<4x64xf32, #tpu.memory_space<vmem>> -> memref<1x64xf32, #tpu.memory_space<vmem>>
      %dma_wait3A_245 = tpu.memref_squeeze %dma_wait3A_244 : memref<1x64xf32, #tpu.memory_space<vmem>> -> memref<64xf32, #tpu.memory_space<vmem>>
      %dma_wait3A_246 = arith.constant 0 : i32
      %dma_wait3A_247 = tpu.memref_slice %arg6[%run_scoped3A_224, %dma_wait3A_246] : memref<4x2048xf32, #tpu.memory_space<hbm>> -> memref<1x2048xf32, #tpu.memory_space<hbm>>
      %dma_wait3A_248 = tpu.memref_squeeze %dma_wait3A_247 : memref<1x2048xf32, #tpu.memory_space<hbm>> -> memref<2048xf32, #tpu.memory_space<hbm>>
      %dma_wait3A_249 = tpu.memref_slice %dma_wait3A_248[%mul3A_222] : memref<2048xf32, #tpu.memory_space<hbm>> -> memref<64xf32, #tpu.memory_space<hbm>>
      %dma_wait3A_250 = arith.constant 0 : i32
      %dma_wait3A_251 = tpu.memref_slice %arg6[%run_scoped3A_224, %dma_wait3A_250] : memref<4x2048xf32, #tpu.memory_space<hbm>> -> memref<1x2048xf32, #tpu.memory_space<hbm>>
      %dma_wait3A_252 = tpu.memref_squeeze %dma_wait3A_251 : memref<1x2048xf32, #tpu.memory_space<hbm>> -> memref<2048xf32, #tpu.memory_space<hbm>>
      %dma_wait3A_253 = tpu.memref_slice %dma_wait3A_252[%mul3A_222] : memref<2048xf32, #tpu.memory_space<hbm>> -> memref<64xf32, #tpu.memory_space<hbm>>
      %dma_wait3A_254 = arith.constant 0 : i32
      %dma_wait3A_255 = tpu.memref_slice %arg11[%run_scoped3A_223, %dma_wait3A_254] : memref<4x64xf32, #tpu.memory_space<vmem>> -> memref<1x64xf32, #tpu.memory_space<vmem>>
      %dma_wait3A_256 = tpu.memref_squeeze %dma_wait3A_255 : memref<1x64xf32, #tpu.memory_space<vmem>> -> memref<64xf32, #tpu.memory_space<vmem>>
      tpu.wait_dma2 semaphore(%run_scoped3A_229 : memref<!tpu.dma_semaphore, #tpu.memory_space<semaphore_mem>>) src(%dma_wait3A_256 : memref<64xf32, #tpu.memory_space<vmem>>) dst(%dma_wait3A_253 : memref<64xf32, #tpu.memory_space<hbm>>)
      tpu.yield
    }) : () -> ()
    %mul3A_225 = arith.constant 64 : i32
    %mul3A_226 = arith.muli %add3A, %mul3A_225 : i32
    %run_scoped3A_227 = arith.constant 3 : i32
    %run_scoped3A_228 = arith.constant 3 : i32
    "tpu.region"() ({
      %run_scoped3A_229 = tpu.sem_alloc : memref<!tpu.dma_semaphore, #tpu.memory_space<semaphore_mem>>
      %dma_start3A_230 = arith.constant 0 : i32
      %dma_start3A_231 = tpu.memref_slice %arg11[%run_scoped3A_227, %dma_start3A_230] : memref<4x64xf32, #tpu.memory_space<vmem>> -> memref<1x64xf32, #tpu.memory_space<vmem>>
      %dma_start3A_232 = tpu.memref_squeeze %dma_start3A_231 : memref<1x64xf32, #tpu.memory_space<vmem>> -> memref<64xf32, #tpu.memory_space<vmem>>
      %dma_start3A_233 = arith.constant 0 : i32
      %dma_start3A_234 = tpu.memref_slice %arg6[%run_scoped3A_228, %dma_start3A_233] : memref<4x2048xf32, #tpu.memory_space<hbm>> -> memref<1x2048xf32, #tpu.memory_space<hbm>>
      %dma_start3A_235 = tpu.memref_squeeze %dma_start3A_234 : memref<1x2048xf32, #tpu.memory_space<hbm>> -> memref<2048xf32, #tpu.memory_space<hbm>>
      %dma_start3A_236 = tpu.memref_slice %dma_start3A_235[%mul3A_226] : memref<2048xf32, #tpu.memory_space<hbm>> -> memref<64xf32, #tpu.memory_space<hbm>>
      %dma_start3A_237 = arith.constant 0 : i32
      %dma_start3A_238 = tpu.memref_slice %arg6[%run_scoped3A_228, %dma_start3A_237] : memref<4x2048xf32, #tpu.memory_space<hbm>> -> memref<1x2048xf32, #tpu.memory_space<hbm>>
      %dma_start3A_239 = tpu.memref_squeeze %dma_start3A_238 : memref<1x2048xf32, #tpu.memory_space<hbm>> -> memref<2048xf32, #tpu.memory_space<hbm>>
      %dma_start3A_240 = tpu.memref_slice %dma_start3A_239[%mul3A_226] : memref<2048xf32, #tpu.memory_space<hbm>> -> memref<64xf32, #tpu.memory_space<hbm>>
      %dma_start3A_241 = arith.constant 0 : i32
      %dma_start3A_242 = tpu.memref_slice %arg11[%run_scoped3A_227, %dma_start3A_241] : memref<4x64xf32, #tpu.memory_space<vmem>> -> memref<1x64xf32, #tpu.memory_space<vmem>>
      %dma_start3A_243 = tpu.memref_squeeze %dma_start3A_242 : memref<1x64xf32, #tpu.memory_space<vmem>> -> memref<64xf32, #tpu.memory_space<vmem>>
      tpu.enqueue_dma source(%dma_start3A_243 : memref<64xf32, #tpu.memory_space<vmem>>) target(%dma_start3A_240 : memref<64xf32, #tpu.memory_space<hbm>>) target_semaphore(%run_scoped3A_229 : memref<!tpu.dma_semaphore, #tpu.memory_space<semaphore_mem>>)
      %dma_wait3A = arith.constant 0 : i32
      %dma_wait3A_244 = tpu.memref_slice %arg11[%run_scoped3A_227, %dma_wait3A] : memref<4x64xf32, #tpu.memory_space<vmem>> -> memref<1x64xf32, #tpu.memory_space<vmem>>
      %dma_wait3A_245 = tpu.memref_squeeze %dma_wait3A_244 : memref<1x64xf32, #tpu.memory_space<vmem>> -> memref<64xf32, #tpu.memory_space<vmem>>
      %dma_wait3A_246 = arith.constant 0 : i32
      %dma_wait3A_247 = tpu.memref_slice %arg6[%run_scoped3A_228, %dma_wait3A_246] : memref<4x2048xf32, #tpu.memory_space<hbm>> -> memref<1x2048xf32, #tpu.memory_space<hbm>>
      %dma_wait3A_248 = tpu.memref_squeeze %dma_wait3A_247 : memref<1x2048xf32, #tpu.memory_space<hbm>> -> memref<2048xf32, #tpu.memory_space<hbm>>
      %dma_wait3A_249 = tpu.memref_slice %dma_wait3A_248[%mul3A_226] : memref<2048xf32, #tpu.memory_space<hbm>> -> memref<64xf32, #tpu.memory_space<hbm>>
      %dma_wait3A_250 = arith.constant 0 : i32
      %dma_wait3A_251 = tpu.memref_slice %arg6[%run_scoped3A_228, %dma_wait3A_250] : memref<4x2048xf32, #tpu.memory_space<hbm>> -> memref<1x2048xf32, #tpu.memory_space<hbm>>
      %dma_wait3A_252 = tpu.memref_squeeze %dma_wait3A_251 : memref<1x2048xf32, #tpu.memory_space<hbm>> -> memref<2048xf32, #tpu.memory_space<hbm>>
      %dma_wait3A_253 = tpu.memref_slice %dma_wait3A_252[%mul3A_226] : memref<2048xf32, #tpu.memory_space<hbm>> -> memref<64xf32, #tpu.memory_space<hbm>>
      %dma_wait3A_254 = arith.constant 0 : i32
      %dma_wait3A_255 = tpu.memref_slice %arg11[%run_scoped3A_227, %dma_wait3A_254] : memref<4x64xf32, #tpu.memory_space<vmem>> -> memref<1x64xf32, #tpu.memory_space<vmem>>
      %dma_wait3A_256 = tpu.memref_squeeze %dma_wait3A_255 : memref<1x64xf32, #tpu.memory_space<vmem>> -> memref<64xf32, #tpu.memory_space<vmem>>
      tpu.wait_dma2 semaphore(%run_scoped3A_229 : memref<!tpu.dma_semaphore, #tpu.memory_space<semaphore_mem>>) src(%dma_wait3A_256 : memref<64xf32, #tpu.memory_space<vmem>>) dst(%dma_wait3A_253 : memref<64xf32, #tpu.memory_space<hbm>>)
      tpu.yield
    }) : () -> ()
    return
  }
}

</mosaic_0001>

<sc_bundles>
// kernel: kernel.3.cloned.1.call-start
scs
__scs_entry_jumppad:
0x0: {  	(pc) =	sbr.rel $0x88, $3  }
0x1: {  	(tag) =	ssettag $0x0;
	lr =	simm.s32 $0x1  }
0x2: {  	[smem:$0x3F9D] =	sst lr;
	_ =	strace $0xD0000000  }
0x3: {  	_ = 	snop  }
0x4: {  	_ = 	snop  }
0x5: {  	_ = 	snop  }
0x6: {  	_ = 	snop  }
0x7: {  	_ = 	snop  }
__scs_overlays_trampoline_lowered:
0x8: {  	[smem:$0x3FAC] =	sst s0  }
0x9: {  	[smem:$0x3FAD] =	sst s1  }
0xa: {  	[smem:$0x3FAE] =	sst s2  }
0xb: {  	[smem:$0x3FAF] =	sst s3  }
0xc: {  	[smem:$0x3FB0] =	sst s4  }
0xd: {  	[smem:$0x3FB1] =	sst s5  }
0xe: {  	[smem:$0x3FB2] =	sst s6  }
0xf: {  	[smem:$0x3FB3] =	sst s7  }
0x10: {  	[smem:$0x3FB4] =	sst s8  }
0x11: {  	[smem:$0x3FB5] =	sst s9;
	s0 =	simm.s32 @!p0 $0x0  }
0x12: {  	s1 =	sld [smem:$0x3F9B];
	s0 =	simm.s32 @p0 $0x1  }
0x13: {  	[smem:$0x3FB6] =	sst s0;
	s0 =	simm.s32 @!p1 $0x0  }
0x14: {  	s2 =	sld [smem:$0x3F9A];
	s0 =	simm.s32 @p1 $0x1  }
0x15: {  	[smem:$0x3FB7] =	sst s0;
	s0 =	simm.s32 @!p2 $0x0  }
0x16: {  	s3 =	sld [smem:$0x3FDB];
	s0 =	simm.s32 @p2 $0x1  }
0x17: {  	s4 =	simm.s32 $0x1BF5;
	[smem:$0x3FB9] =	sst s0  }
0x18: {  	s0 =	sld [smem:$0x3F9C];
	_ =	swait.ge [sflag:s4], $0x0  }
0x19: {  	s7 =	sld [smem:$0x3F9D]  }
0x1a: {  	s8 =	sadd.s32 $0xFFFFE003, lr  }
0x1b: {  	s9 =	sadd.s32 $0xFFFFFEF7, lr;
	s5 =	simm.s32 $0xFFFFFFFF;
	p2 =	slt.u32 s8, $0xFFFFF086  }
0x1c: {  	p1 =	slt.u32 s9, $0xF7A;
	s5 =	simm.s32 @!p2 $0x0  }
0x1d: {  	s5 =	simm.s32 @p1 $0x1;
	p0 =	seq.s32 s7, s2  }
0x1e: {  	s7 =	smul.u32 @!p0 $0xF7A, s2;
	p2 =	seq.s32 @!p0 s5, $0x0  }
0x1f: {  	s9 =	smul.u32 $0xF7A, s1;
	s8 =	simm.s32 @!p0 $0x1BF5;
	p2 =	por !p2, p0  }
0x20: {  	[sflag:s8] =	ssyncset.s32 @!p0 $0xFFFFF086;
	s6 =	sadd.s32 @!p0 s3, s7;
	s7 =	simm.s32 @!p0 $0x108  }
0x21: {  	s3 =	sadd.s32 s3, s9;
	s6 =	sadd.s32 @!p0 $0x88, s6;
	s7 =	simm.s32 @p2 $0x1082  }
0x22: {  	[simem:s7], [sflag:s8] =	dma.local @!p0 [hbm:s6], $0xF7A  }
0x23: {  	s9 =	sor.u32 $0xD0000000, s2;
	s6 =	simm.s32 $0x108;
	_ =	swait.ge @!p0 [sflag:s8], $0x0  }
0x24: {  	s3 =	sadd.s32 $0x88, s3;
	s6 =	simm.s32 @!p1 $0x1082;
	[sflag:s4] =	ssyncset.s32 $0xFFFFF086  }
0x25: {  	[simem:s6], [sflag:s4] =	dma.local [hbm:s3], $0xF7A  }
0x26: {  	[smem:$0x3F9D] =	sst s1;
	(tag) =	ssettag s2;
	_ =	strace s9  }
0x27: {  	s1 =	sld [smem:$0x3FAD]  }
0x28: {  	s2 =	sld [smem:$0x3FAE]  }
0x29: {  	s4 =	sld [smem:$0x3FB0]  }
0x2a: {  	p0 =	seq.s32 s5, $0x0;
	s5 =	sld [smem:$0x3FB1]  }
0x2b: {  	s6 =	sld [smem:$0x3FB2]  }
0x2c: {  	s7 =	sld [smem:$0x3FB3]  }
0x2d: {  	s3 =	simm.s32 $0x108;
	s8 =	sld [smem:$0x3FB4]  }
0x2e: {  	s3 =	simm.s32 @!p0 $0x1082;
	s9 =	sld [smem:$0x3FB5]  }
0x2f: {  	lr =	sadd.s32 s0, s3;
	s0 =	sld [smem:$0x3FAC]  }
0x30: {  	s3 =	sld [smem:$0x3FAF]  }
0x31: {  	[smem:$0x3FB8] =	sst s10  }
0x32: {  	s10 =	sld [smem:$0x3FB6];
	_ =	sdelay $0x3  }
0x33: {  	p0 =	seq.s32 s10, $0x1;
	s10 =	sld [smem:$0x3FB8];
	_ =	sdelay $0x3  }
0x34: {  	[smem:$0x3FB8] =	sst s10  }
0x35: {  	s10 =	sld [smem:$0x3FB7];
	_ =	sdelay $0x3  }
0x36: {  	p1 =	seq.s32 s10, $0x1;
	s10 =	sld [smem:$0x3FB8];
	_ =	sdelay $0x3  }
0x37: {  	[smem:$0x3FB8] =	sst s10  }
0x38: {  	s10 =	sld [smem:$0x3FB9]  }
0x39: {  	_ = 	snop;
	(pc) =	sbr.ind lr, $3  }
0x3a: {  	_ = 	snop  }
0x3b: {  	_ = 	snop  }
0x3c: {  	p2 =	seq.s32 s10, $0x1;
	s10 =	sld [smem:$0x3FB8]  }
0x3d: {  	_ =	shalt  }
0x3e: {  	_ =	shalt  }
0x3f: {  	_ =	shalt  }
0x40: {  	_ =	shalt  }
0x41: {  	_ =	shalt  }
0x42: {  	_ =	shalt  }
0x43: {  	_ =	shalt  }
0x44: {  	_ =	shalt  }
0x45: {  	_ =	shalt  }
0x46: {  	_ =	shalt  }
0x47: {  	_ =	shalt  }
0x48: {  	_ =	shalt  }
0x49: {  	_ =	shalt  }
0x4a: {  	_ =	shalt  }
0x4b: {  	_ =	shalt  }
0x4c: {  	_ =	shalt  }
0x4d: {  	_ =	shalt  }
0x4e: {  	_ =	shalt  }
0x4f: {  	_ =	shalt  }
0x50: {  	_ =	shalt  }
0x51: {  	_ =	shalt  }
0x52: {  	_ =	shalt  }
0x53: {  	_ =	shalt  }
0x54: {  	_ =	shalt  }
0x55: {  	_ =	shalt  }
0x56: {  	_ =	shalt  }
0x57: {  	_ =	shalt  }
0x58: {  	_ =	shalt  }
0x59: {  	_ =	shalt  }
0x5a: {  	_ =	shalt  }
0x5b: {  	_ =	shalt  }
0x5c: {  	_ =	shalt  }
0x5d: {  	_ =	shalt  }
0x5e: {  	_ =	shalt  }
0x5f: {  	_ =	shalt  }
0x60: {  	_ =	shalt  }
0x61: {  	_ =	shalt  }
0x62: {  	_ =	shalt  }
0x63: {  	_ =	shalt  }
0x64: {  	_ =	shalt  }
0x65: {  	_ =	shalt  }
0x66: {  	_ =	shalt  }
0x67: {  	_ =	shalt  }
0x68: {  	_ =	shalt  }
0x69: {  	_ =	shalt  }
0x6a: {  	_ =	shalt  }
0x6b: {  	_ =	shalt  }
0x6c: {  	_ =	shalt  }
0x6d: {  	_ =	shalt  }
0x6e: {  	_ =	shalt  }
0x6f: {  	_ =	shalt  }
0x70: {  	_ =	shalt  }
0x71: {  	_ =	shalt  }
0x72: {  	_ =	shalt  }
0x73: {  	_ =	shalt  }
0x74: {  	_ =	shalt  }
0x75: {  	_ =	shalt  }
0x76: {  	_ =	shalt  }
0x77: {  	_ =	shalt  }
0x78: {  	_ =	shalt  }
0x79: {  	_ =	shalt  }
0x7a: {  	_ =	shalt  }
0x7b: {  	_ =	shalt  }
0x7c: {  	_ =	shalt  }
0x7d: {  	_ =	shalt  }
0x7e: {  	_ =	shalt  }
0x7f: {  	_ =	shalt  }
0x80: {  	_ =	shalt  }
0x81: {  	_ =	shalt  }
0x82: {  	_ =	shalt  }
0x83: {  	_ =	shalt  }
0x84: {  	_ =	shalt  }
0x85: {  	_ =	shalt  }
0x86: {  	_ =	shalt  }
0x87: {  	_ =	shalt  }
.Lfunc_end0:
.L_simem_size_0:
called_computation_lowered:
.L_overlay_start_0:
0x88: {  	s2 =	sld [smem:$0x3FD9]  }
0x89: {  	s3 =	sld [smem:$0x3FFE];
	_ =	sdelay $0x1  }
0x8a: {  	s1 =	srdreg.scid  }
0x8b: {  	s0 =	sand.u32 $0x1, s1  }
0x8c: {  	s17 =	sshll.u32 s0, $0xA;
	s2 =	sadd.s32 s3, s2  }
0x8d: {  	s2 =	sadd.s32 s2, s17  }
0x8e: {  	[smem:$0x3FC4] =	sst s2  }
0x8f: {  	_ = 	snop  }
0x90: {  	s2 =	sld [smem:$0x3FC9]  }
0x91: {  	s18 =	sld [smem:$0x3FC7]  }
0x92: {  	s4 =	sld [smem:$0x3FC6]  }
0x93: {  	s5 =	sld [smem:$0x3FD0];
	(tm) =	ssettm $0x1  }
0x94: {  	s6 =	sld [smem:$0x3FFB];
	_ =	sdelay $0x3  }
0x95: {  	_ =	strace s6  }
0x96: {  	s6 =	sld [smem:$0x3FFC];
	_ =	sdelay $0x3  }
0x97: {  	_ =	strace s6  }
0x98: {  	s6 =	sld [smem:$0x3FFD];
	_ =	sdelay $0x3  }
0x99: {  	_ =	strace s6  }
0x9a: {  	_ =	strace $0x8FFFFFFF  }
0x9b: {  	s19 =	sld [smem:$0x3FDB];
	_ =	sdelay $0x1  }
0x9c: {  	s7 =	simm.s32 $_scs_section_size  }
0x9d: {  	s8 =	simm.s32 $_size__tile_overlayer_lowered;
	s9 =	simm.s32 $_tile_overlayer_lowered  }
0x9e: {  	s22 =	simm.s32 $0x1BFF;
	s21 =	sshll.u32 s9, $0x1;
	s6 =	sadd.s32 s7, s19  }
0x9f: {  	s10 =	simm.s32 $0x0;
	s20 =	sshll.u32 s8, $0x1;
	s8 =	sadd.s32 s21, s6  }
0xa0: {  	[timem:s10], [sflag:s22] =	dma.local [hbm:s8], s20  }
0xa1: {  	_ =	swait.ge [sflag:s22], s20  }
0xa2: {  	s7 =	ssub.s32 $0x0, s20;
	[sflag:s22] =	ssyncset.done $0x0  }
0xa3: {  	[sflag:s22] =	ssyncadd.s32 s7;
	_ =	sdelay $0x1  }
0xa4: {  	s23 =	simm.s32 $0x1B8B  }
0xa5: {  	_ =	swait.ge [sflag:s23], $0x1  }
0xa6: {  	[sflag:s23] =	ssyncset.done $0x0  }
0xa7: {  	s25 =	simm.s32 $0x1B8E;
	s24 =	sld [smem:$0x3FFE];
	[sflag:s23] =	ssyncadd.s32 $0xFFFFFFFF  }
0xa8: {  	s26 =	simm.s32 $execute0_lowered;
	[smem:$0x3FD2] =	sst s25  }
0xa9: {  	s8 =	sshll.u32 s26, $0x1;
	_ =	strace $0x80000046;
	[dreg:$0x1] =	wrdreg $0xFFFFFFFF  }
0xaa: {  	s28 =	simm.s32 $_size_execute0_lowered;
	s6 =	sadd.s32 s6, s8;
	[dreg:$0x0] =	wrdreg $0x0  }
0xab: {  	s8 =	sshll.u32 s28, $0x1;
	[dreg:$0x2] =	wrdreg s6  }
0xac: {  	[dreg:$0x3] =	wrdreg s8  }
0xad: {  	[dreg:$0x4] =	wrdreg $0xC0  }
0xae: {  	_ =	task [dreg:s10], $0x5FFFF  }
0xaf: {  	[dreg:$0x1] =	wrdreg $0xFFFFFFFF  }
0xb0: {  	[dreg:$0x0] =	wrdreg $0x60  }
0xb1: {  	[dreg:$0x2] =	wrdreg s24  }
0xb2: {  	[dreg:$0x3] =	wrdreg s18  }
0xb3: {  	[dreg:$0x4] =	wrdreg s4  }
0xb4: {  	[dreg:$0x5] =	wrdreg s2  }
0xb5: {  	[dreg:$0x6] =	wrdreg s5  }
0xb6: {  	[dreg:$0x7] =	wrdreg $0x9  }
0xb7: {  	_ =	task.clear_ibuf [dreg:s10], $0x8FFFF;
	_ =	strace $0x90000046  }
0xb8: {  	s29 =	simm.s32 $0x9;
	_ =	strace $0x80000048  }
0xb9: {  	_ =	swait.ge [sflag:s29], $0x1  }
0xba: {  	[sflag:s29] =	ssyncadd.s32 $0xFFFFFFFF  }
0xbb: {  	_ =	strace $0x90000048  }
0xbc: {  	_ =	sfence  }
0xbd: {  	s30 =	sld [smem:$0x0];
	_ =	sdelay $0x2  }
0xbe: {  	s31 =	sshll.u32 s1, $0xD;
	s1 =	sshrl.u32 s1, $0x2  }
0xbf: {  	s3 =	sand.u32 $0x4000, s31;
	s1 =	sadd.s32 s1, s30  }
0xc0: {  	s0 =	sor.u32 s3, s0;
	s1 =	sshll.u32 s1, $0x11  }
0xc1: {  	s0 =	sor.u32 s1, s0  }
0xc2: {  	s0 =	sadd.s32 $0x8F2B, s0  }
0xc3: {  	[sflag:s0] =	ssyncadd.remote.s32 $0x1  }
0xc4: {  	_ =	sfence.sel $0xFFFF  }
0xc5: {  	[dreg:$0x0] =	wrdreg $0xFFFFFFFF;
	(pc) =	sbr.abs _section_cstart, $3  }
0xc6: {  	[dreg:$0x1] =	wrdreg $0xFFFFFFFF  }
0xc7: {  	_ =	task.clear_ibuf [dreg:s10], $0x2FFFF;
	_ =	strace $0x9FFFFFFF  }
0xc8: {  	(tm) =	ssettm $0x7FFFFFFF  }
0xc9: {  	_ =	shalt  }
tec
execute0_lowered:
.L_overlay_start_1:
0x0: {  	(tag) =	ssettag $0x1  }
0x1: {  	s0 =	rddreg [dreg:$0x0]  }
0x2: {  	s9 =	rddreg [dreg:$0x1]  }
0x3: {  	s1 =	rddreg [dreg:$0x2]  }
0x4: {  	s10 =	rddreg [dreg:$0x3]  }
0x5: {  	s2 =	rddreg [dreg:$0x4];
	s4 =	simm.s32 $0x0  }
0x6: {  	s3 =	srdreg.scid;
	[smem:$0x7FF] =	sst s4;
	s16 =	sadd.s32 $0x180, s9  }
0x7: {  	s18 =	sadd.s32 $0x300, s9;
	_ =	strace $0x80000047;
	[dreg:$0x11] =	wrdreg s16  }
0x8: {  	s5 =	stileid.u32;
	s21 =	sadd.s32 $0x100, s10;
	[dreg:$0x14] =	wrdreg s18  }
0x9: {  	s12 =	simm.s32 $0x1;
	s22 =	sadd.s32 $0x200, s10;
	[dreg:$0x17] =	wrdreg s21  }
0xa: {  	s3 =	sand.u32 $0x1, s3;
	s23 =	sadd.s32 $0xC0000, s10;
	[dreg:$0x18] =	wrdreg s22  }
0xb: {  	s5 =	sshll.u32 s5, $0x1;
	s24 =	sadd.s32 $0x180000, s10;
	[dreg:$0x19] =	wrdreg s23  }
0xc: {  	s25 =	sadd.s32 $0x240000, s10;
	s5 =	sor.u32 s3, s5;
	[dreg:$0x1a] =	wrdreg s24  }
0xd: {  	[dreg:$0x1b] =	wrdreg s25;
	s7 =	sshll.u32 s5, $0x8;
	s14 =	sshll.u32 s5, $0x4  }
0xe: {  	s15 =	sshll.u32 s5, $0x3;
	s5 =	smul.u32 $0x6000, s5;
	s0 =	sadd.s32 s7, s0  }
0xf: {  	s6 =	ssub.s32 $0x2, s3;
	[dreg:$0xe] =	wrdreg s14;
	s0 =	sadd.s32 $0x400, s0  }
0x10: {  	s3 =	sshll.u32 s3, $0x6;
	s17 =	sadd.s32 s9, s5;
	[dreg:$0xf] =	wrdreg s0  }
0x11: {  	s8 =	sshrl.u32 s6, $0x1;
	s0 =	sadd.s32 s1, s15;
	[dreg:$0x12] =	wrdreg s17  }
0x12: {  	s6 =	ssub.s32 s6, s8;
	[dreg:$0x10] =	wrdreg s0;
	s0 =	sadd.s32 s5, s16  }
0x13: {  	s20 =	sand.u32 $0x1E00, s7;
	[dreg:$0x13] =	wrdreg s0;
	s0 =	sadd.s32 s5, s18  }
0x14: {  	s30 =	smax.u32 s6, $0x1;
	[dreg:$0x15] =	wrdreg s0;
	s0 =	sor.u32 s3, s20  }
0x15: {  	s19 =	sadd.s32 $0x480, s17;
	[dreg:$0x1d] =	wrdreg s30;
	s0 =	sshrl.u32 s0, $0x3  }
0x16: {  	s28 =	sadd.s32 $0x10, s2;
	[dreg:$0x16] =	wrdreg s19;
	s26 =	sadd.s32 s2, s0  }
0x17: {  	s29 =	sadd.s32 $0x20, s2;
	s1 =	sadd.s32 s0, s28;
	[dreg:$0x1c] =	wrdreg s26  }
0x18: {  	v0 =	vlaneseq.u32;
	s2 =	sadd.s32 $0x30, s2;
	s31 =	sadd.s32 s0, s29;
	[dreg:$0x1e] =	wrdreg s1  }
0x19: {  	s13 =	simm.s32 $0x2;
	vm0 =	vmmov $0xffff;
	v2 =	vshrl.u32 v0, $0x3;
	[dreg:$0x1f] =	wrdreg s31;
	s0 =	sadd.s32 s0, s2  }
0x1a: {  	v1 =	vand.u32 $0x7, v0;
	v3 =	vor.u32 $0x8, v0;
	v2 =	vmul.u32 $0x8, v2;
	s5 =	simm.s32 $0x3;
	s1 =	simm.s32 $0x0;
	[smem:$0x7FD] =	sst s0  }
.LBB2_1:
0x1b: {  	[smem:$0x7F9] =	sst s1  }
0x1c: {  	s0 =	rddreg [dreg:$0xf]  }
0x1d: {  	[tilespmem:s4], [sflag:$0x3] =	stream.linear.gather [hbm4b:s0+s4], $0x800, $0x38;
	[tilespmem:$0x1EA80] =	vst v63  }
0x1e: {  	_ =	swait.ge [sflag:s5], $0x800  }
0x1f: {  	[sflag:s5] =	ssyncset.done $0x0  }
0x20: {  	s18 =	simm.s32 $0x1E800;
	s17 =	rddreg [dreg:$0x10];
	[sflag:s5] =	ssyncadd.s32 $0xFFFFF800  }
0x21: {  	[tilespmem:s18], [sflag:$0x3] =	stream.linear.gather [hbm4b:s17+s4], $0x40, $0x38;
	[tilespmem:$0x1EA80] =	vst v63  }
0x22: {  	_ =	swait.ge [sflag:s5], $0x40  }
0x23: {  	[sflag:s5] =	ssyncset.done $0x0  }
0x24: {  	s20 =	simm.s32 $0x800;
	s19 =	rddreg [dreg:$0x12];
	[sflag:s5] =	ssyncadd.s32 $0xFFFFFFC0  }
0x25: {  	[tilespmem:s20], [sflag:$0x1] =	stream.linear.gather [hbm4b:s19+s4], $0x200, $0x38;
	[tilespmem:$0x1EA80] =	vst v63  }
0x26: {  	s2 =	simm.s32 $0xC00;
	s21 =	sadd.s32 $0x40, s19  }
0x27: {  	[tilespmem:s2], [sflag:$0x1] =	stream.linear.gather [hbm4b:s21+s4], $0x200, $0x38;
	[tilespmem:$0x1EA80] =	vst v63  }
0x28: {  	s23 =	simm.s32 $0x1000;
	s22 =	sadd.s32 $0x80, s19  }
0x29: {  	[tilespmem:s23], [sflag:$0x1] =	stream.linear.gather [hbm4b:s22+s4], $0x200, $0x38;
	[tilespmem:$0x1EA80] =	vst v63  }
0x2a: {  	s25 =	simm.s32 $0x1400;
	s24 =	sadd.s32 $0xC0, s19  }
0x2b: {  	[tilespmem:s25], [sflag:$0x1] =	stream.linear.gather [hbm4b:s24+s4], $0x200, $0x38;
	[tilespmem:$0x1EA80] =	vst v63  }
0x2c: {  	s28 =	simm.s32 $0x1800;
	s26 =	sadd.s32 $0x100, s19  }
0x2d: {  	[tilespmem:s28], [sflag:$0x1] =	stream.linear.gather [hbm4b:s26+s4], $0x200, $0x38;
	[tilespmem:$0x1EA80] =	vst v63  }
0x2e: {  	s1 =	sadd.s32 $0x140, s19;
	s2 =	simm.s32 $0x1C00  }
0x2f: {  	[tilespmem:s2], [sflag:$0x1] =	stream.linear.gather [hbm4b:s1+s4], $0x200, $0x38;
	[tilespmem:$0x1EA80] =	vst v63  }
0x30: {  	s3 =	rddreg [dreg:$0x13];
	s5 =	simm.s32 $0xA00  }
0x31: {  	[tilespmem:s5], [sflag:$0x1] =	stream.linear.gather [hbm4b:s3+s4], $0x200, $0x38;
	[tilespmem:$0x1EA80] =	vst v63  }
0x32: {  	s7 =	simm.s32 $0xE00;
	s6 =	sadd.s32 $0x40, s3  }
0x33: {  	[tilespmem:s7], [sflag:$0x1] =	stream.linear.gather [hbm4b:s6+s4], $0x200, $0x38;
	[tilespmem:$0x1EA80] =	vst v63  }
0x34: {  	s9 =	simm.s32 $0x1200;
	s8 =	sadd.s32 $0x80, s3  }
0x35: {  	[tilespmem:s9], [sflag:$0x1] =	stream.linear.gather [hbm4b:s8+s4], $0x200, $0x38;
	[tilespmem:$0x1EA80] =	vst v63  }
0x36: {  	s11 =	simm.s32 $0x1600;
	s10 =	sadd.s32 $0xC0, s3  }
0x37: {  	[tilespmem:s11], [sflag:$0x1] =	stream.linear.gather [hbm4b:s10+s4], $0x200, $0x38;
	[tilespmem:$0x1EA80] =	vst v63  }
0x38: {  	s15 =	simm.s32 $0x1A00;
	s14 =	sadd.s32 $0x100, s3  }
0x39: {  	[tilespmem:s15], [sflag:$0x1] =	stream.linear.gather [hbm4b:s14+s4], $0x200, $0x38;
	[tilespmem:$0x1EA80] =	vst v63  }
0x3a: {  	s17 =	simm.s32 $0x1E00;
	s16 =	sadd.s32 $0x140, s3  }
0x3b: {  	[tilespmem:s17], [sflag:$0x1] =	stream.linear.gather [hbm4b:s16+s4], $0x200, $0x38;
	[tilespmem:$0x1EA80] =	vst v63  }
0x3c: {  	s18 =	rddreg [dreg:$0x15];
	s19 =	simm.s32 $0x2000  }
0x3d: {  	[tilespmem:s19], [sflag:$0x1] =	stream.linear.gather [hbm4b:s18+s4], $0x200, $0x38;
	[tilespmem:$0x1EA80] =	vst v63  }
0x3e: {  	s20 =	sadd.s32 $0x40, s18;
	s21 =	simm.s32 $0x2400  }
0x3f: {  	[tilespmem:s21], [sflag:$0x1] =	stream.linear.gather [hbm4b:s20+s4], $0x200, $0x38;
	[tilespmem:$0x1EA80] =	vst v63  }
0x40: {  	s22 =	sadd.s32 $0x80, s18;
	s23 =	simm.s32 $0x2800  }
0x41: {  	[tilespmem:s23], [sflag:$0x1] =	stream.linear.gather [hbm4b:s22+s4], $0x200, $0x38;
	[tilespmem:$0x1EA80] =	vst v63  }
0x42: {  	s24 =	sadd.s32 $0xC0, s18;
	s25 =	simm.s32 $0x2C00  }
0x43: {  	[tilespmem:s25], [sflag:$0x1] =	stream.linear.gather [hbm4b:s24+s4], $0x200, $0x38;
	[tilespmem:$0x1EA80] =	vst v63  }
0x44: {  	s26 =	sadd.s32 $0x100, s18;
	s28 =	simm.s32 $0x3000  }
0x45: {  	[tilespmem:s28], [sflag:$0x1] =	stream.linear.gather [hbm4b:s26+s4], $0x200, $0x38;
	[tilespmem:$0x1EA80] =	vst v63  }
0x46: {  	s2 =	sadd.s32 $0x140, s18;
	s3 =	simm.s32 $0x3400  }
0x47: {  	[tilespmem:s3], [sflag:$0x1] =	stream.linear.gather [hbm4b:s2+s4], $0x200, $0x38;
	[tilespmem:$0x1EA80] =	vst v63  }
0x48: {  	s5 =	rddreg [dreg:$0x16];
	s6 =	simm.s32 $0x2200  }
0x49: {  	[tilespmem:s6], [sflag:$0x1] =	stream.linear.gather [hbm4b:s5+s4], $0x200, $0x38;
	[tilespmem:$0x1EA80] =	vst v63  }
0x4a: {  	s7 =	sadd.s32 $0x40, s5;
	s8 =	simm.s32 $0x2600  }
0x4b: {  	[tilespmem:s8], [sflag:$0x1] =	stream.linear.gather [hbm4b:s7+s4], $0x200, $0x38;
	[tilespmem:$0x1EA80] =	vst v63  }
0x4c: {  	s9 =	sadd.s32 $0x80, s5;
	s10 =	simm.s32 $0x2A00  }
0x4d: {  	[tilespmem:s10], [sflag:$0x1] =	stream.linear.gather [hbm4b:s9+s4], $0x200, $0x38;
	[tilespmem:$0x1EA80] =	vst v63  }
0x4e: {  	s11 =	sadd.s32 $0xC0, s5;
	s14 =	simm.s32 $0x2E00  }
0x4f: {  	[tilespmem:s14], [sflag:$0x1] =	stream.linear.gather [hbm4b:s11+s4], $0x200, $0x38;
	[tilespmem:$0x1EA80] =	vst v63  }
0x50: {  	s15 =	sadd.s32 $0x100, s5;
	s16 =	simm.s32 $0x3200  }
0x51: {  	[tilespmem:s16], [sflag:$0x1] =	stream.linear.gather [hbm4b:s15+s4], $0x200, $0x38;
	[tilespmem:$0x1EA80] =	vst v63  }
0x52: {  	s17 =	sadd.s32 $0x140, s5;
	s18 =	simm.s32 $0x3600  }
0x53: {  	[tilespmem:s18], [sflag:$0x1] =	stream.linear.gather [hbm4b:s17+s4], $0x200, $0x38;
	[tilespmem:$0x1EA80] =	vst v63  }
0x54: {  	v4 =	vld [tilespmem:$0x0];
	_ =	sdelay $0x4  }
0x55: {  	v5 =	vshrl.u32 v4, $0x3  }
0x56: {  	v5 =	vmul.u32 $0x30, v5  }
0x57: {  	v4 =	vand.u32 $0x7, v4  }
0x58: {  	v4 =	vor.u32 v4, v5  }
0x59: {  	v5 =	vperm.xlane v4, v1;
	_ =	sdelay $0x1  }
0x5a: {  	v5 =	vadd.s32 v2, v5;
	_ =	sdelay $0x3  }
0x5b: {  	s19 =	rddreg [dreg:$0x3];
	s20 =	simm.s32 $0x6800;
	v4 =	vperm.xlane v4, v3  }
0x5c: {  	[tilespmem:s20], [sflag:$0x1] =	stream.indirect_vreg.gather [hbm4b:s19+s4], $0x80, v5, vm0, $0xb8;
	[tilespmem:$0x1EA80] =	vst v63  }
0x5d: {  	s21 =	rddreg [dreg:$0x17];
	s22 =	simm.s32 $0x7000;
	v4 =	vadd.s32 v2, v4  }
0x5e: {  	[tilespmem:s22], [sflag:$0x1] =	stream.indirect_vreg.gather [hbm4b:s21+s4], $0x80, v5, vm0, $0xb8;
	[tilespmem:$0x1EA80] =	vst v63  }
0x5f: {  	s23 =	rddreg [dreg:$0x18];
	s3 =	simm.s32 $0x7800  }
0x60: {  	[tilespmem:s3], [sflag:$0x1] =	stream.indirect_vreg.gather [hbm4b:s23+s4], $0x80, v5, vm0, $0xb8;
	[tilespmem:$0x1EA80] =	vst v63  }
0x61: {  	s24 =	simm.s32 $0x8000  }
0x62: {  	[tilespmem:s24], [sflag:$0x1] =	stream.indirect_vreg.gather [hbm4b:s19+s4], $0x80, v4, vm0, $0xb8;
	[tilespmem:$0x1EA80] =	vst v63  }
0x63: {  	s25 =	simm.s32 $0x8800  }
0x64: {  	[tilespmem:s25], [sflag:$0x1] =	stream.indirect_vreg.gather [hbm4b:s21+s4], $0x80, v4, vm0, $0xb8;
	[tilespmem:$0x1EA80] =	vst v63  }
0x65: {  	s26 =	simm.s32 $0x9000  }
0x66: {  	[tilespmem:s26], [sflag:$0x1] =	stream.indirect_vreg.gather [hbm4b:s23+s4], $0x80, v4, vm0, $0xb8;
	[tilespmem:$0x1EA80] =	vst v63  }
0x67: {  	v4 =	vld [tilespmem:$0x0];
	_ =	sdelay $0x4  }
0x68: {  	v5 =	vshrl.u32 v4, $0x3  }
0x69: {  	v5 =	vmul.u32 $0x30, v5  }
0x6a: {  	v4 =	vand.u32 $0x7, v4  }
0x6b: {  	v4 =	vor.u32 v4, v5  }
0x6c: {  	v5 =	vperm.xlane v4, v1;
	_ =	sdelay $0x1  }
0x6d: {  	v5 =	vadd.s32 v2, v5;
	_ =	sdelay $0x3  }
0x6e: {  	s28 =	rddreg [dreg:$0x19];
	s2 =	simm.s32 $0x9800;
	v4 =	vperm.xlane v4, v3  }
0x6f: {  	[tilespmem:s2], [sflag:$0x1] =	stream.indirect_vreg.gather [hbm4b:s28+s4], $0x80, v5, vm0, $0xb8;
	[tilespmem:$0x1EA80] =	vst v63  }
0x70: {  	s5 =	simm.s32 $0xA000;
	s3 =	sadd.s32 $0x100, s28;
	v4 =	vadd.s32 v2, v4  }
0x71: {  	[tilespmem:s5], [sflag:$0x1] =	stream.indirect_vreg.gather [hbm4b:s3+s4], $0x80, v5, vm0, $0xb8;
	[tilespmem:$0x1EA80] =	vst v63  }
0x72: {  	s6 =	sadd.s32 $0x200, s28;
	s7 =	simm.s32 $0xA800  }
0x73: {  	[tilespmem:s7], [sflag:$0x1] =	stream.indirect_vreg.gather [hbm4b:s6+s4], $0x80, v5, vm0, $0xb8;
	[tilespmem:$0x1EA80] =	vst v63  }
0x74: {  	s8 =	simm.s32 $0xB000  }
0x75: {  	[tilespmem:s8], [sflag:$0x1] =	stream.indirect_vreg.gather [hbm4b:s28+s4], $0x80, v4, vm0, $0xb8;
	[tilespmem:$0x1EA80] =	vst v63  }
0x76: {  	s9 =	simm.s32 $0xB800  }
0x77: {  	[tilespmem:s9], [sflag:$0x1] =	stream.indirect_vreg.gather [hbm4b:s3+s4], $0x80, v4, vm0, $0xb8;
	[tilespmem:$0x1EA80] =	vst v63  }
0x78: {  	s10 =	simm.s32 $0xC000  }
0x79: {  	[tilespmem:s10], [sflag:$0x1] =	stream.indirect_vreg.gather [hbm4b:s6+s4], $0x80, v4, vm0, $0xb8;
	[tilespmem:$0x1EA80] =	vst v63  }
0x7a: {  	v4 =	vld [tilespmem:$0x0];
	_ =	sdelay $0x4  }
0x7b: {  	v5 =	vshrl.u32 v4, $0x3  }
0x7c: {  	v5 =	vmul.u32 $0x30, v5  }
0x7d: {  	v4 =	vand.u32 $0x7, v4  }
0x7e: {  	v4 =	vor.u32 v4, v5  }
0x7f: {  	v5 =	vperm.xlane v4, v1;
	_ =	sdelay $0x1  }
0x80: {  	v5 =	vadd.s32 v2, v5;
	_ =	sdelay $0x3  }
0x81: {  	s11 =	rddreg [dreg:$0x1a];
	s14 =	simm.s32 $0xC800;
	v4 =	vperm.xlane v4, v3  }
0x82: {  	[tilespmem:s14], [sflag:$0x1] =	stream.indirect_vreg.gather [hbm4b:s11+s4], $0x80, v5, vm0, $0xb8;
	[tilespmem:$0x1EA80] =	vst v63  }
0x83: {  	s15 =	sadd.s32 $0x100, s11;
	s16 =	simm.s32 $0xD000;
	v4 =	vadd.s32 v2, v4  }
0x84: {  	[tilespmem:s16], [sflag:$0x1] =	stream.indirect_vreg.gather [hbm4b:s15+s4], $0x80, v5, vm0, $0xb8;
	[tilespmem:$0x1EA80] =	vst v63  }
0x85: {  	s29 =	sadd.s32 $0x200, s11;
	s17 =	simm.s32 $0xD800  }
0x86: {  	[tilespmem:s17], [sflag:$0x1] =	stream.indirect_vreg.gather [hbm4b:s29+s4], $0x80, v5, vm0, $0xb8;
	[tilespmem:$0x1EA80] =	vst v63  }
0x87: {  	s18 =	simm.s32 $0xE000  }
0x88: {  	[tilespmem:s18], [sflag:$0x1] =	stream.indirect_vreg.gather [hbm4b:s11+s4], $0x80, v4, vm0, $0xb8;
	[tilespmem:$0x1EA80] =	vst v63  }
0x89: {  	s19 =	simm.s32 $0xE800  }
0x8a: {  	[tilespmem:s19], [sflag:$0x1] =	stream.indirect_vreg.gather [hbm4b:s15+s4], $0x80, v4, vm0, $0xb8;
	[tilespmem:$0x1EA80] =	vst v63  }
0x8b: {  	s20 =	simm.s32 $0xF000  }
0x8c: {  	[tilespmem:s20], [sflag:$0x1] =	stream.indirect_vreg.gather [hbm4b:s29+s4], $0x80, v4, vm0, $0xb8;
	[tilespmem:$0x1EA80] =	vst v63  }
0x8d: {  	v4 =	vld [tilespmem:$0x0];
	_ =	sdelay $0x4  }
0x8e: {  	v5 =	vshrl.u32 v4, $0x3  }
0x8f: {  	v5 =	vmul.u32 $0x30, v5  }
0x90: {  	v4 =	vand.u32 $0x7, v4  }
0x91: {  	v4 =	vor.u32 v4, v5  }
0x92: {  	v5 =	vperm.xlane v4, v1;
	_ =	sdelay $0x1  }
0x93: {  	v5 =	vadd.s32 v2, v5;
	_ =	sdelay $0x3  }
0x94: {  	s22 =	simm.s32 $0xF800;
	s21 =	rddreg [dreg:$0x1b];
	v4 =	vperm.xlane v4, v3  }
0x95: {  	[tilespmem:s22], [sflag:$0x1] =	stream.indirect_vreg.gather [hbm4b:s21+s4], $0x80, v5, vm0, $0xb8;
	[tilespmem:$0x1EA80] =	vst v63  }
0x96: {  	s30 =	sadd.s32 $0x100, s21;
	s23 =	simm.s32 $0x10000;
	v4 =	vadd.s32 v2, v4  }
0x97: {  	[tilespmem:s23], [sflag:$0x1] =	stream.indirect_vreg.gather [hbm4b:s30+s4], $0x80, v5, vm0, $0xb8;
	[tilespmem:$0x1EA80] =	vst v63  }
0x98: {  	s24 =	simm.s32 $0x10800;
	s31 =	sadd.s32 $0x200, s21  }
0x99: {  	[tilespmem:s24], [sflag:$0x1] =	stream.indirect_vreg.gather [hbm4b:s31+s4], $0x80, v5, vm0, $0xb8;
	[tilespmem:$0x1EA80] =	vst v63  }
0x9a: {  	[smem:$0x7FB] =	sst s6;
	s25 =	simm.s32 $0x11000  }
0x9b: {  	[tilespmem:s25], [sflag:$0x1] =	stream.indirect_vreg.gather [hbm4b:s21+s4], $0x80, v4, vm0, $0xb8;
	[tilespmem:$0x1EA80] =	vst v63  }
0x9c: {  	[smem:$0x7FC] =	sst s15;
	s26 =	simm.s32 $0x11800  }
0x9d: {  	[tilespmem:s26], [sflag:$0x1] =	stream.indirect_vreg.gather [hbm4b:s30+s4], $0x80, v4, vm0, $0xb8;
	[tilespmem:$0x1EA80] =	vst v63  }
0x9e: {  	v6 =	vimm.f32 $0.0e+00;
	s0 =	simm.s32 $0x0;
	[smem:$0x7FA] =	sst s3;
	s28 =	simm.s32 $0x12000  }
0x9f: {  	v7 =	vimm.f32 $0.0e+00;
	v5 =	vimm.f32 $0.0e+00;
	[tilespmem:s28], [sflag:$0x1] =	stream.indirect_vreg.gather [hbm4b:s31+s4], $0x80, v4, vm0, $0xb8;
	v4 =	vimm.f32 $0.0e+00;
	[tilespmem:$0x1EA80] =	vst v63  }
.LBB2_2:
0xa0: {  	s1 =	sshllo.u32 s0, $0x1;
	s2 =	rddreg [dreg:$0xe]  }
0xa1: {  	s2 =	sor.u32 s2, s1  }
0xa2: {  	s3 =	smul.u32 $0x600, s2  }
0xa3: {  	s8 =	rddreg [dreg:$0x1]  }
0xa4: {  	s6 =	simm.s32 $0x0;
	s7 =	simm.s32 $0x3800;
	s5 =	sadd.s32 s8, s3  }
0xa5: {  	[tilespmem:s7], [sflag:$0x2] =	stream.linear.gather [hbm4b:s5+s6], $0x200, $0x38;
	[tilespmem:$0x1EA80] =	vst v63  }
0xa6: {  	s9 =	simm.s32 $0x3C00;
	s28 =	sadd.s32 $0x40, s5  }
0xa7: {  	[tilespmem:s9], [sflag:$0x2] =	stream.linear.gather [hbm4b:s28+s6], $0x200, $0x38;
	[tilespmem:$0x1EA80] =	vst v63  }
0xa8: {  	s10 =	simm.s32 $0x4000;
	s9 =	sadd.s32 $0x80, s5  }
0xa9: {  	[tilespmem:s10], [sflag:$0x2] =	stream.linear.gather [hbm4b:s9+s6], $0x200, $0x38;
	[tilespmem:$0x1EA80] =	vst v63  }
0xaa: {  	s14 =	simm.s32 $0x4400;
	s11 =	sadd.s32 $0xC0, s5  }
0xab: {  	[tilespmem:s14], [sflag:$0x2] =	stream.linear.gather [hbm4b:s11+s6], $0x200, $0x38;
	[tilespmem:$0x1EA80] =	vst v63  }
0xac: {  	s16 =	simm.s32 $0x4800;
	s15 =	sadd.s32 $0x100, s5  }
0xad: {  	[tilespmem:s16], [sflag:$0x2] =	stream.linear.gather [hbm4b:s15+s6], $0x200, $0x38;
	[tilespmem:$0x1EA80] =	vst v63  }
0xae: {  	s17 =	simm.s32 $0x4C00;
	s18 =	rddreg [dreg:$0x11];
	s5 =	sadd.s32 $0x140, s5  }
0xaf: {  	[tilespmem:s17], [sflag:$0x2] =	stream.linear.gather [hbm4b:s5+s6], $0x200, $0x38;
	[tilespmem:$0x1EA80] =	vst v63  }
0xb0: {  	s19 =	simm.s32 $0x3A00;
	s3 =	sadd.s32 s3, s18  }
0xb1: {  	[tilespmem:s19], [sflag:$0x2] =	stream.linear.gather [hbm4b:s3+s6], $0x200, $0x38;
	[tilespmem:$0x1EA80] =	vst v63  }
0xb2: {  	s21 =	simm.s32 $0x3E00;
	s20 =	sadd.s32 $0x40, s3  }
0xb3: {  	[tilespmem:s21], [sflag:$0x2] =	stream.linear.gather [hbm4b:s20+s6], $0x200, $0x38;
	[tilespmem:$0x1EA80] =	vst v63  }
0xb4: {  	s23 =	simm.s32 $0x4200;
	s22 =	sadd.s32 $0x80, s3  }
0xb5: {  	[tilespmem:s23], [sflag:$0x2] =	stream.linear.gather [hbm4b:s22+s6], $0x200, $0x38;
	[tilespmem:$0x1EA80] =	vst v63  }
0xb6: {  	s25 =	simm.s32 $0x4600;
	s2 =	smul.u32 $0x3000, s2;
	s24 =	sadd.s32 $0xC0, s3  }
0xb7: {  	[tilespmem:s25], [sflag:$0x2] =	stream.linear.gather [hbm4b:s24+s6], $0x200, $0x38;
	[tilespmem:$0x1EA80] =	vst v63  }
0xb8: {  	s2 =	sshrl.u32 s2, $0x3;
	s26 =	sadd.s32 $0x100, s3;
	s28 =	simm.s32 $0x4A00  }
0xb9: {  	[tilespmem:s28], [sflag:$0x2] =	stream.linear.gather [hbm4b:s26+s6], $0x200, $0x38;
	[tilespmem:$0x1EA80] =	vst v63  }
0xba: {  	s7 =	simm.s32 $0x4E00;
	s2 =	sadd.s32 s8, s2;
	s3 =	sadd.s32 $0x140, s3  }
0xbb: {  	[tilespmem:s7], [sflag:$0x2] =	stream.linear.gather [hbm4b:s3+s6], $0x200, $0x38;
	[tilespmem:$0x1EA80] =	vst v63  }
0xbc: {  	s8 =	sadd.s32 $0x300, s2;
	s9 =	simm.s32 $0x5000  }
0xbd: {  	[tilespmem:s9], [sflag:$0x2] =	stream.linear.gather [hbm4b:s8+s6], $0x200, $0x38;
	[tilespmem:$0x1EA80] =	vst v63  }
0xbe: {  	s10 =	sadd.s32 $0x340, s2;
	s11 =	simm.s32 $0x5400  }
0xbf: {  	[tilespmem:s11], [sflag:$0x2] =	stream.linear.gather [hbm4b:s10+s6], $0x200, $0x38;
	[tilespmem:$0x1EA80] =	vst v63  }
0xc0: {  	s14 =	sadd.s32 $0x380, s2;
	s15 =	simm.s32 $0x5800  }
0xc1: {  	[tilespmem:s15], [sflag:$0x2] =	stream.linear.gather [hbm4b:s14+s6], $0x200, $0x38;
	[tilespmem:$0x1EA80] =	vst v63  }
0xc2: {  	s16 =	sadd.s32 $0x3C0, s2;
	s17 =	simm.s32 $0x5C00  }
0xc3: {  	[tilespmem:s17], [sflag:$0x2] =	stream.linear.gather [hbm4b:s16+s6], $0x200, $0x38;
	[tilespmem:$0x1EA80] =	vst v63  }
0xc4: {  	s18 =	sadd.s32 $0x400, s2;
	s19 =	simm.s32 $0x6000  }
0xc5: {  	[tilespmem:s19], [sflag:$0x2] =	stream.linear.gather [hbm4b:s18+s6], $0x200, $0x38;
	[tilespmem:$0x1EA80] =	vst v63  }
0xc6: {  	s20 =	sadd.s32 $0x440, s2;
	s21 =	simm.s32 $0x6400  }
0xc7: {  	[tilespmem:s21], [sflag:$0x2] =	stream.linear.gather [hbm4b:s20+s6], $0x200, $0x38;
	[tilespmem:$0x1EA80] =	vst v63  }
0xc8: {  	s22 =	sadd.s32 $0x480, s2;
	s23 =	simm.s32 $0x5200  }
0xc9: {  	[tilespmem:s23], [sflag:$0x2] =	stream.linear.gather [hbm4b:s22+s6], $0x200, $0x38;
	[tilespmem:$0x1EA80] =	vst v63  }
0xca: {  	s24 =	sadd.s32 $0x4C0, s2;
	s25 =	simm.s32 $0x5600  }
0xcb: {  	[tilespmem:s25], [sflag:$0x2] =	stream.linear.gather [hbm4b:s24+s6], $0x200, $0x38;
	[tilespmem:$0x1EA80] =	vst v63  }
0xcc: {  	s26 =	sadd.s32 $0x500, s2;
	s28 =	simm.s32 $0x5A00  }
0xcd: {  	[tilespmem:s28], [sflag:$0x2] =	stream.linear.gather [hbm4b:s26+s6], $0x200, $0x38;
	[tilespmem:$0x1EA80] =	vst v63  }
0xce: {  	s5 =	sadd.s32 $0x540, s2;
	s7 =	simm.s32 $0x5E00  }
0xcf: {  	[tilespmem:s7], [sflag:$0x2] =	stream.linear.gather [hbm4b:s5+s6], $0x200, $0x38;
	[tilespmem:$0x1EA80] =	vst v63  }
0xd0: {  	s1 =	sshll.u32 s1, $0x7;
	s8 =	sadd.s32 $0x580, s2;
	s9 =	simm.s32 $0x6200  }
0xd1: {  	[tilespmem:s9], [sflag:$0x2] =	stream.linear.gather [hbm4b:s8+s6], $0x200, $0x38;
	[tilespmem:$0x1EA80] =	vst v63  }
0xd2: {  	s1 =	sand.u32 $0x3FFFFF80, s1;
	s2 =	sadd.s32 $0x5C0, s2;
	s10 =	simm.s32 $0x6600  }
0xd3: {  	[tilespmem:s10], [sflag:$0x2] =	stream.linear.gather [hbm4b:s2+s6], $0x200, $0x38;
	[tilespmem:$0x1EA80] =	vst v63  }
0xd4: {  	v8 =	vld [tilespmem:s1+$0x0];
	_ =	sdelay $0x4  }
0xd5: {  	v9 =	vshrl.u32 v8, $0x3  }
0xd6: {  	v9 =	vmul.u32 $0x30, v9  }
0xd7: {  	v8 =	vand.u32 $0x7, v8  }
0xd8: {  	v8 =	vor.u32 v8, v9  }
0xd9: {  	v9 =	vperm.xlane v8, v1;
	_ =	sdelay $0x1  }
0xda: {  	v9 =	vadd.s32 v2, v9;
	_ =	sdelay $0x3  }
0xdb: {  	s11 =	rddreg [dreg:$0x3];
	s14 =	simm.s32 $0x12800;
	v8 =	vperm.xlane v8, v3  }
0xdc: {  	[tilespmem:s14], [sflag:$0x2] =	stream.indirect_vreg.gather [hbm4b:s11+s6], $0x80, v9, vm0, $0xb8;
	[tilespmem:$0x1EA80] =	vst v63  }
0xdd: {  	s15 =	rddreg [dreg:$0x17];
	s16 =	simm.s32 $0x13000;
	v8 =	vadd.s32 v2, v8  }
0xde: {  	[tilespmem:s16], [sflag:$0x2] =	stream.indirect_vreg.gather [hbm4b:s15+s6], $0x80, v9, vm0, $0xb8;
	[tilespmem:$0x1EA80] =	vst v63  }
0xdf: {  	s17 =	rddreg [dreg:$0x18];
	s18 =	simm.s32 $0x13800  }
0xe0: {  	[tilespmem:s18], [sflag:$0x2] =	stream.indirect_vreg.gather [hbm4b:s17+s6], $0x80, v9, vm0, $0xb8;
	[tilespmem:$0x1EA80] =	vst v63  }
0xe1: {  	s19 =	simm.s32 $0x14000  }
0xe2: {  	[tilespmem:s19], [sflag:$0x2] =	stream.indirect_vreg.gather [hbm4b:s11+s6], $0x80, v8, vm0, $0xb8;
	[tilespmem:$0x1EA80] =	vst v63  }
0xe3: {  	s20 =	simm.s32 $0x14800  }
0xe4: {  	[tilespmem:s20], [sflag:$0x2] =	stream.indirect_vreg.gather [hbm4b:s15+s6], $0x80, v8, vm0, $0xb8;
	[tilespmem:$0x1EA80] =	vst v63  }
0xe5: {  	s21 =	simm.s32 $0x15000  }
0xe6: {  	[tilespmem:s21], [sflag:$0x2] =	stream.indirect_vreg.gather [hbm4b:s17+s6], $0x80, v8, vm0, $0xb8;
	[tilespmem:$0x1EA80] =	vst v63  }
0xe7: {  	v8 =	vld [tilespmem:s1+$0x0];
	_ =	sdelay $0x4  }
0xe8: {  	v61 =	vshrl.u32 v8, $0x3  }
0xe9: {  	v9 =	vmul.u32 $0x30, v61  }
0xea: {  	v8 =	vand.u32 $0x7, v8  }
0xeb: {  	v8 =	vor.u32 v8, v9  }
0xec: {  	v9 =	vperm.xlane v8, v1;
	_ =	sdelay $0x1  }
0xed: {  	v9 =	vadd.s32 v2, v9;
	_ =	sdelay $0x2  }
0xee: {  	s22 =	rddreg [dreg:$0x19]  }
0xef: {  	s23 =	simm.s32 $0x15800;
	s25 =	sld [smem:$0x7FA];
	v8 =	vperm.xlane v8, v3  }
0xf0: {  	[tilespmem:s23], [sflag:$0x2] =	stream.indirect_vreg.gather [hbm4b:s22+s6], $0x80, v9, vm0, $0xb8;
	[tilespmem:$0x1EA80] =	vst v63  }
0xf1: {  	s24 =	simm.s32 $0x16000;
	s28 =	sld [smem:$0x7FB];
	v8 =	vadd.s32 v2, v8  }
0xf2: {  	[tilespmem:s24], [sflag:$0x2] =	stream.indirect_vreg.gather [hbm4b:s25+s6], $0x80, v9, vm0, $0xb8;
	[tilespmem:$0x1EA80] =	vst v63  }
0xf3: {  	s26 =	simm.s32 $0x16800  }
0xf4: {  	[tilespmem:s26], [sflag:$0x2] =	stream.indirect_vreg.gather [hbm4b:s28+s6], $0x80, v9, vm0, $0xb8;
	[tilespmem:$0x1EA80] =	vst v63  }
0xf5: {  	s8 =	simm.s32 $0x17000  }
0xf6: {  	[tilespmem:s8], [sflag:$0x2] =	stream.indirect_vreg.gather [hbm4b:s22+s6], $0x80, v8, vm0, $0xb8;
	[tilespmem:$0x1EA80] =	vst v63  }
0xf7: {  	s9 =	simm.s32 $0x17800  }
0xf8: {  	[tilespmem:s9], [sflag:$0x2] =	stream.indirect_vreg.gather [hbm4b:s25+s6], $0x80, v8, vm0, $0xb8;
	[tilespmem:$0x1EA80] =	vst v63  }
0xf9: {  	s10 =	simm.s32 $0x18000  }
0xfa: {  	[tilespmem:s10], [sflag:$0x2] =	stream.indirect_vreg.gather [hbm4b:s28+s6], $0x80, v8, vm0, $0xb8;
	[tilespmem:$0x1EA80] =	vst v63  }
0xfb: {  	v8 =	vld [tilespmem:s1+$0x0];
	_ =	sdelay $0x4  }
0xfc: {  	v62 =	vshrl.u32 v8, $0x3  }
0xfd: {  	v9 =	vmul.u32 $0x30, v62  }
0xfe: {  	v8 =	vand.u32 $0x7, v8  }
0xff: {  	v8 =	vor.u32 v8, v9  }
0x100: {  	v9 =	vperm.xlane v8, v1;
	_ =	sdelay $0x1  }
0x101: {  	v9 =	vadd.s32 v2, v9;
	_ =	sdelay $0x2  }
0x102: {  	s16 =	sld [smem:$0x7FC]  }
0x103: {  	s14 =	simm.s32 $0x18800;
	s11 =	rddreg [dreg:$0x1a];
	v8 =	vperm.xlane v8, v3  }
0x104: {  	[tilespmem:s14], [sflag:$0x2] =	stream.indirect_vreg.gather [hbm4b:s11+s6], $0x80, v9, vm0, $0xb8;
	[tilespmem:$0x1EA80] =	vst v63  }
0x105: {  	s15 =	simm.s32 $0x19000;
	v8 =	vadd.s32 v2, v8  }
0x106: {  	[tilespmem:s15], [sflag:$0x2] =	stream.indirect_vreg.gather [hbm4b:s16+s6], $0x80, v9, vm0, $0xb8;
	[tilespmem:$0x1EA80] =	vst v63  }
0x107: {  	s17 =	simm.s32 $0x19800  }
0x108: {  	[tilespmem:s17], [sflag:$0x2] =	stream.indirect_vreg.gather [hbm4b:s29+s6], $0x80, v9, vm0, $0xb8;
	[tilespmem:$0x1EA80] =	vst v63  }
0x109: {  	s18 =	simm.s32 $0x1A000  }
0x10a: {  	[tilespmem:s18], [sflag:$0x2] =	stream.indirect_vreg.gather [hbm4b:s11+s6], $0x80, v8, vm0, $0xb8;
	[tilespmem:$0x1EA80] =	vst v63  }
0x10b: {  	s19 =	simm.s32 $0x1A800  }
0x10c: {  	[tilespmem:s19], [sflag:$0x2] =	stream.indirect_vreg.gather [hbm4b:s16+s6], $0x80, v8, vm0, $0xb8;
	[tilespmem:$0x1EA80] =	vst v63  }
0x10d: {  	s20 =	simm.s32 $0x1B000  }
0x10e: {  	[tilespmem:s20], [sflag:$0x2] =	stream.indirect_vreg.gather [hbm4b:s29+s6], $0x80, v8, vm0, $0xb8;
	[tilespmem:$0x1EA80] =	vst v63  }
0x10f: {  	v8 =	vld [tilespmem:s1+$0x0];
	_ =	sdelay $0x4  }
0x110: {  	v63 =	vshrl.u32 v8, $0x3  }
0x111: {  	v9 =	vmul.u32 $0x30, v63  }
0x112: {  	v8 =	vand.u32 $0x7, v8  }
0x113: {  	v8 =	vor.u32 v8, v9  }
0x114: {  	v9 =	vperm.xlane v8, v1;
	_ =	sdelay $0x1  }
0x115: {  	v9 =	vadd.s32 v2, v9;
	_ =	sdelay $0x3  }
0x116: {  	s21 =	rddreg [dreg:$0x1b];
	s22 =	simm.s32 $0x1B800;
	v8 =	vperm.xlane v8, v3  }
0x117: {  	[tilespmem:s22], [sflag:$0x2] =	stream.indirect_vreg.gather [hbm4b:s21+s6], $0x80, v9, vm0, $0xb8;
	[tilespmem:$0x1EA80] =	vst v63  }
0x118: {  	s23 =	simm.s32 $0x1C000;
	v8 =	vadd.s32 v2, v8  }
0x119: {  	[tilespmem:s23], [sflag:$0x2] =	stream.indirect_vreg.gather [hbm4b:s30+s6], $0x80, v9, vm0, $0xb8;
	[tilespmem:$0x1EA80] =	vst v63  }
0x11a: {  	s24 =	simm.s32 $0x1C800  }
0x11b: {  	[tilespmem:s24], [sflag:$0x2] =	stream.indirect_vreg.gather [hbm4b:s31+s6], $0x80, v9, vm0, $0xb8;
	[tilespmem:$0x1EA80] =	vst v63  }
0x11c: {  	s25 =	simm.s32 $0x1D000  }
0x11d: {  	[tilespmem:s25], [sflag:$0x2] =	stream.indirect_vreg.gather [hbm4b:s21+s6], $0x80, v8, vm0, $0xb8;
	[tilespmem:$0x1EA80] =	vst v63  }
0x11e: {  	s26 =	simm.s32 $0x1D800  }
0x11f: {  	[tilespmem:s26], [sflag:$0x2] =	stream.indirect_vreg.gather [hbm4b:s30+s6], $0x80, v8, vm0, $0xb8;
	[tilespmem:$0x1EA80] =	vst v63  }
0x120: {  	s28 =	simm.s32 $0x1E000  }
0x121: {  	[tilespmem:s28], [sflag:$0x2] =	stream.indirect_vreg.gather [hbm4b:s31+s6], $0x80, v8, vm0, $0xb8;
	[tilespmem:$0x1EA80] =	vst v63  }
0x122: {  	_ =	swait.ge [sflag:s12], $0xC00  }
0x123: {  	[sflag:s12] =	ssyncset.done $0x0  }
0x124: {  	[sflag:s12] =	ssyncadd.s32 $0xFFFFF400  }
0x125: {  	_ =	swait.ge [sflag:s12], $0xC00  }
0x126: {  	[sflag:s12] =	ssyncset.done $0x0  }
0x127: {  	[sflag:s12] =	ssyncadd.s32 $0xFFFFF400  }
0x128: {  	_ =	swait.ge [sflag:s12], $0xC00  }
0x129: {  	[sflag:s12] =	ssyncset.done $0x0  }
0x12a: {  	[sflag:s12] =	ssyncadd.s32 $0xFFFFF400  }
0x12b: {  	_ =	swait.ge [sflag:s12], $0xC00  }
0x12c: {  	[sflag:s12] =	ssyncset.done $0x0  }
0x12d: {  	[sflag:s12] =	ssyncadd.s32 $0xFFFFF400  }
0x12e: {  	_ =	swait.ge [sflag:s12], $0x3000  }
0x12f: {  	[sflag:s12] =	ssyncset.done $0x0  }
0x130: {  	[sflag:s12] =	ssyncadd.s32 $0xFFFFD000  }
0x131: {  	_ =	swait.ge [sflag:s12], $0x3000  }
0x132: {  	[sflag:s12] =	ssyncset.done $0x0  }
0x133: {  	[sflag:s12] =	ssyncadd.s32 $0xFFFFD000  }
0x134: {  	_ =	swait.ge [sflag:s12], $0x3000  }
0x135: {  	[sflag:s12] =	ssyncset.done $0x0  }
0x136: {  	[sflag:s12] =	ssyncadd.s32 $0xFFFFD000  }
0x137: {  	_ =	swait.ge [sflag:s12], $0x3000  }
0x138: {  	s2 =	sand.u32 $0x1, s0;
	[sflag:s12] =	ssyncset.done $0x0  }
0x139: {  	s7 =	sshll.u32 s0, $0x1;
	s25 =	sshll.u32 s2, $0x3;
	[sflag:s12] =	ssyncadd.s32 $0xFFFFD000  }
.LBB2_3:
0x13a: {  	s1 =	sshrl.u32 s6, $0x1  }
0x13b: {  	s28 =	sshll.u32 s6, $0x9;
	s11 =	smul.u32 $0x1800, s1  }
0x13c: {  	v9 =	vimm.f32 $0.0e+00;
	s23 =	simm.s32 $0x0;
	s19 =	sand.u32 $0x200, s28  }
0x13d: {  	v10 =	vimm.f32 $0.0e+00;
	v12 =	vimm.f32 $0.0e+00;
	v13 =	vimm.f32 $0.0e+00;
	s20 =	sadd.s32 $0x9800, s11;
	s21 =	sadd.s32 $0xC800, s11;
	s22 =	sadd.s32 $0xF800, s11  }
.LBB2_4:
0x13e: {  	s1 =	sshll.u32 s23, $0x7  }
0x13f: {  	s8 =	sadd.s32 s19, s1  }
0x140: {  	s1 =	sadd.s32 s8, s11  }
0x141: {  	s24 =	simm.s32 $0x0;
	s17 =	sadd.s32 s8, s20;
	[dreg:$0x6] =	wrdreg s1  }
0x142: {  	s14 =	sand.u32 $0x1C00, s24;
	s5 =	sadd.s32 s8, s22;
	[dreg:$0x7] =	wrdreg s17  }
0x143: {  	s16 =	sand.u32 $0x40, s24;
	s10 =	sadd.s32 s14, s5;
	s3 =	rddreg [dreg:$0x6]  }
0x144: {  	s1 =	sor.u32 $0x30, s16;
	s18 =	sadd.s32 s16, s10;
	s17 =	sadd.s32 s3, s14  }
0x145: {  	s15 =	rddreg [dreg:$0x7];
	v14 =	vld [tilespmem:s18+$0x0];
	s18 =	sor.u32 s1, s17  }
0x146: {  	s15 =	sadd.s32 s14, s15;
	v8 =	vld [tilespmem:s18+$0x800]  }
0x147: {  	s3 =	sor.u32 $0x20, s16;
	s26 =	sadd.s32 s1, s15;
	v15 =	vld [tilespmem:s18+$0x6800]  }
0x148: {  	s9 =	sor.u32 s3, s17;
	v16 =	vld [tilespmem:s26+$0x0]  }
0x149: {  	v11 =	vld [tilespmem:s9+$0x800]  }
0x14a: {  	s28 =	sadd.s32 s3, s15;
	s18 =	sor.u32 $0x10, s16;
	v18 =	vld [tilespmem:s9+$0x6800]  }
0x14b: {  	v19 =	vld [tilespmem:s28+$0x0];
	s26 =	sor.u32 s18, s17  }
0x14c: {  	v17 =	vld [tilespmem:s26+$0x800]  }
0x14d: {  	s28 =	sadd.s32 s18, s15;
	v23 =	vld [tilespmem:s26+$0x6800]  }
0x14e: {  	s8 =	sadd.s32 s8, s21;
	s17 =	sor.u32 s16, s17;
	v26 =	vld [tilespmem:s28+$0x0]  }
0x14f: {  	[dreg:$0x8] =	wrdreg s8;
	v20 =	vld [tilespmem:s17+$0x800]  }
0x150: {  	s8 =	rddreg [dreg:$0x8];
	s15 =	sadd.s32 s16, s15;
	v24 =	vld [tilespmem:s17+$0x6800]  }
0x151: {  	s17 =	sadd.s32 s14, s8;
	v27 =	vld [tilespmem:s15+$0x0];
	s28 =	sadd.s32 s18, s10  }
0x152: {  	s8 =	sadd.s32 s16, s17;
	v21 =	vld [tilespmem:s28+$0x0]  }
0x153: {  	s26 =	sadd.s32 s18, s17;
	v25 =	vld [tilespmem:s8+$0x0];
	v15 =	vmul.f32 v15, v8;
	v16 =	vmul.f32 v16, v8  }
0x154: {  	s14 =	simm.s32 $0x200;
	s15 =	sadd.s32 s3, s17;
	v22 =	vld [tilespmem:s26+$0x0];
	s8 =	simm.s32 $0x0;
	v18 =	vmul.f32 v18, v11;
	v19 =	vmul.f32 v19, v11  }
.LBB2_5:
0x155: {  	s3 =	sadd.s32 s3, s10;
	s24 =	sadd.s32 $0x40, s24  }
0x156: {  	v28 =	vld [tilespmem:s15+$0x0];
	s15 =	sand.u32 $0x1C00, s14;
	s18 =	rddreg [dreg:$0x7];
	s17 =	sadd.s32 s1, s17  }
0x157: {  	s26 =	sadd.s32 s1, s10;
	v29 =	vld [tilespmem:s3+$0x0];
	s16 =	sand.u32 $0x40, s24;
	s10 =	sadd.s32 s15, s5  }
0x158: {  	v30 =	vld [tilespmem:s17+$0x0];
	s18 =	sadd.s32 s15, s18;
	s28 =	sadd.s32 s16, s10;
	s3 =	sor.u32 $0x20, s16;
	v24 =	vmul.f32 v24, v20;
	v27 =	vmul.f32 v27, v20  }
0x159: {  	s9 =	rddreg [dreg:$0x6];
	s17 =	sadd.s32 s3, s18;
	v25 =	vmul.f32 v25, v20;
	v20 =	vmul.f32 v14, v20;
	v14 =	vld [tilespmem:s28+$0x0]  }
0x15a: {  	v23 =	vmul.f32 v23, v17;
	s9 =	sadd.s32 s9, s15;
	s1 =	sor.u32 $0x30, s16;
	v63 =	vld [tilespmem:s17+$0x0]  }
0x15b: {  	v26 =	vmul.f32 v26, v17;
	v22 =	vmul.f32 v22, v17;
	v13 =	vadd.f32 v24, v13;
	v24 =	vld [tilespmem:s26+$0x0];
	s26 =	sor.u32 s1, s9  }
0x15c: {  	v17 =	vmul.f32 v21, v17;
	v12 =	vadd.f32 v27, v12;
	v9 =	vadd.f32 v20, v9;
	v20 =	vld [tilespmem:s26+$0x800]  }
0x15d: {  	s28 =	sadd.s32 s1, s18;
	v21 =	vmul.f32 v28, v11;
	v28 =	vld [tilespmem:s26+$0x6800]  }
0x15e: {  	s26 =	sor.u32 s3, s9;
	v12 =	vadd.f32 v26, v12;
	v9 =	vadd.f32 v17, v9;
	v17 =	vmul.f32 v29, v11;
	v29 =	vld [tilespmem:s28+$0x0]  }
0x15f: {  	v11 =	vld [tilespmem:s26+$0x800];
	s28 =	sor.u32 $0x10, s16  }
0x160: {  	v12 =	vadd.f32 v19, v12;
	v19 =	vld [tilespmem:s26+$0x6800];
	s26 =	sor.u32 s28, s9  }
0x161: {  	v13 =	vadd.f32 v23, v13;
	s9 =	sor.u32 s16, s9;
	v23 =	vld [tilespmem:s26+$0x6800]  }
0x162: {  	v9 =	vadd.f32 v17, v9;
	v17 =	vmul.f32 v24, v8;
	v24 =	vld [tilespmem:s9+$0x6800]  }
0x163: {  	s8 =	sadd.s32 $0x4, s8;
	v10 =	vadd.f32 v25, v10;
	v13 =	vadd.f32 v18, v13;
	v18 =	vmul.f32 v30, v8;
	v8 =	vmovc v20;
	v20 =	vld [tilespmem:s9+$0x800]  }
0x164: {  	p0 =	slt.u32 s8, $0x2C;
	s17 =	rddreg [dreg:$0x8];
	v9 =	vadd.f32 v17, v9;
	v17 =	vld [tilespmem:s26+$0x800];
	s26 =	sadd.s32 s28, s18  }
.Ltmp0:
0x165: {  	s17 =	sadd.s32 s15, s17;
	v10 =	vadd.f32 v22, v10;
	v26 =	vld [tilespmem:s26+$0x0];
	s26 =	sadd.s32 s16, s18;
	(pc) =	sbr.rel @p0 .LBB2_5-.Ltmp0, $4  }
0x166: {  	s18 =	sadd.s32 s16, s17;
	v27 =	vld [tilespmem:s26+$0x0]  }
0x167: {  	v10 =	vadd.f32 v21, v10;
	v13 =	vadd.f32 v15, v13;
	v25 =	vld [tilespmem:s18+$0x0];
	s26 =	sadd.s32 s28, s17  }
0x168: {  	v12 =	vadd.f32 v16, v12;
	v15 =	vmul.f32 v28, v8;
	v16 =	vmul.f32 v29, v8;
	s28 =	sadd.s32 s28, s10;
	v22 =	vld [tilespmem:s26+$0x0]  }
0x169: {  	s14 =	sadd.s32 $0x200, s14;
	s15 =	sadd.s32 s3, s17;
	v10 =	vadd.f32 v18, v10;
	v18 =	vmul.f32 v19, v11;
	v19 =	vmul.f32 v63, v11;
	v21 =	vld [tilespmem:s28+$0x0]  }
0x16a: {  	v28 =	vld [tilespmem:s15+$0x0];
	s3 =	sadd.s32 s3, s10;
	v24 =	vmul.f32 v24, v20  }
0x16b: {  	s26 =	sadd.s32 s1, s17;
	v14 =	vmul.f32 v14, v20;
	v27 =	vmul.f32 v27, v20;
	v29 =	vld [tilespmem:s3+$0x0]  }
0x16c: {  	v23 =	vmul.f32 v23, v17;
	s28 =	sadd.s32 s1, s10;
	v61 =	vld [tilespmem:s26+$0x0];
	v25 =	vmul.f32 v25, v20;
	v13 =	vadd.f32 v24, v13  }
0x16d: {  	v26 =	vmul.f32 v26, v17;
	v62 =	vld [tilespmem:s28+$0x0];
	v9 =	vadd.f32 v14, v9;
	v12 =	vadd.f32 v27, v12  }
0x16e: {  	s23 =	sadd.s32 $0x1, s23;
	v22 =	vmul.f32 v22, v17;
	v10 =	vadd.f32 v25, v10;
	v14 =	vmul.f32 v21, v17  }
0x16f: {  	p0 =	sne.s32 s23, $0x4;
	v13 =	vadd.f32 v23, v13;
	v12 =	vadd.f32 v26, v12;
	v63 =	vmul.f32 v28, v11  }
.Ltmp1:
0x170: {  	v10 =	vadd.f32 v22, v10;
	v9 =	vadd.f32 v14, v9;
	v11 =	vmul.f32 v29, v11;
	(pc) =	sbr.rel @p0 .LBB2_4-.Ltmp1, $4  }
0x171: {  	v13 =	vadd.f32 v18, v13;
	v14 =	vmul.f32 v61, v8;
	v12 =	vadd.f32 v19, v12  }
0x172: {  	v8 =	vmul.f32 v62, v8;
	v10 =	vadd.f32 v63, v10;
	v9 =	vadd.f32 v11, v9  }
0x173: {  	v13 =	vadd.f32 v15, v13;
	v12 =	vadd.f32 v16, v12  }
0x174: {  	v10 =	vadd.f32 v14, v10;
	v9 =	vadd.f32 v8, v9  }
0x175: {  	(xrf2) =	vadd.scan.msk.f32 $0xffff, v13  }
0x176: {  	(xrf2) =	vadd.scan.msk.f32 $0xffff, v12  }
0x177: {  	(xrf2) =	vadd.scan.msk.f32 $0xffff, v10  }
0x178: {  	(xrf2) =	vadd.scan.msk.f32 $0xffff, v9;
	_ =	sdelay $0x6  }
0x179: {  	s1 =	sor.u32 s25, s6;
	s6 =	sadd.s32 $0x1, s6;
	v8, _, _ =	vpop (xrf2)  }
0x17a: {  	p0 =	sne.s32 s6, $0x4;
	v61, _, _ =	vpop (xrf2)  }
.Ltmp2:
0x17b: {  	v10, _, _ =	vpop (xrf2);
	(pc) =	sbr.rel @p0 .LBB2_3-.Ltmp2, $4  }
0x17c: {  	v11 =	vmov s1;
	v8 =	vbroadcast v8, $0xF;
	v9 =	vbroadcast v61, $0xF;
	v62, _, _ =	vpop (xrf2)  }
0x17d: {  	vm1 =	veq.s32 v11, v0;
	v10 =	vbroadcast v10, $0xF;
	v63 =	vbroadcast v62, $0xF  }
0x17e: {  	v7 =	vsel vm1, v8, v7  }
0x17f: {  	v6 =	vsel vm1, v9, v6;
	v5 =	vsel vm1, v10, v5;
	v4 =	vsel vm1, v63, v4  }
0x180: {  	p0 =	seq.s32 s0, $0x7  }
.Ltmp3:
0x181: {  	_ = 	snop;
	(pc) =	sbr.rel @p0 .LBB2_10-.Ltmp3, $1  }
0x182: {  	_ =	sdelay $0x3  }
0x183: {  	s1 =	sadd.s32 $0x2, s7;
	s3 =	rddreg [dreg:$0xe]  }
0x184: {  	s3 =	sadd.s32 s3, s1  }
0x185: {  	s5 =	smul.u32 $0x600, s3  }
0x186: {  	s8 =	rddreg [dreg:$0x1]  }
0x187: {  	s21 =	simm.s32 $0x800;
	s6 =	sadd.s32 s8, s5  }
0x188: {  	[tilespmem:s21], [sflag:$0x1] =	stream.linear.gather [hbm4b:s6+s4], $0x200, $0x38;
	[tilespmem:$0x1EA80] =	vst v63  }
0x189: {  	s9 =	simm.s32 $0xC00;
	s22 =	sadd.s32 $0x40, s6  }
0x18a: {  	[tilespmem:s9], [sflag:$0x1] =	stream.linear.gather [hbm4b:s22+s4], $0x200, $0x38;
	[tilespmem:$0x1EA80] =	vst v63  }
0x18b: {  	s24 =	simm.s32 $0x1000;
	s23 =	sadd.s32 $0x80, s6  }
0x18c: {  	[tilespmem:s24], [sflag:$0x1] =	stream.linear.gather [hbm4b:s23+s4], $0x200, $0x38;
	[tilespmem:$0x1EA80] =	vst v63  }
0x18d: {  	s28 =	simm.s32 $0x1400;
	s26 =	sadd.s32 $0xC0, s6  }
0x18e: {  	[tilespmem:s28], [sflag:$0x1] =	stream.linear.gather [hbm4b:s26+s4], $0x200, $0x38;
	[tilespmem:$0x1EA80] =	vst v63  }
0x18f: {  	s10 =	simm.s32 $0x1800;
	s9 =	sadd.s32 $0x100, s6  }
0x190: {  	[tilespmem:s10], [sflag:$0x1] =	stream.linear.gather [hbm4b:s9+s4], $0x200, $0x38;
	[tilespmem:$0x1EA80] =	vst v63  }
0x191: {  	s11 =	simm.s32 $0x1C00;
	s14 =	rddreg [dreg:$0x11];
	s6 =	sadd.s32 $0x140, s6  }
0x192: {  	[tilespmem:s11], [sflag:$0x1] =	stream.linear.gather [hbm4b:s6+s4], $0x200, $0x38;
	[tilespmem:$0x1EA80] =	vst v63  }
0x193: {  	s15 =	simm.s32 $0xA00;
	s6 =	sadd.s32 s5, s14  }
0x194: {  	[tilespmem:s15], [sflag:$0x1] =	stream.linear.gather [hbm4b:s6+s4], $0x200, $0x38;
	[tilespmem:$0x1EA80] =	vst v63  }
0x195: {  	s17 =	simm.s32 $0xE00;
	s16 =	sadd.s32 $0x40, s6  }
0x196: {  	[tilespmem:s17], [sflag:$0x1] =	stream.linear.gather [hbm4b:s16+s4], $0x200, $0x38;
	[tilespmem:$0x1EA80] =	vst v63  }
0x197: {  	s19 =	simm.s32 $0x1200;
	s18 =	sadd.s32 $0x80, s6  }
0x198: {  	[tilespmem:s19], [sflag:$0x1] =	stream.linear.gather [hbm4b:s18+s4], $0x200, $0x38;
	[tilespmem:$0x1EA80] =	vst v63  }
0x199: {  	s21 =	simm.s32 $0x1600;
	s20 =	sadd.s32 $0xC0, s6  }
0x19a: {  	[tilespmem:s21], [sflag:$0x1] =	stream.linear.gather [hbm4b:s20+s4], $0x200, $0x38;
	[tilespmem:$0x1EA80] =	vst v63  }
0x19b: {  	s23 =	simm.s32 $0x1A00;
	s22 =	sadd.s32 $0x100, s6  }
0x19c: {  	[tilespmem:s23], [sflag:$0x1] =	stream.linear.gather [hbm4b:s22+s4], $0x200, $0x38;
	[tilespmem:$0x1EA80] =	vst v63  }
0x19d: {  	s24 =	simm.s32 $0x1E00;
	s26 =	rddreg [dreg:$0x14];
	s6 =	sadd.s32 $0x140, s6  }
0x19e: {  	[tilespmem:s24], [sflag:$0x1] =	stream.linear.gather [hbm4b:s6+s4], $0x200, $0x38;
	[tilespmem:$0x1EA80] =	vst v63  }
0x19f: {  	s28 =	simm.s32 $0x2000;
	s5 =	sadd.s32 s5, s26  }
0x1a0: {  	[tilespmem:s28], [sflag:$0x1] =	stream.linear.gather [hbm4b:s5+s4], $0x200, $0x38;
	[tilespmem:$0x1EA80] =	vst v63  }
0x1a1: {  	s9 =	simm.s32 $0x2400;
	s7 =	sadd.s32 $0x40, s5  }
0x1a2: {  	[tilespmem:s9], [sflag:$0x1] =	stream.linear.gather [hbm4b:s7+s4], $0x200, $0x38;
	[tilespmem:$0x1EA80] =	vst v63  }
0x1a3: {  	s11 =	simm.s32 $0x2800;
	s10 =	sadd.s32 $0x80, s5  }
0x1a4: {  	[tilespmem:s11], [sflag:$0x1] =	stream.linear.gather [hbm4b:s10+s4], $0x200, $0x38;
	[tilespmem:$0x1EA80] =	vst v63  }
0x1a5: {  	s3 =	smul.u32 $0x3000, s3;
	s14 =	sadd.s32 $0xC0, s5;
	s15 =	simm.s32 $0x2C00  }
0x1a6: {  	[tilespmem:s15], [sflag:$0x1] =	stream.linear.gather [hbm4b:s14+s4], $0x200, $0x38;
	[tilespmem:$0x1EA80] =	vst v63  }
0x1a7: {  	s3 =	sshrl.u32 s3, $0x3;
	s16 =	sadd.s32 $0x100, s5;
	s17 =	simm.s32 $0x3000  }
0x1a8: {  	[tilespmem:s17], [sflag:$0x1] =	stream.linear.gather [hbm4b:s16+s4], $0x200, $0x38;
	[tilespmem:$0x1EA80] =	vst v63  }
0x1a9: {  	s3 =	sadd.s32 s8, s3;
	s18 =	simm.s32 $0x3400;
	s5 =	sadd.s32 $0x140, s5  }
0x1aa: {  	[tilespmem:s18], [sflag:$0x1] =	stream.linear.gather [hbm4b:s5+s4], $0x200, $0x38;
	[tilespmem:$0x1EA80] =	vst v63  }
0x1ab: {  	s19 =	sadd.s32 $0x480, s3;
	s20 =	simm.s32 $0x2200  }
0x1ac: {  	[tilespmem:s20], [sflag:$0x1] =	stream.linear.gather [hbm4b:s19+s4], $0x200, $0x38;
	[tilespmem:$0x1EA80] =	vst v63  }
0x1ad: {  	s21 =	sadd.s32 $0x4C0, s3;
	s22 =	simm.s32 $0x2600  }
0x1ae: {  	[tilespmem:s22], [sflag:$0x1] =	stream.linear.gather [hbm4b:s21+s4], $0x200, $0x38;
	[tilespmem:$0x1EA80] =	vst v63  }
0x1af: {  	s23 =	sadd.s32 $0x500, s3;
	s24 =	simm.s32 $0x2A00  }
0x1b0: {  	[tilespmem:s24], [sflag:$0x1] =	stream.linear.gather [hbm4b:s23+s4], $0x200, $0x38;
	[tilespmem:$0x1EA80] =	vst v63  }
0x1b1: {  	s26 =	sadd.s32 $0x540, s3;
	s28 =	simm.s32 $0x2E00  }
0x1b2: {  	[tilespmem:s28], [sflag:$0x1] =	stream.linear.gather [hbm4b:s26+s4], $0x200, $0x38;
	[tilespmem:$0x1EA80] =	vst v63  }
0x1b3: {  	s1 =	sshll.u32 s1, $0x7;
	s6 =	sadd.s32 $0x580, s3;
	s7 =	simm.s32 $0x3200  }
0x1b4: {  	[tilespmem:s7], [sflag:$0x1] =	stream.linear.gather [hbm4b:s6+s4], $0x200, $0x38;
	[tilespmem:$0x1EA80] =	vst v63  }
0x1b5: {  	s1 =	sand.u32 $0x3FFFFF80, s1;
	s8 =	simm.s32 $0x3600;
	s3 =	sadd.s32 $0x5C0, s3  }
0x1b6: {  	[tilespmem:s8], [sflag:$0x1] =	stream.linear.gather [hbm4b:s3+s4], $0x200, $0x38;
	[tilespmem:$0x1EA80] =	vst v63  }
0x1b7: {  	v8 =	vld [tilespmem:s1+$0x0];
	_ =	sdelay $0x4  }
0x1b8: {  	v9 =	vshrl.u32 v8, $0x3  }
0x1b9: {  	v9 =	vmul.u32 $0x30, v9  }
0x1ba: {  	v8 =	vand.u32 $0x7, v8  }
0x1bb: {  	v8 =	vor.u32 v8, v9  }
0x1bc: {  	v9 =	vperm.xlane v8, v1;
	_ =	sdelay $0x1  }
0x1bd: {  	v9 =	vadd.s32 v2, v9;
	_ =	sdelay $0x3  }
0x1be: {  	s9 =	rddreg [dreg:$0x3];
	s10 =	simm.s32 $0x6800;
	v8 =	vperm.xlane v8, v3  }
0x1bf: {  	[tilespmem:s10], [sflag:$0x1] =	stream.indirect_vreg.gather [hbm4b:s9+s4], $0x80, v9, vm0, $0xb8;
	[tilespmem:$0x1EA80] =	vst v63  }
0x1c0: {  	s11 =	rddreg [dreg:$0x17];
	s14 =	simm.s32 $0x7000;
	v8 =	vadd.s32 v2, v8  }
0x1c1: {  	[tilespmem:s14], [sflag:$0x1] =	stream.indirect_vreg.gather [hbm4b:s11+s4], $0x80, v9, vm0, $0xb8;
	[tilespmem:$0x1EA80] =	vst v63  }
0x1c2: {  	s15 =	rddreg [dreg:$0x18];
	s16 =	simm.s32 $0x7800  }
0x1c3: {  	[tilespmem:s16], [sflag:$0x1] =	stream.indirect_vreg.gather [hbm4b:s15+s4], $0x80, v9, vm0, $0xb8;
	[tilespmem:$0x1EA80] =	vst v63  }
0x1c4: {  	s17 =	simm.s32 $0x8000  }
0x1c5: {  	[tilespmem:s17], [sflag:$0x1] =	stream.indirect_vreg.gather [hbm4b:s9+s4], $0x80, v8, vm0, $0xb8;
	[tilespmem:$0x1EA80] =	vst v63  }
0x1c6: {  	s18 =	simm.s32 $0x8800  }
0x1c7: {  	[tilespmem:s18], [sflag:$0x1] =	stream.indirect_vreg.gather [hbm4b:s11+s4], $0x80, v8, vm0, $0xb8;
	[tilespmem:$0x1EA80] =	vst v63  }
0x1c8: {  	s19 =	simm.s32 $0x9000  }
0x1c9: {  	[tilespmem:s19], [sflag:$0x1] =	stream.indirect_vreg.gather [hbm4b:s15+s4], $0x80, v8, vm0, $0xb8;
	[tilespmem:$0x1EA80] =	vst v63  }
0x1ca: {  	v8 =	vld [tilespmem:s1+$0x0];
	_ =	sdelay $0x4  }
0x1cb: {  	v61 =	vshrl.u32 v8, $0x3  }
0x1cc: {  	v9 =	vmul.u32 $0x30, v61  }
0x1cd: {  	v8 =	vand.u32 $0x7, v8  }
0x1ce: {  	v8 =	vor.u32 v8, v9  }
0x1cf: {  	v9 =	vperm.xlane v8, v1;
	_ =	sdelay $0x1  }
0x1d0: {  	v9 =	vadd.s32 v2, v9;
	_ =	sdelay $0x2  }
0x1d1: {  	s20 =	rddreg [dreg:$0x19]  }
0x1d2: {  	s21 =	simm.s32 $0x9800;
	s23 =	sld [smem:$0x7FA];
	v8 =	vperm.xlane v8, v3  }
0x1d3: {  	[tilespmem:s21], [sflag:$0x1] =	stream.indirect_vreg.gather [hbm4b:s20+s4], $0x80, v9, vm0, $0xb8;
	[tilespmem:$0x1EA80] =	vst v63  }
0x1d4: {  	s22 =	simm.s32 $0xA000;
	s26 =	sld [smem:$0x7FB];
	v8 =	vadd.s32 v2, v8  }
0x1d5: {  	[tilespmem:s22], [sflag:$0x1] =	stream.indirect_vreg.gather [hbm4b:s23+s4], $0x80, v9, vm0, $0xb8;
	[tilespmem:$0x1EA80] =	vst v63  }
0x1d6: {  	s24 =	simm.s32 $0xA800  }
0x1d7: {  	[tilespmem:s24], [sflag:$0x1] =	stream.indirect_vreg.gather [hbm4b:s26+s4], $0x80, v9, vm0, $0xb8;
	[tilespmem:$0x1EA80] =	vst v63  }
0x1d8: {  	s28 =	simm.s32 $0xB000  }
0x1d9: {  	[tilespmem:s28], [sflag:$0x1] =	stream.indirect_vreg.gather [hbm4b:s20+s4], $0x80, v8, vm0, $0xb8;
	[tilespmem:$0x1EA80] =	vst v63  }
0x1da: {  	s8 =	simm.s32 $0xB800  }
0x1db: {  	[tilespmem:s8], [sflag:$0x1] =	stream.indirect_vreg.gather [hbm4b:s23+s4], $0x80, v8, vm0, $0xb8;
	[tilespmem:$0x1EA80] =	vst v63  }
0x1dc: {  	s9 =	simm.s32 $0xC000  }
0x1dd: {  	[tilespmem:s9], [sflag:$0x1] =	stream.indirect_vreg.gather [hbm4b:s26+s4], $0x80, v8, vm0, $0xb8;
	[tilespmem:$0x1EA80] =	vst v63  }
0x1de: {  	v8 =	vld [tilespmem:s1+$0x0];
	_ =	sdelay $0x4  }
0x1df: {  	v62 =	vshrl.u32 v8, $0x3  }
0x1e0: {  	v9 =	vmul.u32 $0x30, v62  }
0x1e1: {  	v8 =	vand.u32 $0x7, v8  }
0x1e2: {  	v8 =	vor.u32 v8, v9  }
0x1e3: {  	v9 =	vperm.xlane v8, v1;
	_ =	sdelay $0x1  }
0x1e4: {  	v9 =	vadd.s32 v2, v9;
	_ =	sdelay $0x2  }
0x1e5: {  	s10 =	rddreg [dreg:$0x1a]  }
0x1e6: {  	s11 =	simm.s32 $0xC800;
	s15 =	sld [smem:$0x7FC];
	v8 =	vperm.xlane v8, v3  }
0x1e7: {  	[tilespmem:s11], [sflag:$0x1] =	stream.indirect_vreg.gather [hbm4b:s10+s4], $0x80, v9, vm0, $0xb8;
	[tilespmem:$0x1EA80] =	vst v63  }
0x1e8: {  	s14 =	simm.s32 $0xD000;
	v8 =	vadd.s32 v2, v8  }
0x1e9: {  	[tilespmem:s14], [sflag:$0x1] =	stream.indirect_vreg.gather [hbm4b:s15+s4], $0x80, v9, vm0, $0xb8;
	[tilespmem:$0x1EA80] =	vst v63  }
0x1ea: {  	s16 =	simm.s32 $0xD800  }
0x1eb: {  	[tilespmem:s16], [sflag:$0x1] =	stream.indirect_vreg.gather [hbm4b:s29+s4], $0x80, v9, vm0, $0xb8;
	[tilespmem:$0x1EA80] =	vst v63  }
0x1ec: {  	s17 =	simm.s32 $0xE000  }
0x1ed: {  	[tilespmem:s17], [sflag:$0x1] =	stream.indirect_vreg.gather [hbm4b:s10+s4], $0x80, v8, vm0, $0xb8;
	[tilespmem:$0x1EA80] =	vst v63  }
0x1ee: {  	s18 =	simm.s32 $0xE800  }
0x1ef: {  	[tilespmem:s18], [sflag:$0x1] =	stream.indirect_vreg.gather [hbm4b:s15+s4], $0x80, v8, vm0, $0xb8;
	[tilespmem:$0x1EA80] =	vst v63  }
0x1f0: {  	s19 =	simm.s32 $0xF000  }
0x1f1: {  	[tilespmem:s19], [sflag:$0x1] =	stream.indirect_vreg.gather [hbm4b:s29+s4], $0x80, v8, vm0, $0xb8;
	[tilespmem:$0x1EA80] =	vst v63  }
0x1f2: {  	v8 =	vld [tilespmem:s1+$0x0];
	_ =	sdelay $0x4  }
0x1f3: {  	v63 =	vshrl.u32 v8, $0x3  }
0x1f4: {  	v9 =	vmul.u32 $0x30, v63  }
0x1f5: {  	v8 =	vand.u32 $0x7, v8  }
0x1f6: {  	v8 =	vor.u32 v8, v9  }
0x1f7: {  	v9 =	vperm.xlane v8, v1;
	_ =	sdelay $0x1  }
0x1f8: {  	v9 =	vadd.s32 v2, v9;
	_ =	sdelay $0x3  }
0x1f9: {  	s21 =	simm.s32 $0xF800;
	s20 =	rddreg [dreg:$0x1b];
	v8 =	vperm.xlane v8, v3  }
0x1fa: {  	[tilespmem:s21], [sflag:$0x1] =	stream.indirect_vreg.gather [hbm4b:s20+s4], $0x80, v9, vm0, $0xb8;
	[tilespmem:$0x1EA80] =	vst v63  }
0x1fb: {  	s22 =	simm.s32 $0x10000;
	v8 =	vadd.s32 v2, v8  }
0x1fc: {  	[tilespmem:s22], [sflag:$0x1] =	stream.indirect_vreg.gather [hbm4b:s30+s4], $0x80, v9, vm0, $0xb8;
	[tilespmem:$0x1EA80] =	vst v63  }
0x1fd: {  	s23 =	simm.s32 $0x10800  }
0x1fe: {  	[tilespmem:s23], [sflag:$0x1] =	stream.indirect_vreg.gather [hbm4b:s31+s4], $0x80, v9, vm0, $0xb8;
	[tilespmem:$0x1EA80] =	vst v63  }
0x1ff: {  	s24 =	simm.s32 $0x11000  }
0x200: {  	[tilespmem:s24], [sflag:$0x1] =	stream.indirect_vreg.gather [hbm4b:s20+s4], $0x80, v8, vm0, $0xb8;
	[tilespmem:$0x1EA80] =	vst v63  }
0x201: {  	s26 =	simm.s32 $0x11800  }
0x202: {  	[tilespmem:s26], [sflag:$0x1] =	stream.indirect_vreg.gather [hbm4b:s30+s4], $0x80, v8, vm0, $0xb8;
	[tilespmem:$0x1EA80] =	vst v63  }
0x203: {  	s28 =	simm.s32 $0x12000  }
0x204: {  	[tilespmem:s28], [sflag:$0x1] =	stream.indirect_vreg.gather [hbm4b:s31+s4], $0x80, v8, vm0, $0xb8;
	[tilespmem:$0x1EA80] =	vst v63  }
.LBB2_10:
0x205: {  	_ =	swait.ge [sflag:s13], $0xC00  }
0x206: {  	[sflag:s13] =	ssyncset.done $0x0  }
0x207: {  	[sflag:s13] =	ssyncadd.s32 $0xFFFFF400  }
0x208: {  	_ =	swait.ge [sflag:s13], $0xC00  }
0x209: {  	[sflag:s13] =	ssyncset.done $0x0  }
0x20a: {  	[sflag:s13] =	ssyncadd.s32 $0xFFFFF400  }
0x20b: {  	_ =	swait.ge [sflag:s13], $0xC00  }
0x20c: {  	[sflag:s13] =	ssyncset.done $0x0  }
0x20d: {  	[sflag:s13] =	ssyncadd.s32 $0xFFFFF400  }
0x20e: {  	_ =	swait.ge [sflag:s13], $0xC00  }
0x20f: {  	[sflag:s13] =	ssyncset.done $0x0  }
0x210: {  	[sflag:s13] =	ssyncadd.s32 $0xFFFFF400  }
0x211: {  	_ =	swait.ge [sflag:s13], $0x3000  }
0x212: {  	[sflag:s13] =	ssyncset.done $0x0  }
0x213: {  	[sflag:s13] =	ssyncadd.s32 $0xFFFFD000  }
0x214: {  	_ =	swait.ge [sflag:s13], $0x3000  }
0x215: {  	[sflag:s13] =	ssyncset.done $0x0  }
0x216: {  	[sflag:s13] =	ssyncadd.s32 $0xFFFFD000  }
0x217: {  	_ =	swait.ge [sflag:s13], $0x3000  }
0x218: {  	[sflag:s13] =	ssyncset.done $0x0  }
0x219: {  	[sflag:s13] =	ssyncadd.s32 $0xFFFFD000  }
0x21a: {  	_ =	swait.ge [sflag:s13], $0x3000  }
0x21b: {  	[sflag:s13] =	ssyncset.done $0x0  }
0x21c: {  	s6 =	sor.u32 $0x4, s25;
	s25 =	simm.s32 $0x0;
	[sflag:s13] =	ssyncadd.s32 $0xFFFFD000  }
.LBB2_11:
0x21d: {  	s1 =	sshrl.u32 s25, $0x1  }
0x21e: {  	s1 =	smul.u32 $0x1800, s1  }
0x21f: {  	s3 =	sshll.u32 s25, $0x9;
	s23 =	simm.s32 $0x0  }
0x220: {  	v10 =	vimm.f32 $0.0e+00;
	s7 =	sand.u32 $0x200, s3;
	s21 =	sadd.s32 $0x3800, s1;
	s11 =	sadd.s32 $0x12800, s1  }
0x221: {  	v11 =	vimm.f32 $0.0e+00;
	v12 =	vimm.f32 $0.0e+00;
	v13 =	vimm.f32 $0.0e+00;
	s19 =	sadd.s32 $0x15800, s1;
	s20 =	sadd.s32 $0x18800, s1;
	s22 =	sadd.s32 $0x1B800, s1  }
.LBB2_12:
0x222: {  	s1 =	sshll.u32 s23, $0x7  }
0x223: {  	s3 =	sadd.s32 s7, s1  }
0x224: {  	s1 =	sadd.s32 s3, s21  }
0x225: {  	s17 =	sadd.s32 s3, s11;
	[dreg:$0x9] =	wrdreg s1  }
0x226: {  	s18 =	sadd.s32 s3, s19;
	[dreg:$0xa] =	wrdreg s17  }
0x227: {  	s10 =	simm.s32 $0x0;
	[dreg:$0xb] =	wrdreg s18  }
0x228: {  	s9 =	sand.u32 $0x40, s10;
	s14 =	sand.u32 $0x1C00, s10;
	s24 =	rddreg [dreg:$0x9]  }
0x229: {  	s5 =	rddreg [dreg:$0xa];
	s16 =	sadd.s32 s14, s24;
	s24 =	sor.u32 $0x30, s9  }
0x22a: {  	s8 =	rddreg [dreg:$0xb];
	s5 =	sadd.s32 s14, s5;
	s1 =	sadd.s32 s24, s16  }
0x22b: {  	s8 =	sadd.s32 s14, s8;
	s15 =	sadd.s32 s24, s5;
	v8 =	vld [tilespmem:s1+$0x0]  }
0x22c: {  	s26 =	sadd.s32 s24, s8;
	s1 =	sor.u32 $0x20, s9;
	v15 =	vld [tilespmem:s15+$0x0]  }
0x22d: {  	v16 =	vld [tilespmem:s26+$0x0];
	s17 =	sadd.s32 s1, s16  }
0x22e: {  	s28 =	sadd.s32 s1, s5;
	v9 =	vld [tilespmem:s17+$0x0]  }
0x22f: {  	s15 =	sor.u32 $0x10, s9;
	s26 =	sadd.s32 s1, s8;
	v17 =	vld [tilespmem:s28+$0x0]  }
0x230: {  	s28 =	sadd.s32 s15, s16;
	v19 =	vld [tilespmem:s26+$0x0]  }
0x231: {  	s18 =	sadd.s32 s3, s20;
	s17 =	sadd.s32 s15, s5;
	v14 =	vld [tilespmem:s28+$0x0]  }
0x232: {  	s3 =	sadd.s32 s3, s22;
	[dreg:$0xc] =	wrdreg s18;
	s26 =	sadd.s32 s15, s8;
	v20 =	vld [tilespmem:s17+$0x0]  }
0x233: {  	[dreg:$0xd] =	wrdreg s3;
	s16 =	sadd.s32 s9, s16;
	v21 =	vld [tilespmem:s26+$0x0]  }
0x234: {  	s18 =	rddreg [dreg:$0xc];
	s5 =	sadd.s32 s9, s5;
	v18 =	vld [tilespmem:s16+$0x0]  }
0x235: {  	s28 =	rddreg [dreg:$0xd];
	v22 =	vld [tilespmem:s5+$0x0];
	s16 =	sadd.s32 s9, s8;
	s17 =	sadd.s32 s14, s18  }
0x236: {  	v24 =	vld [tilespmem:s16+$0x0];
	s26 =	sadd.s32 s9, s17;
	s16 =	sadd.s32 s14, s28  }
0x237: {  	v23 =	vld [tilespmem:s26+$0x0];
	s28 =	sadd.s32 s9, s16  }
0x238: {  	s5 =	simm.s32 $0x0;
	s8 =	simm.s32 $0x0;
	s3 =	sadd.s32 s15, s17;
	v25 =	vld [tilespmem:s28+$0x0]  }
.LBB2_13:
0x239: {  	s9 =	rddreg [dreg:$0x9];
	v26 =	vld [tilespmem:s3+$0x0];
	s18 =	sadd.s32 s15, s16  }
0x23a: {  	v28 =	vmul.f32 v16, v8;
	s15 =	rddreg [dreg:$0xa];
	s28 =	sadd.s32 s1, s16;
	v27 =	vmul.f32 v15, v8;
	v15 =	vld [tilespmem:s18+$0x0]  }
0x23b: {  	s26 =	sadd.s32 s1, s17;
	s10 =	sadd.s32 $0x200, s10;
	s8 =	sadd.s32 $0x40, s8;
	v16 =	vmul.f32 v20, v14;
	v29 =	vld [tilespmem:s28+$0x0];
	v20 =	vmul.f32 v21, v14  }
0x23c: {  	s17 =	sadd.s32 s24, s17;
	s3 =	sand.u32 $0x40, s8;
	s14 =	sand.u32 $0x1C00, s10;
	v21 =	vld [tilespmem:s26+$0x0];
	v22 =	vmul.f32 v22, v18;
	v24 =	vmul.f32 v24, v18  }
0x23d: {  	s9 =	sadd.s32 s14, s9;
	s26 =	sadd.s32 s24, s16;
	s24 =	sor.u32 $0x30, s3;
	v23 =	vmul.f32 v23, v18;
	v18 =	vmul.f32 v25, v18;
	v25 =	vld [tilespmem:s17+$0x0]  }
0x23e: {  	s18 =	rddreg [dreg:$0xb];
	s16 =	sadd.s32 s14, s15;
	s28 =	sadd.s32 s24, s9;
	v12 =	vadd.f32 v24, v12;
	v24 =	vld [tilespmem:s26+$0x0]  }
0x23f: {  	s15 =	sor.u32 $0x10, s3;
	s17 =	sadd.s32 s14, s18;
	s18 =	sadd.s32 s24, s16;
	v13 =	vadd.f32 v22, v13;
	v22 =	vmul.f32 v26, v14;
	v26 =	vld [tilespmem:s28+$0x0]  }
0x240: {  	v14 =	vmul.f32 v15, v14;
	v15 =	vld [tilespmem:s18+$0x0];
	s18 =	sadd.s32 s15, s17  }
0x241: {  	v17 =	vmul.f32 v17, v9;
	s1 =	sor.u32 $0x20, s3;
	v10 =	vadd.f32 v18, v10;
	s26 =	sadd.s32 s24, s17;
	v18 =	vmul.f32 v21, v9;
	v21 =	vld [tilespmem:s18+$0x0]  }
0x242: {  	v19 =	vmul.f32 v19, v9;
	v11 =	vadd.f32 v23, v11;
	s28 =	sadd.s32 s1, s9;
	v13 =	vadd.f32 v16, v13;
	v16 =	vld [tilespmem:s26+$0x0]  }
0x243: {  	v12 =	vadd.f32 v20, v12;
	v10 =	vadd.f32 v14, v10;
	v14 =	vmul.f32 v29, v9;
	v9 =	vld [tilespmem:s28+$0x0];
	s26 =	sadd.s32 s1, s16  }
0x244: {  	s28 =	sadd.s32 s1, s17;
	v13 =	vadd.f32 v17, v13;
	v17 =	vld [tilespmem:s26+$0x0]  }
0x245: {  	v11 =	vadd.f32 v22, v11;
	v12 =	vadd.f32 v19, v12;
	s26 =	sadd.s32 s15, s9;
	v19 =	vld [tilespmem:s28+$0x0]  }
0x246: {  	s5 =	sadd.s32 $0x4, s5;
	v10 =	vadd.f32 v14, v10;
	s28 =	sadd.s32 s15, s16;
	s16 =	sadd.s32 s3, s16;
	v14 =	vld [tilespmem:s26+$0x0]  }
0x247: {  	p0 =	slt.u32 s5, $0x2C;
	s18 =	sadd.s32 s3, s17;
	v20 =	vmul.f32 v25, v8;
	v11 =	vadd.f32 v18, v11;
	v22 =	vld [tilespmem:s16+$0x0]  }
.Ltmp4:
0x248: {  	v18 =	vmul.f32 v24, v8;
	s26 =	rddreg [dreg:$0xc];
	v24 =	vld [tilespmem:s18+$0x0];
	(pc) =	sbr.rel @p0 .LBB2_13-.Ltmp4, $4  }
0x249: {  	s9 =	sadd.s32 s3, s9;
	v11 =	vadd.f32 v20, v11;
	v20 =	vld [tilespmem:s28+$0x0];
	s28 =	rddreg [dreg:$0xd];
	s17 =	sadd.s32 s14, s26  }
0x24a: {  	v10 =	vadd.f32 v18, v10;
	v18 =	vld [tilespmem:s9+$0x0];
	s26 =	sadd.s32 s3, s17;
	s16 =	sadd.s32 s14, s28  }
0x24b: {  	v23 =	vld [tilespmem:s26+$0x0];
	s3 =	sadd.s32 s3, s16  }
0x24c: {  	v8 =	vmov v26;
	v13 =	vadd.f32 v27, v13;
	v12 =	vadd.f32 v28, v12;
	v25 =	vld [tilespmem:s3+$0x0];
	s3 =	sadd.s32 s15, s17  }
0x24d: {  	v26 =	vld [tilespmem:s3+$0x0];
	s14 =	sadd.s32 s15, s16;
	v15 =	vmul.f32 v15, v8;
	v16 =	vmul.f32 v16, v8  }
0x24e: {  	v17 =	vmul.f32 v17, v9;
	v19 =	vmul.f32 v19, v9;
	s15 =	sadd.s32 s1, s17;
	v27 =	vld [tilespmem:s14+$0x0]  }
0x24f: {  	v21 =	vmul.f32 v21, v14;
	s18 =	sadd.s32 s1, s16;
	v20 =	vmul.f32 v20, v14;
	v28 =	vld [tilespmem:s15+$0x0]  }
0x250: {  	s26 =	sadd.s32 s24, s17;
	v29 =	vld [tilespmem:s18+$0x0];
	v22 =	vmul.f32 v22, v18;
	v24 =	vmul.f32 v24, v18  }
0x251: {  	s28 =	sadd.s32 s24, s16;
	v60 =	vld [tilespmem:s26+$0x0];
	v23 =	vmul.f32 v23, v18;
	v59 =	vmul.f32 v25, v18  }
0x252: {  	v62 =	vld [tilespmem:s28+$0x0];
	v13 =	vadd.f32 v22, v13;
	v12 =	vadd.f32 v24, v12;
	v61 =	vmul.f32 v26, v14  }
0x253: {  	s23 =	sadd.s32 $0x1, s23;
	v11 =	vadd.f32 v23, v11;
	v10 =	vadd.f32 v59, v10;
	v14 =	vmul.f32 v27, v14  }
0x254: {  	p0 =	sne.s32 s23, $0x4;
	v13 =	vadd.f32 v20, v13;
	v12 =	vadd.f32 v21, v12;
	v63 =	vmul.f32 v28, v9  }
.Ltmp5:
0x255: {  	v9 =	vmul.f32 v29, v9;
	v11 =	vadd.f32 v61, v11;
	v10 =	vadd.f32 v14, v10;
	(pc) =	sbr.rel @p0 .LBB2_12-.Ltmp5, $4  }
0x256: {  	v13 =	vadd.f32 v17, v13;
	v12 =	vadd.f32 v19, v12;
	v14 =	vmul.f32 v60, v8  }
0x257: {  	v8 =	vmul.f32 v62, v8;
	v11 =	vadd.f32 v63, v11;
	v9 =	vadd.f32 v9, v10  }
0x258: {  	v13 =	vadd.f32 v15, v13;
	v12 =	vadd.f32 v16, v12  }
0x259: {  	v11 =	vadd.f32 v14, v11;
	v10 =	vadd.f32 v8, v9  }
0x25a: {  	(xrf2) =	vadd.scan.msk.f32 $0xffff, v13  }
0x25b: {  	(xrf2) =	vadd.scan.msk.f32 $0xffff, v12  }
0x25c: {  	(xrf2) =	vadd.scan.msk.f32 $0xffff, v11  }
0x25d: {  	(xrf2) =	vadd.scan.msk.f32 $0xffff, v10;
	_ =	sdelay $0x6  }
0x25e: {  	s1 =	sor.u32 s6, s25;
	s25 =	sadd.s32 $0x1, s25;
	v8, _, _ =	vpop (xrf2)  }
0x25f: {  	p0 =	sne.s32 s25, $0x4;
	v9, _, _ =	vpop (xrf2)  }
.Ltmp6:
0x260: {  	v60, _, _ =	vpop (xrf2);
	(pc) =	sbr.rel @p0 .LBB2_11-.Ltmp6, $4  }
0x261: {  	v61 =	vmov s1;
	v8 =	vbroadcast v8, $0xF;
	v9 =	vbroadcast v9, $0xF;
	v62, _, _ =	vpop (xrf2)  }
0x262: {  	vm1 =	veq.s32 v61, v0;
	v10 =	vbroadcast v60, $0xF;
	v63 =	vbroadcast v62, $0xF  }
0x263: {  	v7 =	vsel vm1, v8, v7  }
0x264: {  	v6 =	vsel vm1, v9, v6;
	v5 =	vsel vm1, v10, v5;
	v4 =	vsel vm1, v63, v4  }
0x265: {  	p0 =	seq.s32 s2, $0x0  }
0x266: {  	s1 =	sshll.u32 @!p0 s0, $0x3  }
0x267: {  	s1 =	sand.u32 @!p0 $0x30, s1  }
0x268: {  	v8 =	vld @!p0 [tilespmem:s1+$0x1E800];
	_ =	sdelay $0x4  }
0x269: {  	v9 =	vadd.f32 @!p0 v8, v7  }
0x26a: {  	v10 =	vadd.f32 @!p0 v8, v6  }
0x26b: {  	s0 =	sadd.s32 $0x1, s0;
	v12 =	vadd.f32 @!p0 v8, v5;
	v11 =	vmul.f32 @!p0 $1.000000010e-01, v9  }
0x26c: {  	p1 =	sne.s32 s0, $0x8;
	v8 =	vadd.f32 @!p0 v8, v4;
	vm1 =	vge.f32 @!p0 v9, $0.0e+00;
	v13 =	vmul.f32 @!p0 $1.000000010e-01, v10  }
.Ltmp7:
0x26d: {  	v9 =	vsel @!p0 vm1, v9, v11;
	vm1 =	vge.f32 @!p0 v10, $0.0e+00;
	v11 =	vmul.f32 @!p0 $1.000000010e-01, v12;
	(pc) =	sbr.rel @p1 .LBB2_2-.Ltmp7, $4  }
0x26e: {  	[tilespmem:s1+$0x1E880] =	vst @!p0 v9;
	v9 =	vsel @!p0 vm1, v10, v13;
	vm1 =	vge.f32 @!p0 v12, $0.0e+00;
	v10 =	vmul.f32 @!p0 $1.000000010e-01, v8  }
0x26f: {  	[tilespmem:s1+$0x1E900] =	vst @!p0 v9;
	v9 =	vsel @!p0 vm1, v12, v11;
	vm1 =	vge.f32 @!p0 v8, $0.0e+00  }
0x270: {  	v4 =	vpsel !p0, $0x0, v4;
	[tilespmem:s1+$0x1E980] =	vst @!p0 v9;
	v8 =	vsel @!p0 vm1, v8, v10  }
0x271: {  	v5 =	vpsel !p0, $0x0, v5;
	v6 =	vpsel !p0, $0x0, v6;
	v7 =	vpsel !p0, $0x0, v7;
	[tilespmem:s1+$0x1EA00] =	vst @!p0 v8  }
0x272: {  	s0 =	rddreg [dreg:$0x1c];
	s1 =	simm.s32 $0x1E880;
	s5 =	simm.s32 $0x3  }
0x273: {  	[hbm4b:s0+s4] =	stream.linear.scatter [tilespmem:s1], [sflag:$0x3], $0x40, $0x38;
	[tilespmem:$0x1EA80] =	vst v63  }
0x274: {  	_ =	swait.ge [sflag:s5], $0x40  }
0x275: {  	[sflag:s5] =	ssyncset.done $0x0  }
0x276: {  	s24 =	simm.s32 $0x1E900;
	s23 =	rddreg [dreg:$0x1e];
	[sflag:s5] =	ssyncadd.s32 $0xFFFFFFC0  }
0x277: {  	[hbm4b:s23+s4] =	stream.linear.scatter [tilespmem:s24], [sflag:$0x3], $0x40, $0x38;
	[tilespmem:$0x1EA80] =	vst v63  }
0x278: {  	_ =	swait.ge [sflag:s5], $0x40  }
0x279: {  	[sflag:s5] =	ssyncset.done $0x0  }
0x27a: {  	s26 =	simm.s32 $0x1E980;
	s25 =	rddreg [dreg:$0x1f];
	[sflag:s5] =	ssyncadd.s32 $0xFFFFFFC0  }
0x27b: {  	[hbm4b:s25+s4] =	stream.linear.scatter [tilespmem:s26], [sflag:$0x3], $0x40, $0x38;
	[tilespmem:$0x1EA80] =	vst v63  }
0x27c: {  	_ =	swait.ge [sflag:s5], $0x40  }
0x27d: {  	s28 =	sld [smem:$0x7FD]  }
0x27e: {  	[sflag:s5] =	ssyncset.done $0x0  }
0x27f: {  	s29 =	simm.s32 $0x1EA00;
	[sflag:s5] =	ssyncadd.s32 $0xFFFFFFC0  }
0x280: {  	[hbm4b:s28+s4] =	stream.linear.scatter [tilespmem:s29], [sflag:$0x3], $0x40, $0x38;
	[tilespmem:$0x1EA80] =	vst v63  }
0x281: {  	_ =	swait.ge [sflag:s5], $0x40  }
0x282: {  	s30 =	sld [smem:$0x7F9];
	_ =	sdelay $0x2  }
0x283: {  	s31 =	rddreg [dreg:$0x1d];
	s1 =	sadd.s32 $0x1, s30  }
0x284: {  	p0 =	sne.s32 s1, s31  }
.Ltmp8:
0x285: {  	_ = 	snop;
	(pc) =	sbr.rel @p0 .LBB2_1-.Ltmp8, $3  }
0x286: {  	_ =	sdelay $0x1  }
0x287: {  	[sflag:s5] =	ssyncset.done $0x0  }
0x288: {  	[sflag:s5] =	ssyncadd.s32 $0xFFFFFFC0  }
0x289: {  	_ =	sfence.sel $0x180000  }
0x28a: {  	[bflag:$0x0] =	sbarrier.arrive $0xFFFF  }
0x28b: {  	_ =	strace $0x90000047  }
0x28c: {  	s0 =	stileid.u32;
	[bflag:$0x2] =	sbarrier.arrive $0xFFFF  }
0x28d: {  	p0 =	sne.s32 s0, $0x0;
	s0 =	rddreg [dreg:$0x5]  }
0x28e: {  	s0 =	sadd.s32 @!p0 $0x100000, s0  }
0x28f: {  	[sflag:s0] =	ssyncadd.tile.s32 @!p0 $0x1;
	_ =	shalt  }
.Lfunc_end2:
_tile_overlayer_lowered:
.L_overlay_start_2:
0x290: {  	(tag) =	ssettag $0x2  }
0x291: {  	s0 =	rddreg [dreg:$0x0];
	s2 =	stileid.u32  }
0x292: {  	s1 =	rddreg [dreg:$0x1];
	p0 =	sne.s32 s2, $0x0  }
0x293: {  	s3 =	rddreg [dreg:$0x2];
	[bflag:$0x3] =	sbarrier.arrive $0xFFFF;
	s2 =	simm.s32 @!p0 $0x1C03  }
0x294: {  	[timem:s3], [sflag:s2] =	dma.local @!p0 [hbm:s0], s1  }
0x295: {  	s0 =	simm.s32 @!p0 $0x3  }
0x296: {  	_ =	swait.ge @!p0 [sflag:s0], s1  }
0x297: {  	s1 =	ssub.s32 @!p0 $0x0, s1;
	[sflag:s0] =	ssyncset.done @!p0 $0x0  }
0x298: {  	[sflag:s0] =	ssyncadd.s32 @!p0 s1  }
0x299: {  	[bflag:$0x3] =	sbarrier.arrive $0xFFFF  }
0x29a: {  	_ =	shalt  }

</sc_bundles>
